<compile_context>
chip_gen: v7x
topology: tpu7x:2x2x1
jax: 0.10.2.dev20260603
libtpu: 0.0.44.dev20260713+nightly
codegen_flags: <defaults>
</compile_context>

<pallas_src>
import functools

import jax
import jax.numpy as jnp
import numpy as np
from jax import lax
from jax.experimental import pallas as pl
from jax.experimental.pallas import tpu as pltpu
from jax.experimental.pallas import tpu_sc as plsc

KNN = 16
NB = 256
F32_MIN = float(jnp.finfo(jnp.float32).min)


NBK = 512


def _knn_kernel(pc_ref, pcfull_ref, pcT_ref, idx_ref):
    b = pl.program_id(0)
    N = pcT_ref.shape[2]

    pc_all = pcT_ref[0]
    xyz_blk = pc_ref[0, :, 0:3]
    xyz_all = pcfull_ref[0, :, 0:3]

    inner = lax.dot_general(xyz_blk, xyz_all, (((1,), (1,)), ((), ())),
                            preferred_element_type=jnp.float32)

    sq_all = (pc_all[0:1, :] * pc_all[0:1, :] + pc_all[1:2, :] * pc_all[1:2, :]) \
        + pc_all[2:3, :] * pc_all[2:3, :]
    sq_blk = (xyz_blk[:, 0:1] * xyz_blk[:, 0:1] + xyz_blk[:, 1:2] * xyz_blk[:, 1:2]) \
        + xyz_blk[:, 2:3] * xyz_blk[:, 2:3]

    neg = -((sq_blk - 2.0 * inner) + sq_all)
    iota = lax.broadcasted_iota(jnp.int32, (NBK, N), 1)

    for k in range(KNN):
        m = jnp.max(neg, axis=1)
        wins = neg == m[:, None]
        ik = jnp.min(jnp.where(wins, iota, N), axis=1)
        idx_ref[0, :, k] = ik + b * N
        neg = jnp.where(iota == ik[:, None], F32_MIN, neg)


def _run_knn(pc, pcT):
    B, N, _ = pc.shape
    grid = (B, N // NBK)
    return pl.pallas_call(
        _knn_kernel,
        grid=grid,
        in_specs=[
            pl.BlockSpec((1, NBK, 6), lambda b, n: (b, n, 0)),
            pl.BlockSpec((1, N, 6), lambda b, n: (b, 0, 0)),
            pl.BlockSpec((1, 6, N), lambda b, n: (b, 0, 0)),
        ],
        out_specs=pl.BlockSpec((1, NBK, KNN), lambda b, n: (b, n, 0)),
        out_shape=jax.ShapeDtypeStruct((B, N, KNN), jnp.int32),
    )(pc, pc, pcT)


def _taylor_conv1_kernel(g1_ref, pc_ref, S_ref, P_ref, b1r_ref,
                         e_ref, w2_ref, b2_ref, tay_ref, f_ref):
    gflat = g1_ref[0]
    xyz = jax.lax.dot_general(gflat, S_ref[...], (((1,), (0,)), ((), ())),
                              precision=lax.Precision.HIGHEST,
                              preferred_element_type=jnp.float32)
    cx = pc_ref[0, :, 0:1]; cy = pc_ref[0, :, 1:2]; cz = pc_ref[0, :, 2:3]
    X = xyz[:, 0:KNN] - cx
    Y = xyz[:, KNN:2 * KNN] - cy
    Z = xyz[:, 2 * KNN:3 * KNN] - cz
    ones = jnp.ones_like(X)
    XY = X * Y; XZ = X * Z; YZ = Y * Z
    XX = X * X; YY = Y * Y; ZZ = Z * Z
    terms = jnp.concatenate(
        [ones, X, Y, Z, XY, XZ, YZ, XX, YY, ZZ,
         XY * Z, XX * Y, XX * Z, X * YY, YY * Z,
         X * ZZ, Y * ZZ, XX * X, YY * Y, ZZ * Z], axis=1)
    tayflat = jnp.dot(terms, P_ref[...],
                      preferred_element_type=jnp.float32) + b1r_ref[0]
    tay_ref[0] = tayflat
    f_ref[0] = _conv_body(g1_ref[0], tayflat, e_ref, w2_ref, b2_ref)


def _run_taylor_conv1(g1flat, pc, S, P, b1rep, E, w2r3, b2, Cout):
    B, N, _ = pc.shape
    grid = (B, N // NB)
    Cpad = g1flat.shape[2] // KNN
    return pl.pallas_call(
        _taylor_conv1_kernel,
        grid=grid,
        in_specs=[
            pl.BlockSpec((1, NB, KNN * 16), lambda b, n: (b, n, 0)),
            pl.BlockSpec((1, NB, 6), lambda b, n: (b, n, 0)),
            pl.BlockSpec((KNN * 16, 3 * KNN), lambda b, n: (0, 0)),
            pl.BlockSpec((20 * KNN, 12 * KNN), lambda b, n: (0, 0)),
            pl.BlockSpec((1, 12 * KNN), lambda b, n: (0, 0)),
            pl.BlockSpec((3, KNN * 12, KNN * Cpad), lambda b, n: (0, 0, 0)),
            pl.BlockSpec((3, KNN * Cpad, Cout), lambda b, n: (0, 0, 0)),
            pl.BlockSpec((1, Cout), lambda b, n: (0, 0)),
        ],
        out_specs=[
            pl.BlockSpec((1, NB, 12 * KNN), lambda b, n: (b, n, 0)),
            pl.BlockSpec((1, NB, Cout), lambda b, n: (b, n, 0)),
        ],
        out_shape=[
            jax.ShapeDtypeStruct((B, N, 12 * KNN), jnp.float32),
            jax.ShapeDtypeStruct((B, N, Cout), jnp.float32),
        ],
    )(g1flat, pc, S, P, b1rep, E, w2r3, b2)


def _coord_selector():
    S = np.zeros((KNN * 16, 3 * KNN), np.float32)
    for c in range(3):
        for k in range(KNN):
            S[k * 16 + c, c * KNN + k] = 1.0
    return jnp.asarray(S)


def _sc_gather(table, idx_flat):
    R = idx_flat.shape[0]
    C = table.shape[1]
    NW = 32
    per_w = R // NW
    CH = 128
    n_ch = per_w // CH
    idx2d = idx_flat.reshape(R // CH, CH)
    mesh = plsc.VectorSubcoreMesh(core_axis_name="c", subcore_axis_name="s")

    @functools.partial(
        pl.kernel, mesh=mesh,
        out_type=jax.ShapeDtypeStruct((R, C), jnp.float32),
        compiler_params=pltpu.CompilerParams(use_tc_tiling_on_sc=False),
        scratch_types=[
            pltpu.VMEM((n_ch, CH), jnp.int32),
            pltpu.VMEM((CH, C), jnp.float32),
            pltpu.VMEM((CH, C), jnp.float32),
            pltpu.SemaphoreType.DMA,
            pltpu.SemaphoreType.DMA,
        ],
    )
    def k(table_hbm, idx_hbm, out_hbm, idx_v, rows0, rows1, sem0, sem1):
        wid = lax.axis_index("s") * 2 + lax.axis_index("c")
        base = wid * per_w
        pltpu.sync_copy(idx_hbm.at[pl.ds(wid * n_ch, n_ch)], idx_v)
        pltpu.async_copy(table_hbm.at[idx_v.at[0]], rows0, sem0)

        def body(j, carry):
            c0 = 2 * j
            c1 = c0 + 1
            pltpu.async_copy(table_hbm.at[idx_v.at[c1]], rows1, sem1)
            pltpu.make_async_copy(table_hbm.at[idx_v.at[c0]], rows0, sem0).wait()
            pltpu.sync_copy(rows0, out_hbm.at[pl.ds(base + c0 * CH, CH)])

            @pl.when(c0 + 2 < n_ch)
            def _():
                pltpu.async_copy(table_hbm.at[idx_v.at[c0 + 2]], rows0, sem0)

            pltpu.make_async_copy(table_hbm.at[idx_v.at[c1]], rows1, sem1).wait()
            pltpu.sync_copy(rows1, out_hbm.at[pl.ds(base + c1 * CH, CH)])
            return carry

        lax.fori_loop(0, n_ch // 2, body, 0)

    return k(table, idx2d)


def _conv_body(Gflat, tayflat, e_ref, w2_ref, b2_ref):
    acc = None
    for t in range(3):
        texp = jnp.dot(tayflat, e_ref[t],
                       preferred_element_type=jnp.float32)
        y = jnp.dot(Gflat * texp, w2_ref[t],
                    preferred_element_type=jnp.float32)
        acc = y if acc is None else acc + y
    return jnp.maximum(acc + b2_ref[0], 0.0)


def _make_conv_kernel(Cpad):
    def conv_kernel(g_ref, tay_ref, e_ref, w2_ref, b2_ref, out_ref):
        out_ref[0] = _conv_body(g_ref[0], tay_ref[0], e_ref, w2_ref, b2_ref)
    return conv_kernel


def _run_conv(gflat, tay, E, w2r3, b2, B, N, Cout):
    grid = (B, N // NB)
    Cpad = gflat.shape[2] // KNN
    return pl.pallas_call(
        _make_conv_kernel(Cpad),
        grid=grid,
        in_specs=[
            pl.BlockSpec((1, NB, KNN * Cpad), lambda b, n: (b, n, 0)),
            pl.BlockSpec((1, NB, KNN * 12), lambda b, n: (b, n, 0)),
            pl.BlockSpec((3, KNN * 12, KNN * Cpad), lambda b, n: (0, 0, 0)),
            pl.BlockSpec((3, KNN * Cpad, Cout), lambda b, n: (0, 0, 0)),
            pl.BlockSpec((1, Cout), lambda b, n: (0, 0)),
        ],
        out_specs=pl.BlockSpec((1, NB, Cout), lambda b, n: (b, n, 0)),
        out_shape=jax.ShapeDtypeStruct((B, N, Cout), jnp.float32),
    )(gflat, tay, E, w2r3, b2)


def _top2_kernel(cat_ref, out_ref):
    v = cat_ref[0]
    Cc, N = v.shape
    iota = lax.broadcasted_iota(jnp.int32, (Cc, N), 1)
    m1 = jnp.max(v, axis=1)
    wins = v == m1[:, None]
    n1 = jnp.min(jnp.where(wins, iota, N), axis=1)
    m2 = jnp.max(jnp.where(iota == n1[:, None], F32_MIN, v), axis=1)
    out_ref[0, :, 0] = m1
    out_ref[0, :, 1] = m2


def _run_top2(cat):
    B, Cc, N = cat.shape
    return pl.pallas_call(
        _top2_kernel,
        grid=(B,),
        in_specs=[pl.BlockSpec((1, Cc, N), lambda b: (b, 0, 0))],
        out_specs=pl.BlockSpec((1, Cc, 2), lambda b: (b, 0, 0)),
        out_shape=jax.ShapeDtypeStruct((B, Cc, 2), jnp.float32),
    )(cat)


def _w2_rearrange(w2, C, Cpad):
    Cout = w2.shape[0]
    w4 = jnp.transpose(w2.astype(jnp.bfloat16).reshape(Cout, C, 3, KNN),
                       (2, 3, 1, 0))
    w4 = jnp.pad(w4, ((0, 0), (0, 0), (0, Cpad - C), (0, 0)))
    return w4.reshape(3, KNN * Cpad, Cout)


def _expand_mats(layer, Cpad):
    E = np.zeros((3, KNN * 12, KNN * Cpad), np.float32)
    for t in range(3):
        for k in range(KNN):
            E[t, k * 12 + 3 * layer + t, k * Cpad:(k + 1) * Cpad] = 1.0
    return jnp.asarray(E, dtype=jnp.bfloat16)


def _taylor_pattern(w1all):
    eye = jnp.eye(KNN, dtype=jnp.float32)
    P = w1all[:, None, None, :] * eye[None, :, :, None]
    return P.reshape(20 * KNN, 12 * KNN)


def kernel(pc, w1_1, b1_1, w2_1, b2_1, w1_2, b1_2, w2_2, b2_2,
           w1_3, b1_3, w2_3, b2_3, w1_4, b1_4, w2_4, b2_4):
    B, N, _ = pc.shape
    pcT = jnp.transpose(pc, (0, 2, 1))

    w1all = jnp.concatenate([w1_1.T, w1_2.T, w1_3.T, w1_4.T], axis=1)
    b1all = jnp.concatenate([b1_1, b1_2, b1_3, b1_4])[None, :]

    idx_g = _run_knn(pc, pcT)
    idx_flat = idx_g.reshape(B * N * KNN)

    pc_pad = jnp.pad(pc, ((0, 0), (0, 0), (0, 10)))
    g1rows = _sc_gather(pc_pad.reshape(B * N, 16), idx_flat)

    cins = (6, 32, 64, 128)
    couts = (32, 64, 128, 256)
    w2s = (w2_1, w2_2, w2_3, w2_4)
    b2s = (b2_1, b2_2, b2_3, b2_4)

    tay, f1 = _run_taylor_conv1(
        g1rows.reshape(B, N, KNN * 16), pc, _coord_selector(),
        _taylor_pattern(w1all), jnp.tile(b1all[0], KNN)[None, :],
        _expand_mats(0, 16), _w2_rearrange(w2_1, 6, 16),
        b2_1[None, :], couts[0])

    feats = [f1]
    grows = _sc_gather(f1.reshape(B * N, couts[0]), idx_flat)
    for l in range(1, 4):
        C, Cout = cins[l], couts[l]
        Cpad = grows.shape[1]
        w2r3 = _w2_rearrange(w2s[l], C, Cpad)
        E = _expand_mats(l, Cpad)
        gflat = grows.reshape(B, N, KNN * Cpad)
        f = _run_conv(gflat, tay, E, w2r3, b2s[l][None, :], B, N, Cout)
        feats.append(f)
        if l < 3:
            grows = _sc_gather(f.reshape(B * N, Cout), idx_flat)

    cat = jnp.concatenate([jnp.transpose(f, (0, 2, 1)) for f in feats], axis=1)
    top2 = _run_top2(cat)
    return top2.reshape(B, 2 * cat.shape[1]), cat

# --- scband reference (transcript-rebuilt; emitter-appended) ---
"""Pipeline reference for scband-spidercnn-seg-feature-35742717837597 (READ-ONLY COPY).

The authoritative reference and input builder live on the scoring server;
editing this copy changes nothing except your own understanding.
"""

import jax, jax.numpy as jnp
import numpy as np

K_KNN = 16
TAYLOR = 3

def _knn_indices(xyz, k):
    # xyz: B x 3 x N -> idx: B x N x K (k nearest, includes self)
    sq = jnp.sum(xyz * xyz, axis=1)
    inner = jnp.einsum('bci,bcj->bij', xyz, xyz)
    dist = sq[:, :, None] - 2.0 * inner + sq[:, None, :]
    _, idx = jax.lax.top_k(-dist, k)
    return idx

def _group(feat, idx):
    # feat: B x C x N, idx: B x N x K -> B x C x N x K
    return jax.vmap(lambda f, i: f[:, i])(feat, idx)

def _taylor_terms(g):
    # g: B x 3 x N x K -> B x 20 x N x K (order-3 Taylor basis)
    X = g[:, 0]; Y = g[:, 1]; Z = g[:, 2]
    ones = jnp.ones_like(X)
    terms = [ones, X, Y, Z, X * Y, X * Z, Y * Z, X * X, Y * Y, Z * Z,
             X * Y * Z, X * X * Y, X * X * Z, X * Y * Y, Y * Y * Z,
             X * Z * Z, Y * Z * Z, X ** 3, Y ** 3, Z ** 3]
    return jnp.stack(terms, axis=1)

def _spider_conv(feat, idx, terms, w1, b1, w2, b2):
    # conv1 (1x1) over 20 taylor terms -> taylor_channel
    tay = jnp.einsum('oc,bcnk->bonk', w1, terms) + b1[None, :, None, None]
    g = _group(feat, idx)
    B, C, N, K = g.shape
    T = tay.shape[1]
    prod = (g[:, :, None, :, :] * tay[:, None, :, :, :]).reshape(B, C * T, N, K)
    # conv2 with kernel (1, K) collapses neighbor dim
    out = jnp.einsum('ock,bcnk->bon', w2, prod) + b2[None, :, None]
    return jax.nn.relu(out)

def _make_params(key):
    shapes = [(6, 32), (32, 64), (64, 128), (128, 256)]
    params = {}
    for i, (cin, cout) in enumerate(shapes, start=1):
        k1, k2, k3, k4, key = jax.random.split(key, 5)
        params['w1_%d' % i] = jax.random.normal(k1, (TAYLOR, 20), jnp.float32) * 0.1
        params['b1_%d' % i] = jax.random.normal(k2, (TAYLOR,), jnp.float32) * 0.1
        params['w2_%d' % i] = jax.random.normal(k3, (cout, cin * TAYLOR, K_KNN), jnp.float32) * 0.05
        params['b2_%d' % i] = jax.random.normal(k4, (cout,), jnp.float32) * 0.05
    return params

def setup_inputs(seed: int = 0):
    key = jax.random.key(seed)
    kpc, kp = jax.random.split(key)
    inp = {'pc': jax.random.normal(kpc, (2, 2048, 6), jnp.float32)}
    inp.update(_make_params(kp))
    return inp

def reference(pc, w1_1, b1_1, w2_1, b2_1, w1_2, b1_2, w2_2, b2_2,
              w1_3, b1_3, w2_3, b2_3, w1_4, b1_4, w2_4, b2_4):
    pc_t = jnp.transpose(pc, (0, 2, 1))  # B x 6 x N
    xyz = pc_t[:, 0:3, :]
    idx = _knn_indices(xyz, K_KNN)
    grouped_xyz = _group(xyz, idx)
    grouped_pc = grouped_xyz - xyz[:, :, :, None]
    terms = _taylor_terms(grouped_pc)
    f1 = _spider_conv(pc_t, idx, terms, w1_1, b1_1, w2_1, b2_1)
    f2 = _spider_conv(f1, idx, terms, w1_2, b1_2, w2_2, b2_2)
    f3 = _spider_conv(f2, idx, terms, w1_3, b1_3, w2_3, b2_3)
    f4 = _spider_conv(f3, idx, terms, w1_4, b1_4, w2_4, b2_4)
    cat = jnp.concatenate([f1, f2, f3, f4], axis=1)  # B x 480 x N
    top = jax.lax.top_k(cat, 2)[0]  # B x 480 x 2
    return top.reshape(cat.shape[0], -1), cat

if __name__ == "__main__":
    import jax
    _d = setup_inputs()
    print(jax.jit(kernel)(*tuple(_d.values())))

</pallas_src>

<mosaic_0001>
#map = affine_map<(d0, d1) -> (0, 0)>
module attributes {stable_mosaic.version = 14 : i64} {
  func.func @k(%arg0: i32, %arg1: i32, %arg2: memref<4096x16xf32, #tpu.memory_space<hbm>>, %arg3: memref<512x128xi32, #tpu.memory_space<hbm>>, %arg4: memref<65536x16xf32, #tpu.memory_space<hbm>>, %arg5: memref<16x128xi32, #tpu.memory_space<vmem>>, %arg6: memref<128x16xf32, #tpu.memory_space<vmem>>, %arg7: memref<128x16xf32, #tpu.memory_space<vmem>>, %arg8: memref<!tpu.dma_semaphore, #tpu.memory_space<semaphore_mem>>, %arg9: memref<!tpu.dma_semaphore, #tpu.memory_space<semaphore_mem>>) attributes {dimension_semantics = [#tpu.dimension_semantics<core_parallel>, #tpu.dimension_semantics<subcore_parallel>], iteration_bounds = array<i64: 2, 16>, scalar_prefetch = 0 : i64, scratch_operands = 5 : i64, tpu.core_type = #tpu.core_type<sc_vector_subcore>, window_params = [{transform_indices = #map}, {transform_indices = #map}, {transform_indices = #map}]} {
    %mul3A = arith.constant 2 : i32
    %mul3A_0 = arith.muli %arg1, %mul3A : i32
    %add3A = arith.addi %mul3A_0, %arg0 : i32
    %mul3A_1 = arith.constant 2048 : i32
    %mul3A_2 = arith.muli %add3A, %mul3A_1 : i32
    %mul3A_3 = arith.constant 16 : i32
    %mul3A_4 = arith.muli %add3A, %mul3A_3 : i32
    "tpu.region"() ({
      %run_scoped3A = tpu.sem_alloc : memref<!tpu.dma_semaphore, #tpu.memory_space<semaphore_mem>>
      %dma_start3A_16 = arith.constant 0 : i32
      %dma_start3A_17 = tpu.memref_slice %arg3[%mul3A_4, %dma_start3A_16] : memref<512x128xi32, #tpu.memory_space<hbm>> -> memref<16x128xi32, #tpu.memory_space<hbm>>
      %dma_start3A_18 = arith.constant 0 : i32
      %dma_start3A_19 = tpu.memref_slice %arg3[%mul3A_4, %dma_start3A_18] : memref<512x128xi32, #tpu.memory_space<hbm>> -> memref<16x128xi32, #tpu.memory_space<hbm>>
      tpu.enqueue_dma source(%dma_start3A_19 : memref<16x128xi32, #tpu.memory_space<hbm>>) target(%arg5 : memref<16x128xi32, #tpu.memory_space<vmem>>) target_semaphore(%run_scoped3A : memref<!tpu.dma_semaphore, #tpu.memory_space<semaphore_mem>>)
      %dma_wait3A = arith.constant 0 : i32
      %dma_wait3A_20 = tpu.memref_slice %arg3[%mul3A_4, %dma_wait3A] : memref<512x128xi32, #tpu.memory_space<hbm>> -> memref<16x128xi32, #tpu.memory_space<hbm>>
      %dma_wait3A_21 = arith.constant 0 : i32
      %dma_wait3A_22 = tpu.memref_slice %arg3[%mul3A_4, %dma_wait3A_21] : memref<512x128xi32, #tpu.memory_space<hbm>> -> memref<16x128xi32, #tpu.memory_space<hbm>>
      tpu.wait_dma2 semaphore(%run_scoped3A : memref<!tpu.dma_semaphore, #tpu.memory_space<semaphore_mem>>) src(%dma_wait3A_22 : memref<16x128xi32, #tpu.memory_space<hbm>>) dst(%arg5 : memref<16x128xi32, #tpu.memory_space<vmem>>)
      tpu.yield
    }) : () -> ()
    %dma_start3A = arith.constant 0 : i32
    %dma_start3A_5 = arith.constant 0 : i32
    %dma_start3A_6 = tpu.memref_slice %arg5[%dma_start3A, %dma_start3A_5] : memref<16x128xi32, #tpu.memory_space<vmem>> -> memref<1x128xi32, #tpu.memory_space<vmem>>
    %dma_start3A_7 = tpu.memref_squeeze %dma_start3A_6 : memref<1x128xi32, #tpu.memory_space<vmem>> -> memref<128xi32, #tpu.memory_space<vmem>>
    %dma_start3A_8 = arith.constant 0 : i32
    %dma_start3A_9 = arith.constant 0 : i32
    %dma_start3A_10 = tpu.memref_slice %arg2[%dma_start3A_8, %dma_start3A_9] : memref<4096x16xf32, #tpu.memory_space<hbm>> -> memref<4096x16xf32, #tpu.memory_space<hbm>>
    tpu.enqueue_indirect_dma source(%dma_start3A_10 : memref<4096x16xf32, #tpu.memory_space<hbm>>) target(%arg6 : memref<128x16xf32, #tpu.memory_space<vmem>>) offsets(%dma_start3A_7 : memref<128xi32, #tpu.memory_space<vmem>>) semaphore(%arg8 : memref<!tpu.dma_semaphore, #tpu.memory_space<semaphore_mem>>)
    %scan3A = arith.constant 0 : i32
    %scan3A_11 = arith.constant 0 : i32
    %scan3A_12 = arith.constant 8 : i32
    %scan3A_13 = arith.addi %scan3A_11, %scan3A_12 : i32
    %scan3A_14 = arith.constant 1 : i32
    scf.for %scan3A_16 = %scan3A_11 to %scan3A_13 step %scan3A_14  : i32 {
      %mul3A_17 = arith.constant 2 : i32
      %mul3A_18 = arith.muli %mul3A_17, %scan3A_16 : i32
      %add3A_19 = arith.constant 1 : i32
      %add3A_20 = arith.addi %mul3A_18, %add3A_19 : i32
      %dma_start3A_21 = arith.constant 0 : i32
      %dma_start3A_22 = tpu.memref_slice %arg5[%add3A_20, %dma_start3A_21] : memref<16x128xi32, #tpu.memory_space<vmem>> -> memref<1x128xi32, #tpu.memory_space<vmem>>
      %dma_start3A_23 = tpu.memref_squeeze %dma_start3A_22 : memref<1x128xi32, #tpu.memory_space<vmem>> -> memref<128xi32, #tpu.memory_space<vmem>>
      %dma_start3A_24 = arith.constant 0 : i32
      %dma_start3A_25 = arith.constant 0 : i32
      %dma_start3A_26 = tpu.memref_slice %arg2[%dma_start3A_24, %dma_start3A_25] : memref<4096x16xf32, #tpu.memory_space<hbm>> -> memref<4096x16xf32, #tpu.memory_space<hbm>>
      tpu.enqueue_indirect_dma source(%dma_start3A_26 : memref<4096x16xf32, #tpu.memory_space<hbm>>) target(%arg7 : memref<128x16xf32, #tpu.memory_space<vmem>>) offsets(%dma_start3A_23 : memref<128xi32, #tpu.memory_space<vmem>>) semaphore(%arg9 : memref<!tpu.dma_semaphore, #tpu.memory_space<semaphore_mem>>)
      %dma_wait3A = arith.constant 0 : i32
      %dma_wait3A_27 = tpu.memref_slice %arg5[%mul3A_18, %dma_wait3A] : memref<16x128xi32, #tpu.memory_space<vmem>> -> memref<1x128xi32, #tpu.memory_space<vmem>>
      %dma_wait3A_28 = tpu.memref_squeeze %dma_wait3A_27 : memref<1x128xi32, #tpu.memory_space<vmem>> -> memref<128xi32, #tpu.memory_space<vmem>>
      %dma_wait3A_29 = arith.constant 0 : i32
      %dma_wait3A_30 = arith.constant 0 : i32
      %dma_wait3A_31 = tpu.memref_slice %arg2[%dma_wait3A_29, %dma_wait3A_30] : memref<4096x16xf32, #tpu.memory_space<hbm>> -> memref<4096x16xf32, #tpu.memory_space<hbm>>
      tpu.wait_indirect_dma semaphore(%arg8 : memref<!tpu.dma_semaphore, #tpu.memory_space<semaphore_mem>>) src(%dma_wait3A_31 : memref<4096x16xf32, #tpu.memory_space<hbm>>) dst(%arg6 : memref<128x16xf32, #tpu.memory_space<vmem>>)
      %mul3A_32 = arith.constant 128 : i32
      %mul3A_33 = arith.muli %mul3A_18, %mul3A_32 : i32
      %add3A_34 = arith.addi %mul3A_2, %mul3A_33 : i32
      "tpu.region"() ({
        %run_scoped3A = tpu.sem_alloc : memref<!tpu.dma_semaphore, #tpu.memory_space<semaphore_mem>>
        %dma_start3A_48 = arith.constant 0 : i32
        %dma_start3A_49 = tpu.memref_slice %arg4[%add3A_34, %dma_start3A_48] : memref<65536x16xf32, #tpu.memory_space<hbm>> -> memref<128x16xf32, #tpu.memory_space<hbm>>
        %dma_start3A_50 = arith.constant 0 : i32
        %dma_start3A_51 = tpu.memref_slice %arg4[%add3A_34, %dma_start3A_50] : memref<65536x16xf32, #tpu.memory_space<hbm>> -> memref<128x16xf32, #tpu.memory_space<hbm>>
        tpu.enqueue_dma source(%arg6 : memref<128x16xf32, #tpu.memory_space<vmem>>) target(%dma_start3A_51 : memref<128x16xf32, #tpu.memory_space<hbm>>) target_semaphore(%run_scoped3A : memref<!tpu.dma_semaphore, #tpu.memory_space<semaphore_mem>>)
        %dma_wait3A_52 = arith.constant 0 : i32
        %dma_wait3A_53 = tpu.memref_slice %arg4[%add3A_34, %dma_wait3A_52] : memref<65536x16xf32, #tpu.memory_space<hbm>> -> memref<128x16xf32, #tpu.memory_space<hbm>>
        %dma_wait3A_54 = arith.constant 0 : i32
        %dma_wait3A_55 = tpu.memref_slice %arg4[%add3A_34, %dma_wait3A_54] : memref<65536x16xf32, #tpu.memory_space<hbm>> -> memref<128x16xf32, #tpu.memory_space<hbm>>
        tpu.wait_dma2 semaphore(%run_scoped3A : memref<!tpu.dma_semaphore, #tpu.memory_space<semaphore_mem>>) src(%arg6 : memref<128x16xf32, #tpu.memory_space<vmem>>) dst(%dma_wait3A_55 : memref<128x16xf32, #tpu.memory_space<hbm>>)
        tpu.yield
      }) : () -> ()
      %add3A_35 = arith.constant 2 : i32
      %add3A_36 = arith.addi %mul3A_18, %add3A_35 : i32
      %lt3A = arith.constant 16 : i32
      %lt3A_37 = arith.cmpi slt, %add3A_36, %lt3A : i32
      %convert_element_type3A = arith.extui %lt3A_37 : i1 to i32
      %cond3A = arith.constant 0 : i32
      %cond3A_38 = arith.cmpi ne, %convert_element_type3A, %cond3A : i32
      scf.if %cond3A_38 {
        %add3A_48 = arith.constant 2 : i32
        %add3A_49 = arith.addi %mul3A_18, %add3A_48 : i32
        %dma_start3A_50 = arith.constant 0 : i32
        %dma_start3A_51 = tpu.memref_slice %arg5[%add3A_49, %dma_start3A_50] : memref<16x128xi32, #tpu.memory_space<vmem>> -> memref<1x128xi32, #tpu.memory_space<vmem>>
        %dma_start3A_52 = tpu.memref_squeeze %dma_start3A_51 : memref<1x128xi32, #tpu.memory_space<vmem>> -> memref<128xi32, #tpu.memory_space<vmem>>
        %dma_start3A_53 = arith.constant 0 : i32
        %dma_start3A_54 = arith.constant 0 : i32
        %dma_start3A_55 = tpu.memref_slice %arg2[%dma_start3A_53, %dma_start3A_54] : memref<4096x16xf32, #tpu.memory_space<hbm>> -> memref<4096x16xf32, #tpu.memory_space<hbm>>
        tpu.enqueue_indirect_dma source(%dma_start3A_55 : memref<4096x16xf32, #tpu.memory_space<hbm>>) target(%arg6 : memref<128x16xf32, #tpu.memory_space<vmem>>) offsets(%dma_start3A_52 : memref<128xi32, #tpu.memory_space<vmem>>) semaphore(%arg8 : memref<!tpu.dma_semaphore, #tpu.memory_space<semaphore_mem>>)
      } else {
      }
      %dma_wait3A_39 = arith.constant 0 : i32
      %dma_wait3A_40 = tpu.memref_slice %arg5[%add3A_20, %dma_wait3A_39] : memref<16x128xi32, #tpu.memory_space<vmem>> -> memref<1x128xi32, #tpu.memory_space<vmem>>
      %dma_wait3A_41 = tpu.memref_squeeze %dma_wait3A_40 : memref<1x128xi32, #tpu.memory_space<vmem>> -> memref<128xi32, #tpu.memory_space<vmem>>
      %dma_wait3A_42 = arith.constant 0 : i32
      %dma_wait3A_43 = arith.constant 0 : i32
      %dma_wait3A_44 = tpu.memref_slice %arg2[%dma_wait3A_42, %dma_wait3A_43] : memref<4096x16xf32, #tpu.memory_space<hbm>> -> memref<4096x16xf32, #tpu.memory_space<hbm>>
      tpu.wait_indirect_dma semaphore(%arg9 : memref<!tpu.dma_semaphore, #tpu.memory_space<semaphore_mem>>) src(%dma_wait3A_44 : memref<4096x16xf32, #tpu.memory_space<hbm>>) dst(%arg7 : memref<128x16xf32, #tpu.memory_space<vmem>>)
      %mul3A_45 = arith.constant 128 : i32
      %mul3A_46 = arith.muli %add3A_20, %mul3A_45 : i32
      %add3A_47 = arith.addi %mul3A_2, %mul3A_46 : i32
      "tpu.region"() ({
        %run_scoped3A = tpu.sem_alloc : memref<!tpu.dma_semaphore, #tpu.memory_space<semaphore_mem>>
        %dma_start3A_48 = arith.constant 0 : i32
        %dma_start3A_49 = tpu.memref_slice %arg4[%add3A_47, %dma_start3A_48] : memref<65536x16xf32, #tpu.memory_space<hbm>> -> memref<128x16xf32, #tpu.memory_space<hbm>>
        %dma_start3A_50 = arith.constant 0 : i32
        %dma_start3A_51 = tpu.memref_slice %arg4[%add3A_47, %dma_start3A_50] : memref<65536x16xf32, #tpu.memory_space<hbm>> -> memref<128x16xf32, #tpu.memory_space<hbm>>
        tpu.enqueue_dma source(%arg7 : memref<128x16xf32, #tpu.memory_space<vmem>>) target(%dma_start3A_51 : memref<128x16xf32, #tpu.memory_space<hbm>>) target_semaphore(%run_scoped3A : memref<!tpu.dma_semaphore, #tpu.memory_space<semaphore_mem>>)
        %dma_wait3A_52 = arith.constant 0 : i32
        %dma_wait3A_53 = tpu.memref_slice %arg4[%add3A_47, %dma_wait3A_52] : memref<65536x16xf32, #tpu.memory_space<hbm>> -> memref<128x16xf32, #tpu.memory_space<hbm>>
        %dma_wait3A_54 = arith.constant 0 : i32
        %dma_wait3A_55 = tpu.memref_slice %arg4[%add3A_47, %dma_wait3A_54] : memref<65536x16xf32, #tpu.memory_space<hbm>> -> memref<128x16xf32, #tpu.memory_space<hbm>>
        tpu.wait_dma2 semaphore(%run_scoped3A : memref<!tpu.dma_semaphore, #tpu.memory_space<semaphore_mem>>) src(%arg7 : memref<128x16xf32, #tpu.memory_space<vmem>>) dst(%dma_wait3A_55 : memref<128x16xf32, #tpu.memory_space<hbm>>)
        tpu.yield
      }) : () -> ()
    }
    %scan3A_15 = arith.constant 8 : i32
    return
  }
}

#map = affine_map<(d0, d1) -> (0, 0)>
module attributes {stable_mosaic.version = 14 : i64} {
  func.func @k(%arg0: i32, %arg1: i32, %arg2: memref<4096x32xf32, #tpu.memory_space<hbm>>, %arg3: memref<512x128xi32, #tpu.memory_space<hbm>>, %arg4: memref<65536x32xf32, #tpu.memory_space<hbm>>, %arg5: memref<16x128xi32, #tpu.memory_space<vmem>>, %arg6: memref<128x32xf32, #tpu.memory_space<vmem>>, %arg7: memref<128x32xf32, #tpu.memory_space<vmem>>, %arg8: memref<!tpu.dma_semaphore, #tpu.memory_space<semaphore_mem>>, %arg9: memref<!tpu.dma_semaphore, #tpu.memory_space<semaphore_mem>>) attributes {dimension_semantics = [#tpu.dimension_semantics<core_parallel>, #tpu.dimension_semantics<subcore_parallel>], iteration_bounds = array<i64: 2, 16>, scalar_prefetch = 0 : i64, scratch_operands = 5 : i64, tpu.core_type = #tpu.core_type<sc_vector_subcore>, window_params = [{transform_indices = #map}, {transform_indices = #map}, {transform_indices = #map}]} {
    %mul3A = arith.constant 2 : i32
    %mul3A_0 = arith.muli %arg1, %mul3A : i32
    %add3A = arith.addi %mul3A_0, %arg0 : i32
    %mul3A_1 = arith.constant 2048 : i32
    %mul3A_2 = arith.muli %add3A, %mul3A_1 : i32
    %mul3A_3 = arith.constant 16 : i32
    %mul3A_4 = arith.muli %add3A, %mul3A_3 : i32
    "tpu.region"() ({
      %run_scoped3A = tpu.sem_alloc : memref<!tpu.dma_semaphore, #tpu.memory_space<semaphore_mem>>
      %dma_start3A_16 = arith.constant 0 : i32
      %dma_start3A_17 = tpu.memref_slice %arg3[%mul3A_4, %dma_start3A_16] : memref<512x128xi32, #tpu.memory_space<hbm>> -> memref<16x128xi32, #tpu.memory_space<hbm>>
      %dma_start3A_18 = arith.constant 0 : i32
      %dma_start3A_19 = tpu.memref_slice %arg3[%mul3A_4, %dma_start3A_18] : memref<512x128xi32, #tpu.memory_space<hbm>> -> memref<16x128xi32, #tpu.memory_space<hbm>>
      tpu.enqueue_dma source(%dma_start3A_19 : memref<16x128xi32, #tpu.memory_space<hbm>>) target(%arg5 : memref<16x128xi32, #tpu.memory_space<vmem>>) target_semaphore(%run_scoped3A : memref<!tpu.dma_semaphore, #tpu.memory_space<semaphore_mem>>)
      %dma_wait3A = arith.constant 0 : i32
      %dma_wait3A_20 = tpu.memref_slice %arg3[%mul3A_4, %dma_wait3A] : memref<512x128xi32, #tpu.memory_space<hbm>> -> memref<16x128xi32, #tpu.memory_space<hbm>>
      %dma_wait3A_21 = arith.constant 0 : i32
      %dma_wait3A_22 = tpu.memref_slice %arg3[%mul3A_4, %dma_wait3A_21] : memref<512x128xi32, #tpu.memory_space<hbm>> -> memref<16x128xi32, #tpu.memory_space<hbm>>
      tpu.wait_dma2 semaphore(%run_scoped3A : memref<!tpu.dma_semaphore, #tpu.memory_space<semaphore_mem>>) src(%dma_wait3A_22 : memref<16x128xi32, #tpu.memory_space<hbm>>) dst(%arg5 : memref<16x128xi32, #tpu.memory_space<vmem>>)
      tpu.yield
    }) : () -> ()
    %dma_start3A = arith.constant 0 : i32
    %dma_start3A_5 = arith.constant 0 : i32
    %dma_start3A_6 = tpu.memref_slice %arg5[%dma_start3A, %dma_start3A_5] : memref<16x128xi32, #tpu.memory_space<vmem>> -> memref<1x128xi32, #tpu.memory_space<vmem>>
    %dma_start3A_7 = tpu.memref_squeeze %dma_start3A_6 : memref<1x128xi32, #tpu.memory_space<vmem>> -> memref<128xi32, #tpu.memory_space<vmem>>
    %dma_start3A_8 = arith.constant 0 : i32
    %dma_start3A_9 = arith.constant 0 : i32
    %dma_start3A_10 = tpu.memref_slice %arg2[%dma_start3A_8, %dma_start3A_9] : memref<4096x32xf32, #tpu.memory_space<hbm>> -> memref<4096x32xf32, #tpu.memory_space<hbm>>
    tpu.enqueue_indirect_dma source(%dma_start3A_10 : memref<4096x32xf32, #tpu.memory_space<hbm>>) target(%arg6 : memref<128x32xf32, #tpu.memory_space<vmem>>) offsets(%dma_start3A_7 : memref<128xi32, #tpu.memory_space<vmem>>) semaphore(%arg8 : memref<!tpu.dma_semaphore, #tpu.memory_space<semaphore_mem>>)
    %scan3A = arith.constant 0 : i32
    %scan3A_11 = arith.constant 0 : i32
    %scan3A_12 = arith.constant 8 : i32
    %scan3A_13 = arith.addi %scan3A_11, %scan3A_12 : i32
    %scan3A_14 = arith.constant 1 : i32
    scf.for %scan3A_16 = %scan3A_11 to %scan3A_13 step %scan3A_14  : i32 {
      %mul3A_17 = arith.constant 2 : i32
      %mul3A_18 = arith.muli %mul3A_17, %scan3A_16 : i32
      %add3A_19 = arith.constant 1 : i32
      %add3A_20 = arith.addi %mul3A_18, %add3A_19 : i32
      %dma_start3A_21 = arith.constant 0 : i32
      %dma_start3A_22 = tpu.memref_slice %arg5[%add3A_20, %dma_start3A_21] : memref<16x128xi32, #tpu.memory_space<vmem>> -> memref<1x128xi32, #tpu.memory_space<vmem>>
      %dma_start3A_23 = tpu.memref_squeeze %dma_start3A_22 : memref<1x128xi32, #tpu.memory_space<vmem>> -> memref<128xi32, #tpu.memory_space<vmem>>
      %dma_start3A_24 = arith.constant 0 : i32
      %dma_start3A_25 = arith.constant 0 : i32
      %dma_start3A_26 = tpu.memref_slice %arg2[%dma_start3A_24, %dma_start3A_25] : memref<4096x32xf32, #tpu.memory_space<hbm>> -> memref<4096x32xf32, #tpu.memory_space<hbm>>
      tpu.enqueue_indirect_dma source(%dma_start3A_26 : memref<4096x32xf32, #tpu.memory_space<hbm>>) target(%arg7 : memref<128x32xf32, #tpu.memory_space<vmem>>) offsets(%dma_start3A_23 : memref<128xi32, #tpu.memory_space<vmem>>) semaphore(%arg9 : memref<!tpu.dma_semaphore, #tpu.memory_space<semaphore_mem>>)
      %dma_wait3A = arith.constant 0 : i32
      %dma_wait3A_27 = tpu.memref_slice %arg5[%mul3A_18, %dma_wait3A] : memref<16x128xi32, #tpu.memory_space<vmem>> -> memref<1x128xi32, #tpu.memory_space<vmem>>
      %dma_wait3A_28 = tpu.memref_squeeze %dma_wait3A_27 : memref<1x128xi32, #tpu.memory_space<vmem>> -> memref<128xi32, #tpu.memory_space<vmem>>
      %dma_wait3A_29 = arith.constant 0 : i32
      %dma_wait3A_30 = arith.constant 0 : i32
      %dma_wait3A_31 = tpu.memref_slice %arg2[%dma_wait3A_29, %dma_wait3A_30] : memref<4096x32xf32, #tpu.memory_space<hbm>> -> memref<4096x32xf32, #tpu.memory_space<hbm>>
      tpu.wait_indirect_dma semaphore(%arg8 : memref<!tpu.dma_semaphore, #tpu.memory_space<semaphore_mem>>) src(%dma_wait3A_31 : memref<4096x32xf32, #tpu.memory_space<hbm>>) dst(%arg6 : memref<128x32xf32, #tpu.memory_space<vmem>>)
      %mul3A_32 = arith.constant 128 : i32
      %mul3A_33 = arith.muli %mul3A_18, %mul3A_32 : i32
      %add3A_34 = arith.addi %mul3A_2, %mul3A_33 : i32
      "tpu.region"() ({
        %run_scoped3A = tpu.sem_alloc : memref<!tpu.dma_semaphore, #tpu.memory_space<semaphore_mem>>
        %dma_start3A_48 = arith.constant 0 : i32
        %dma_start3A_49 = tpu.memref_slice %arg4[%add3A_34, %dma_start3A_48] : memref<65536x32xf32, #tpu.memory_space<hbm>> -> memref<128x32xf32, #tpu.memory_space<hbm>>
        %dma_start3A_50 = arith.constant 0 : i32
        %dma_start3A_51 = tpu.memref_slice %arg4[%add3A_34, %dma_start3A_50] : memref<65536x32xf32, #tpu.memory_space<hbm>> -> memref<128x32xf32, #tpu.memory_space<hbm>>
        tpu.enqueue_dma source(%arg6 : memref<128x32xf32, #tpu.memory_space<vmem>>) target(%dma_start3A_51 : memref<128x32xf32, #tpu.memory_space<hbm>>) target_semaphore(%run_scoped3A : memref<!tpu.dma_semaphore, #tpu.memory_space<semaphore_mem>>)
        %dma_wait3A_52 = arith.constant 0 : i32
        %dma_wait3A_53 = tpu.memref_slice %arg4[%add3A_34, %dma_wait3A_52] : memref<65536x32xf32, #tpu.memory_space<hbm>> -> memref<128x32xf32, #tpu.memory_space<hbm>>
        %dma_wait3A_54 = arith.constant 0 : i32
        %dma_wait3A_55 = tpu.memref_slice %arg4[%add3A_34, %dma_wait3A_54] : memref<65536x32xf32, #tpu.memory_space<hbm>> -> memref<128x32xf32, #tpu.memory_space<hbm>>
        tpu.wait_dma2 semaphore(%run_scoped3A : memref<!tpu.dma_semaphore, #tpu.memory_space<semaphore_mem>>) src(%arg6 : memref<128x32xf32, #tpu.memory_space<vmem>>) dst(%dma_wait3A_55 : memref<128x32xf32, #tpu.memory_space<hbm>>)
        tpu.yield
      }) : () -> ()
      %add3A_35 = arith.constant 2 : i32
      %add3A_36 = arith.addi %mul3A_18, %add3A_35 : i32
      %lt3A = arith.constant 16 : i32
      %lt3A_37 = arith.cmpi slt, %add3A_36, %lt3A : i32
      %convert_element_type3A = arith.extui %lt3A_37 : i1 to i32
      %cond3A = arith.constant 0 : i32
      %cond3A_38 = arith.cmpi ne, %convert_element_type3A, %cond3A : i32
      scf.if %cond3A_38 {
        %add3A_48 = arith.constant 2 : i32
        %add3A_49 = arith.addi %mul3A_18, %add3A_48 : i32
        %dma_start3A_50 = arith.constant 0 : i32
        %dma_start3A_51 = tpu.memref_slice %arg5[%add3A_49, %dma_start3A_50] : memref<16x128xi32, #tpu.memory_space<vmem>> -> memref<1x128xi32, #tpu.memory_space<vmem>>
        %dma_start3A_52 = tpu.memref_squeeze %dma_start3A_51 : memref<1x128xi32, #tpu.memory_space<vmem>> -> memref<128xi32, #tpu.memory_space<vmem>>
        %dma_start3A_53 = arith.constant 0 : i32
        %dma_start3A_54 = arith.constant 0 : i32
        %dma_start3A_55 = tpu.memref_slice %arg2[%dma_start3A_53, %dma_start3A_54] : memref<4096x32xf32, #tpu.memory_space<hbm>> -> memref<4096x32xf32, #tpu.memory_space<hbm>>
        tpu.enqueue_indirect_dma source(%dma_start3A_55 : memref<4096x32xf32, #tpu.memory_space<hbm>>) target(%arg6 : memref<128x32xf32, #tpu.memory_space<vmem>>) offsets(%dma_start3A_52 : memref<128xi32, #tpu.memory_space<vmem>>) semaphore(%arg8 : memref<!tpu.dma_semaphore, #tpu.memory_space<semaphore_mem>>)
      } else {
      }
      %dma_wait3A_39 = arith.constant 0 : i32
      %dma_wait3A_40 = tpu.memref_slice %arg5[%add3A_20, %dma_wait3A_39] : memref<16x128xi32, #tpu.memory_space<vmem>> -> memref<1x128xi32, #tpu.memory_space<vmem>>
      %dma_wait3A_41 = tpu.memref_squeeze %dma_wait3A_40 : memref<1x128xi32, #tpu.memory_space<vmem>> -> memref<128xi32, #tpu.memory_space<vmem>>
      %dma_wait3A_42 = arith.constant 0 : i32
      %dma_wait3A_43 = arith.constant 0 : i32
      %dma_wait3A_44 = tpu.memref_slice %arg2[%dma_wait3A_42, %dma_wait3A_43] : memref<4096x32xf32, #tpu.memory_space<hbm>> -> memref<4096x32xf32, #tpu.memory_space<hbm>>
      tpu.wait_indirect_dma semaphore(%arg9 : memref<!tpu.dma_semaphore, #tpu.memory_space<semaphore_mem>>) src(%dma_wait3A_44 : memref<4096x32xf32, #tpu.memory_space<hbm>>) dst(%arg7 : memref<128x32xf32, #tpu.memory_space<vmem>>)
      %mul3A_45 = arith.constant 128 : i32
      %mul3A_46 = arith.muli %add3A_20, %mul3A_45 : i32
      %add3A_47 = arith.addi %mul3A_2, %mul3A_46 : i32
      "tpu.region"() ({
        %run_scoped3A = tpu.sem_alloc : memref<!tpu.dma_semaphore, #tpu.memory_space<semaphore_mem>>
        %dma_start3A_48 = arith.constant 0 : i32
        %dma_start3A_49 = tpu.memref_slice %arg4[%add3A_47, %dma_start3A_48] : memref<65536x32xf32, #tpu.memory_space<hbm>> -> memref<128x32xf32, #tpu.memory_space<hbm>>
        %dma_start3A_50 = arith.constant 0 : i32
        %dma_start3A_51 = tpu.memref_slice %arg4[%add3A_47, %dma_start3A_50] : memref<65536x32xf32, #tpu.memory_space<hbm>> -> memref<128x32xf32, #tpu.memory_space<hbm>>
        tpu.enqueue_dma source(%arg7 : memref<128x32xf32, #tpu.memory_space<vmem>>) target(%dma_start3A_51 : memref<128x32xf32, #tpu.memory_space<hbm>>) target_semaphore(%run_scoped3A : memref<!tpu.dma_semaphore, #tpu.memory_space<semaphore_mem>>)
        %dma_wait3A_52 = arith.constant 0 : i32
        %dma_wait3A_53 = tpu.memref_slice %arg4[%add3A_47, %dma_wait3A_52] : memref<65536x32xf32, #tpu.memory_space<hbm>> -> memref<128x32xf32, #tpu.memory_space<hbm>>
        %dma_wait3A_54 = arith.constant 0 : i32
        %dma_wait3A_55 = tpu.memref_slice %arg4[%add3A_47, %dma_wait3A_54] : memref<65536x32xf32, #tpu.memory_space<hbm>> -> memref<128x32xf32, #tpu.memory_space<hbm>>
        tpu.wait_dma2 semaphore(%run_scoped3A : memref<!tpu.dma_semaphore, #tpu.memory_space<semaphore_mem>>) src(%arg7 : memref<128x32xf32, #tpu.memory_space<vmem>>) dst(%dma_wait3A_55 : memref<128x32xf32, #tpu.memory_space<hbm>>)
        tpu.yield
      }) : () -> ()
    }
    %scan3A_15 = arith.constant 8 : i32
    return
  }
}

#map = affine_map<(d0, d1) -> (0, 0)>
module attributes {stable_mosaic.version = 14 : i64} {
  func.func @k(%arg0: i32, %arg1: i32, %arg2: memref<4096x64xf32, #tpu.memory_space<hbm>>, %arg3: memref<512x128xi32, #tpu.memory_space<hbm>>, %arg4: memref<65536x64xf32, #tpu.memory_space<hbm>>, %arg5: memref<16x128xi32, #tpu.memory_space<vmem>>, %arg6: memref<128x64xf32, #tpu.memory_space<vmem>>, %arg7: memref<128x64xf32, #tpu.memory_space<vmem>>, %arg8: memref<!tpu.dma_semaphore, #tpu.memory_space<semaphore_mem>>, %arg9: memref<!tpu.dma_semaphore, #tpu.memory_space<semaphore_mem>>) attributes {dimension_semantics = [#tpu.dimension_semantics<core_parallel>, #tpu.dimension_semantics<subcore_parallel>], iteration_bounds = array<i64: 2, 16>, scalar_prefetch = 0 : i64, scratch_operands = 5 : i64, tpu.core_type = #tpu.core_type<sc_vector_subcore>, window_params = [{transform_indices = #map}, {transform_indices = #map}, {transform_indices = #map}]} {
    %mul3A = arith.constant 2 : i32
    %mul3A_0 = arith.muli %arg1, %mul3A : i32
    %add3A = arith.addi %mul3A_0, %arg0 : i32
    %mul3A_1 = arith.constant 2048 : i32
    %mul3A_2 = arith.muli %add3A, %mul3A_1 : i32
    %mul3A_3 = arith.constant 16 : i32
    %mul3A_4 = arith.muli %add3A, %mul3A_3 : i32
    "tpu.region"() ({
      %run_scoped3A = tpu.sem_alloc : memref<!tpu.dma_semaphore, #tpu.memory_space<semaphore_mem>>
      %dma_start3A_16 = arith.constant 0 : i32
      %dma_start3A_17 = tpu.memref_slice %arg3[%mul3A_4, %dma_start3A_16] : memref<512x128xi32, #tpu.memory_space<hbm>> -> memref<16x128xi32, #tpu.memory_space<hbm>>
      %dma_start3A_18 = arith.constant 0 : i32
      %dma_start3A_19 = tpu.memref_slice %arg3[%mul3A_4, %dma_start3A_18] : memref<512x128xi32, #tpu.memory_space<hbm>> -> memref<16x128xi32, #tpu.memory_space<hbm>>
      tpu.enqueue_dma source(%dma_start3A_19 : memref<16x128xi32, #tpu.memory_space<hbm>>) target(%arg5 : memref<16x128xi32, #tpu.memory_space<vmem>>) target_semaphore(%run_scoped3A : memref<!tpu.dma_semaphore, #tpu.memory_space<semaphore_mem>>)
      %dma_wait3A = arith.constant 0 : i32
      %dma_wait3A_20 = tpu.memref_slice %arg3[%mul3A_4, %dma_wait3A] : memref<512x128xi32, #tpu.memory_space<hbm>> -> memref<16x128xi32, #tpu.memory_space<hbm>>
      %dma_wait3A_21 = arith.constant 0 : i32
      %dma_wait3A_22 = tpu.memref_slice %arg3[%mul3A_4, %dma_wait3A_21] : memref<512x128xi32, #tpu.memory_space<hbm>> -> memref<16x128xi32, #tpu.memory_space<hbm>>
      tpu.wait_dma2 semaphore(%run_scoped3A : memref<!tpu.dma_semaphore, #tpu.memory_space<semaphore_mem>>) src(%dma_wait3A_22 : memref<16x128xi32, #tpu.memory_space<hbm>>) dst(%arg5 : memref<16x128xi32, #tpu.memory_space<vmem>>)
      tpu.yield
    }) : () -> ()
    %dma_start3A = arith.constant 0 : i32
    %dma_start3A_5 = arith.constant 0 : i32
    %dma_start3A_6 = tpu.memref_slice %arg5[%dma_start3A, %dma_start3A_5] : memref<16x128xi32, #tpu.memory_space<vmem>> -> memref<1x128xi32, #tpu.memory_space<vmem>>
    %dma_start3A_7 = tpu.memref_squeeze %dma_start3A_6 : memref<1x128xi32, #tpu.memory_space<vmem>> -> memref<128xi32, #tpu.memory_space<vmem>>
    %dma_start3A_8 = arith.constant 0 : i32
    %dma_start3A_9 = arith.constant 0 : i32
    %dma_start3A_10 = tpu.memref_slice %arg2[%dma_start3A_8, %dma_start3A_9] : memref<4096x64xf32, #tpu.memory_space<hbm>> -> memref<4096x64xf32, #tpu.memory_space<hbm>>
    tpu.enqueue_indirect_dma source(%dma_start3A_10 : memref<4096x64xf32, #tpu.memory_space<hbm>>) target(%arg6 : memref<128x64xf32, #tpu.memory_space<vmem>>) offsets(%dma_start3A_7 : memref<128xi32, #tpu.memory_space<vmem>>) semaphore(%arg8 : memref<!tpu.dma_semaphore, #tpu.memory_space<semaphore_mem>>)
    %scan3A = arith.constant 0 : i32
    %scan3A_11 = arith.constant 0 : i32
    %scan3A_12 = arith.constant 8 : i32
    %scan3A_13 = arith.addi %scan3A_11, %scan3A_12 : i32
    %scan3A_14 = arith.constant 1 : i32
    scf.for %scan3A_16 = %scan3A_11 to %scan3A_13 step %scan3A_14  : i32 {
      %mul3A_17 = arith.constant 2 : i32
      %mul3A_18 = arith.muli %mul3A_17, %scan3A_16 : i32
      %add3A_19 = arith.constant 1 : i32
      %add3A_20 = arith.addi %mul3A_18, %add3A_19 : i32
      %dma_start3A_21 = arith.constant 0 : i32
      %dma_start3A_22 = tpu.memref_slice %arg5[%add3A_20, %dma_start3A_21] : memref<16x128xi32, #tpu.memory_space<vmem>> -> memref<1x128xi32, #tpu.memory_space<vmem>>
      %dma_start3A_23 = tpu.memref_squeeze %dma_start3A_22 : memref<1x128xi32, #tpu.memory_space<vmem>> -> memref<128xi32, #tpu.memory_space<vmem>>
      %dma_start3A_24 = arith.constant 0 : i32
      %dma_start3A_25 = arith.constant 0 : i32
      %dma_start3A_26 = tpu.memref_slice %arg2[%dma_start3A_24, %dma_start3A_25] : memref<4096x64xf32, #tpu.memory_space<hbm>> -> memref<4096x64xf32, #tpu.memory_space<hbm>>
      tpu.enqueue_indirect_dma source(%dma_start3A_26 : memref<4096x64xf32, #tpu.memory_space<hbm>>) target(%arg7 : memref<128x64xf32, #tpu.memory_space<vmem>>) offsets(%dma_start3A_23 : memref<128xi32, #tpu.memory_space<vmem>>) semaphore(%arg9 : memref<!tpu.dma_semaphore, #tpu.memory_space<semaphore_mem>>)
      %dma_wait3A = arith.constant 0 : i32
      %dma_wait3A_27 = tpu.memref_slice %arg5[%mul3A_18, %dma_wait3A] : memref<16x128xi32, #tpu.memory_space<vmem>> -> memref<1x128xi32, #tpu.memory_space<vmem>>
      %dma_wait3A_28 = tpu.memref_squeeze %dma_wait3A_27 : memref<1x128xi32, #tpu.memory_space<vmem>> -> memref<128xi32, #tpu.memory_space<vmem>>
      %dma_wait3A_29 = arith.constant 0 : i32
      %dma_wait3A_30 = arith.constant 0 : i32
      %dma_wait3A_31 = tpu.memref_slice %arg2[%dma_wait3A_29, %dma_wait3A_30] : memref<4096x64xf32, #tpu.memory_space<hbm>> -> memref<4096x64xf32, #tpu.memory_space<hbm>>
      tpu.wait_indirect_dma semaphore(%arg8 : memref<!tpu.dma_semaphore, #tpu.memory_space<semaphore_mem>>) src(%dma_wait3A_31 : memref<4096x64xf32, #tpu.memory_space<hbm>>) dst(%arg6 : memref<128x64xf32, #tpu.memory_space<vmem>>)
      %mul3A_32 = arith.constant 128 : i32
      %mul3A_33 = arith.muli %mul3A_18, %mul3A_32 : i32
      %add3A_34 = arith.addi %mul3A_2, %mul3A_33 : i32
      "tpu.region"() ({
        %run_scoped3A = tpu.sem_alloc : memref<!tpu.dma_semaphore, #tpu.memory_space<semaphore_mem>>
        %dma_start3A_48 = arith.constant 0 : i32
        %dma_start3A_49 = tpu.memref_slice %arg4[%add3A_34, %dma_start3A_48] : memref<65536x64xf32, #tpu.memory_space<hbm>> -> memref<128x64xf32, #tpu.memory_space<hbm>>
        %dma_start3A_50 = arith.constant 0 : i32
        %dma_start3A_51 = tpu.memref_slice %arg4[%add3A_34, %dma_start3A_50] : memref<65536x64xf32, #tpu.memory_space<hbm>> -> memref<128x64xf32, #tpu.memory_space<hbm>>
        tpu.enqueue_dma source(%arg6 : memref<128x64xf32, #tpu.memory_space<vmem>>) target(%dma_start3A_51 : memref<128x64xf32, #tpu.memory_space<hbm>>) target_semaphore(%run_scoped3A : memref<!tpu.dma_semaphore, #tpu.memory_space<semaphore_mem>>)
        %dma_wait3A_52 = arith.constant 0 : i32
        %dma_wait3A_53 = tpu.memref_slice %arg4[%add3A_34, %dma_wait3A_52] : memref<65536x64xf32, #tpu.memory_space<hbm>> -> memref<128x64xf32, #tpu.memory_space<hbm>>
        %dma_wait3A_54 = arith.constant 0 : i32
        %dma_wait3A_55 = tpu.memref_slice %arg4[%add3A_34, %dma_wait3A_54] : memref<65536x64xf32, #tpu.memory_space<hbm>> -> memref<128x64xf32, #tpu.memory_space<hbm>>
        tpu.wait_dma2 semaphore(%run_scoped3A : memref<!tpu.dma_semaphore, #tpu.memory_space<semaphore_mem>>) src(%arg6 : memref<128x64xf32, #tpu.memory_space<vmem>>) dst(%dma_wait3A_55 : memref<128x64xf32, #tpu.memory_space<hbm>>)
        tpu.yield
      }) : () -> ()
      %add3A_35 = arith.constant 2 : i32
      %add3A_36 = arith.addi %mul3A_18, %add3A_35 : i32
      %lt3A = arith.constant 16 : i32
      %lt3A_37 = arith.cmpi slt, %add3A_36, %lt3A : i32
      %convert_element_type3A = arith.extui %lt3A_37 : i1 to i32
      %cond3A = arith.constant 0 : i32
      %cond3A_38 = arith.cmpi ne, %convert_element_type3A, %cond3A : i32
      scf.if %cond3A_38 {
        %add3A_48 = arith.constant 2 : i32
        %add3A_49 = arith.addi %mul3A_18, %add3A_48 : i32
        %dma_start3A_50 = arith.constant 0 : i32
        %dma_start3A_51 = tpu.memref_slice %arg5[%add3A_49, %dma_start3A_50] : memref<16x128xi32, #tpu.memory_space<vmem>> -> memref<1x128xi32, #tpu.memory_space<vmem>>
        %dma_start3A_52 = tpu.memref_squeeze %dma_start3A_51 : memref<1x128xi32, #tpu.memory_space<vmem>> -> memref<128xi32, #tpu.memory_space<vmem>>
        %dma_start3A_53 = arith.constant 0 : i32
        %dma_start3A_54 = arith.constant 0 : i32
        %dma_start3A_55 = tpu.memref_slice %arg2[%dma_start3A_53, %dma_start3A_54] : memref<4096x64xf32, #tpu.memory_space<hbm>> -> memref<4096x64xf32, #tpu.memory_space<hbm>>
        tpu.enqueue_indirect_dma source(%dma_start3A_55 : memref<4096x64xf32, #tpu.memory_space<hbm>>) target(%arg6 : memref<128x64xf32, #tpu.memory_space<vmem>>) offsets(%dma_start3A_52 : memref<128xi32, #tpu.memory_space<vmem>>) semaphore(%arg8 : memref<!tpu.dma_semaphore, #tpu.memory_space<semaphore_mem>>)
      } else {
      }
      %dma_wait3A_39 = arith.constant 0 : i32
      %dma_wait3A_40 = tpu.memref_slice %arg5[%add3A_20, %dma_wait3A_39] : memref<16x128xi32, #tpu.memory_space<vmem>> -> memref<1x128xi32, #tpu.memory_space<vmem>>
      %dma_wait3A_41 = tpu.memref_squeeze %dma_wait3A_40 : memref<1x128xi32, #tpu.memory_space<vmem>> -> memref<128xi32, #tpu.memory_space<vmem>>
      %dma_wait3A_42 = arith.constant 0 : i32
      %dma_wait3A_43 = arith.constant 0 : i32
      %dma_wait3A_44 = tpu.memref_slice %arg2[%dma_wait3A_42, %dma_wait3A_43] : memref<4096x64xf32, #tpu.memory_space<hbm>> -> memref<4096x64xf32, #tpu.memory_space<hbm>>
      tpu.wait_indirect_dma semaphore(%arg9 : memref<!tpu.dma_semaphore, #tpu.memory_space<semaphore_mem>>) src(%dma_wait3A_44 : memref<4096x64xf32, #tpu.memory_space<hbm>>) dst(%arg7 : memref<128x64xf32, #tpu.memory_space<vmem>>)
      %mul3A_45 = arith.constant 128 : i32
      %mul3A_46 = arith.muli %add3A_20, %mul3A_45 : i32
      %add3A_47 = arith.addi %mul3A_2, %mul3A_46 : i32
      "tpu.region"() ({
        %run_scoped3A = tpu.sem_alloc : memref<!tpu.dma_semaphore, #tpu.memory_space<semaphore_mem>>
        %dma_start3A_48 = arith.constant 0 : i32
        %dma_start3A_49 = tpu.memref_slice %arg4[%add3A_47, %dma_start3A_48] : memref<65536x64xf32, #tpu.memory_space<hbm>> -> memref<128x64xf32, #tpu.memory_space<hbm>>
        %dma_start3A_50 = arith.constant 0 : i32
        %dma_start3A_51 = tpu.memref_slice %arg4[%add3A_47, %dma_start3A_50] : memref<65536x64xf32, #tpu.memory_space<hbm>> -> memref<128x64xf32, #tpu.memory_space<hbm>>
        tpu.enqueue_dma source(%arg7 : memref<128x64xf32, #tpu.memory_space<vmem>>) target(%dma_start3A_51 : memref<128x64xf32, #tpu.memory_space<hbm>>) target_semaphore(%run_scoped3A : memref<!tpu.dma_semaphore, #tpu.memory_space<semaphore_mem>>)
        %dma_wait3A_52 = arith.constant 0 : i32
        %dma_wait3A_53 = tpu.memref_slice %arg4[%add3A_47, %dma_wait3A_52] : memref<65536x64xf32, #tpu.memory_space<hbm>> -> memref<128x64xf32, #tpu.memory_space<hbm>>
        %dma_wait3A_54 = arith.constant 0 : i32
        %dma_wait3A_55 = tpu.memref_slice %arg4[%add3A_47, %dma_wait3A_54] : memref<65536x64xf32, #tpu.memory_space<hbm>> -> memref<128x64xf32, #tpu.memory_space<hbm>>
        tpu.wait_dma2 semaphore(%run_scoped3A : memref<!tpu.dma_semaphore, #tpu.memory_space<semaphore_mem>>) src(%arg7 : memref<128x64xf32, #tpu.memory_space<vmem>>) dst(%dma_wait3A_55 : memref<128x64xf32, #tpu.memory_space<hbm>>)
        tpu.yield
      }) : () -> ()
    }
    %scan3A_15 = arith.constant 8 : i32
    return
  }
}

#map = affine_map<(d0, d1) -> (0, 0)>
module attributes {stable_mosaic.version = 14 : i64} {
  func.func @k(%arg0: i32, %arg1: i32, %arg2: memref<4096x128xf32, #tpu.memory_space<hbm>>, %arg3: memref<512x128xi32, #tpu.memory_space<hbm>>, %arg4: memref<65536x128xf32, #tpu.memory_space<hbm>>, %arg5: memref<16x128xi32, #tpu.memory_space<vmem>>, %arg6: memref<128x128xf32, #tpu.memory_space<vmem>>, %arg7: memref<128x128xf32, #tpu.memory_space<vmem>>, %arg8: memref<!tpu.dma_semaphore, #tpu.memory_space<semaphore_mem>>, %arg9: memref<!tpu.dma_semaphore, #tpu.memory_space<semaphore_mem>>) attributes {dimension_semantics = [#tpu.dimension_semantics<core_parallel>, #tpu.dimension_semantics<subcore_parallel>], iteration_bounds = array<i64: 2, 16>, scalar_prefetch = 0 : i64, scratch_operands = 5 : i64, tpu.core_type = #tpu.core_type<sc_vector_subcore>, window_params = [{transform_indices = #map}, {transform_indices = #map}, {transform_indices = #map}]} {
    %mul3A = arith.constant 2 : i32
    %mul3A_0 = arith.muli %arg1, %mul3A : i32
    %add3A = arith.addi %mul3A_0, %arg0 : i32
    %mul3A_1 = arith.constant 2048 : i32
    %mul3A_2 = arith.muli %add3A, %mul3A_1 : i32
    %mul3A_3 = arith.constant 16 : i32
    %mul3A_4 = arith.muli %add3A, %mul3A_3 : i32
    "tpu.region"() ({
      %run_scoped3A = tpu.sem_alloc : memref<!tpu.dma_semaphore, #tpu.memory_space<semaphore_mem>>
      %dma_start3A_16 = arith.constant 0 : i32
      %dma_start3A_17 = tpu.memref_slice %arg3[%mul3A_4, %dma_start3A_16] : memref<512x128xi32, #tpu.memory_space<hbm>> -> memref<16x128xi32, #tpu.memory_space<hbm>>
      %dma_start3A_18 = arith.constant 0 : i32
      %dma_start3A_19 = tpu.memref_slice %arg3[%mul3A_4, %dma_start3A_18] : memref<512x128xi32, #tpu.memory_space<hbm>> -> memref<16x128xi32, #tpu.memory_space<hbm>>
      tpu.enqueue_dma source(%dma_start3A_19 : memref<16x128xi32, #tpu.memory_space<hbm>>) target(%arg5 : memref<16x128xi32, #tpu.memory_space<vmem>>) target_semaphore(%run_scoped3A : memref<!tpu.dma_semaphore, #tpu.memory_space<semaphore_mem>>)
      %dma_wait3A = arith.constant 0 : i32
      %dma_wait3A_20 = tpu.memref_slice %arg3[%mul3A_4, %dma_wait3A] : memref<512x128xi32, #tpu.memory_space<hbm>> -> memref<16x128xi32, #tpu.memory_space<hbm>>
      %dma_wait3A_21 = arith.constant 0 : i32
      %dma_wait3A_22 = tpu.memref_slice %arg3[%mul3A_4, %dma_wait3A_21] : memref<512x128xi32, #tpu.memory_space<hbm>> -> memref<16x128xi32, #tpu.memory_space<hbm>>
      tpu.wait_dma2 semaphore(%run_scoped3A : memref<!tpu.dma_semaphore, #tpu.memory_space<semaphore_mem>>) src(%dma_wait3A_22 : memref<16x128xi32, #tpu.memory_space<hbm>>) dst(%arg5 : memref<16x128xi32, #tpu.memory_space<vmem>>)
      tpu.yield
    }) : () -> ()
    %dma_start3A = arith.constant 0 : i32
    %dma_start3A_5 = arith.constant 0 : i32
    %dma_start3A_6 = tpu.memref_slice %arg5[%dma_start3A, %dma_start3A_5] : memref<16x128xi32, #tpu.memory_space<vmem>> -> memref<1x128xi32, #tpu.memory_space<vmem>>
    %dma_start3A_7 = tpu.memref_squeeze %dma_start3A_6 : memref<1x128xi32, #tpu.memory_space<vmem>> -> memref<128xi32, #tpu.memory_space<vmem>>
    %dma_start3A_8 = arith.constant 0 : i32
    %dma_start3A_9 = arith.constant 0 : i32
    %dma_start3A_10 = tpu.memref_slice %arg2[%dma_start3A_8, %dma_start3A_9] : memref<4096x128xf32, #tpu.memory_space<hbm>> -> memref<4096x128xf32, #tpu.memory_space<hbm>>
    tpu.enqueue_indirect_dma source(%dma_start3A_10 : memref<4096x128xf32, #tpu.memory_space<hbm>>) target(%arg6 : memref<128x128xf32, #tpu.memory_space<vmem>>) offsets(%dma_start3A_7 : memref<128xi32, #tpu.memory_space<vmem>>) semaphore(%arg8 : memref<!tpu.dma_semaphore, #tpu.memory_space<semaphore_mem>>)
    %scan3A = arith.constant 0 : i32
    %scan3A_11 = arith.constant 0 : i32
    %scan3A_12 = arith.constant 8 : i32
    %scan3A_13 = arith.addi %scan3A_11, %scan3A_12 : i32
    %scan3A_14 = arith.constant 1 : i32
    scf.for %scan3A_16 = %scan3A_11 to %scan3A_13 step %scan3A_14  : i32 {
      %mul3A_17 = arith.constant 2 : i32
      %mul3A_18 = arith.muli %mul3A_17, %scan3A_16 : i32
      %add3A_19 = arith.constant 1 : i32
      %add3A_20 = arith.addi %mul3A_18, %add3A_19 : i32
      %dma_start3A_21 = arith.constant 0 : i32
      %dma_start3A_22 = tpu.memref_slice %arg5[%add3A_20, %dma_start3A_21] : memref<16x128xi32, #tpu.memory_space<vmem>> -> memref<1x128xi32, #tpu.memory_space<vmem>>
      %dma_start3A_23 = tpu.memref_squeeze %dma_start3A_22 : memref<1x128xi32, #tpu.memory_space<vmem>> -> memref<128xi32, #tpu.memory_space<vmem>>
      %dma_start3A_24 = arith.constant 0 : i32
      %dma_start3A_25 = arith.constant 0 : i32
      %dma_start3A_26 = tpu.memref_slice %arg2[%dma_start3A_24, %dma_start3A_25] : memref<4096x128xf32, #tpu.memory_space<hbm>> -> memref<4096x128xf32, #tpu.memory_space<hbm>>
      tpu.enqueue_indirect_dma source(%dma_start3A_26 : memref<4096x128xf32, #tpu.memory_space<hbm>>) target(%arg7 : memref<128x128xf32, #tpu.memory_space<vmem>>) offsets(%dma_start3A_23 : memref<128xi32, #tpu.memory_space<vmem>>) semaphore(%arg9 : memref<!tpu.dma_semaphore, #tpu.memory_space<semaphore_mem>>)
      %dma_wait3A = arith.constant 0 : i32
      %dma_wait3A_27 = tpu.memref_slice %arg5[%mul3A_18, %dma_wait3A] : memref<16x128xi32, #tpu.memory_space<vmem>> -> memref<1x128xi32, #tpu.memory_space<vmem>>
      %dma_wait3A_28 = tpu.memref_squeeze %dma_wait3A_27 : memref<1x128xi32, #tpu.memory_space<vmem>> -> memref<128xi32, #tpu.memory_space<vmem>>
      %dma_wait3A_29 = arith.constant 0 : i32
      %dma_wait3A_30 = arith.constant 0 : i32
      %dma_wait3A_31 = tpu.memref_slice %arg2[%dma_wait3A_29, %dma_wait3A_30] : memref<4096x128xf32, #tpu.memory_space<hbm>> -> memref<4096x128xf32, #tpu.memory_space<hbm>>
      tpu.wait_indirect_dma semaphore(%arg8 : memref<!tpu.dma_semaphore, #tpu.memory_space<semaphore_mem>>) src(%dma_wait3A_31 : memref<4096x128xf32, #tpu.memory_space<hbm>>) dst(%arg6 : memref<128x128xf32, #tpu.memory_space<vmem>>)
      %mul3A_32 = arith.constant 128 : i32
      %mul3A_33 = arith.muli %mul3A_18, %mul3A_32 : i32
      %add3A_34 = arith.addi %mul3A_2, %mul3A_33 : i32
      "tpu.region"() ({
        %run_scoped3A = tpu.sem_alloc : memref<!tpu.dma_semaphore, #tpu.memory_space<semaphore_mem>>
        %dma_start3A_48 = arith.constant 0 : i32
        %dma_start3A_49 = tpu.memref_slice %arg4[%add3A_34, %dma_start3A_48] : memref<65536x128xf32, #tpu.memory_space<hbm>> -> memref<128x128xf32, #tpu.memory_space<hbm>>
        %dma_start3A_50 = arith.constant 0 : i32
        %dma_start3A_51 = tpu.memref_slice %arg4[%add3A_34, %dma_start3A_50] : memref<65536x128xf32, #tpu.memory_space<hbm>> -> memref<128x128xf32, #tpu.memory_space<hbm>>
        tpu.enqueue_dma source(%arg6 : memref<128x128xf32, #tpu.memory_space<vmem>>) target(%dma_start3A_51 : memref<128x128xf32, #tpu.memory_space<hbm>>) target_semaphore(%run_scoped3A : memref<!tpu.dma_semaphore, #tpu.memory_space<semaphore_mem>>)
        %dma_wait3A_52 = arith.constant 0 : i32
        %dma_wait3A_53 = tpu.memref_slice %arg4[%add3A_34, %dma_wait3A_52] : memref<65536x128xf32, #tpu.memory_space<hbm>> -> memref<128x128xf32, #tpu.memory_space<hbm>>
        %dma_wait3A_54 = arith.constant 0 : i32
        %dma_wait3A_55 = tpu.memref_slice %arg4[%add3A_34, %dma_wait3A_54] : memref<65536x128xf32, #tpu.memory_space<hbm>> -> memref<128x128xf32, #tpu.memory_space<hbm>>
        tpu.wait_dma2 semaphore(%run_scoped3A : memref<!tpu.dma_semaphore, #tpu.memory_space<semaphore_mem>>) src(%arg6 : memref<128x128xf32, #tpu.memory_space<vmem>>) dst(%dma_wait3A_55 : memref<128x128xf32, #tpu.memory_space<hbm>>)
        tpu.yield
      }) : () -> ()
      %add3A_35 = arith.constant 2 : i32
      %add3A_36 = arith.addi %mul3A_18, %add3A_35 : i32
      %lt3A = arith.constant 16 : i32
      %lt3A_37 = arith.cmpi slt, %add3A_36, %lt3A : i32
      %convert_element_type3A = arith.extui %lt3A_37 : i1 to i32
      %cond3A = arith.constant 0 : i32
      %cond3A_38 = arith.cmpi ne, %convert_element_type3A, %cond3A : i32
      scf.if %cond3A_38 {
        %add3A_48 = arith.constant 2 : i32
        %add3A_49 = arith.addi %mul3A_18, %add3A_48 : i32
        %dma_start3A_50 = arith.constant 0 : i32
        %dma_start3A_51 = tpu.memref_slice %arg5[%add3A_49, %dma_start3A_50] : memref<16x128xi32, #tpu.memory_space<vmem>> -> memref<1x128xi32, #tpu.memory_space<vmem>>
        %dma_start3A_52 = tpu.memref_squeeze %dma_start3A_51 : memref<1x128xi32, #tpu.memory_space<vmem>> -> memref<128xi32, #tpu.memory_space<vmem>>
        %dma_start3A_53 = arith.constant 0 : i32
        %dma_start3A_54 = arith.constant 0 : i32
        %dma_start3A_55 = tpu.memref_slice %arg2[%dma_start3A_53, %dma_start3A_54] : memref<4096x128xf32, #tpu.memory_space<hbm>> -> memref<4096x128xf32, #tpu.memory_space<hbm>>
        tpu.enqueue_indirect_dma source(%dma_start3A_55 : memref<4096x128xf32, #tpu.memory_space<hbm>>) target(%arg6 : memref<128x128xf32, #tpu.memory_space<vmem>>) offsets(%dma_start3A_52 : memref<128xi32, #tpu.memory_space<vmem>>) semaphore(%arg8 : memref<!tpu.dma_semaphore, #tpu.memory_space<semaphore_mem>>)
      } else {
      }
      %dma_wait3A_39 = arith.constant 0 : i32
      %dma_wait3A_40 = tpu.memref_slice %arg5[%add3A_20, %dma_wait3A_39] : memref<16x128xi32, #tpu.memory_space<vmem>> -> memref<1x128xi32, #tpu.memory_space<vmem>>
      %dma_wait3A_41 = tpu.memref_squeeze %dma_wait3A_40 : memref<1x128xi32, #tpu.memory_space<vmem>> -> memref<128xi32, #tpu.memory_space<vmem>>
      %dma_wait3A_42 = arith.constant 0 : i32
      %dma_wait3A_43 = arith.constant 0 : i32
      %dma_wait3A_44 = tpu.memref_slice %arg2[%dma_wait3A_42, %dma_wait3A_43] : memref<4096x128xf32, #tpu.memory_space<hbm>> -> memref<4096x128xf32, #tpu.memory_space<hbm>>
      tpu.wait_indirect_dma semaphore(%arg9 : memref<!tpu.dma_semaphore, #tpu.memory_space<semaphore_mem>>) src(%dma_wait3A_44 : memref<4096x128xf32, #tpu.memory_space<hbm>>) dst(%arg7 : memref<128x128xf32, #tpu.memory_space<vmem>>)
      %mul3A_45 = arith.constant 128 : i32
      %mul3A_46 = arith.muli %add3A_20, %mul3A_45 : i32
      %add3A_47 = arith.addi %mul3A_2, %mul3A_46 : i32
      "tpu.region"() ({
        %run_scoped3A = tpu.sem_alloc : memref<!tpu.dma_semaphore, #tpu.memory_space<semaphore_mem>>
        %dma_start3A_48 = arith.constant 0 : i32
        %dma_start3A_49 = tpu.memref_slice %arg4[%add3A_47, %dma_start3A_48] : memref<65536x128xf32, #tpu.memory_space<hbm>> -> memref<128x128xf32, #tpu.memory_space<hbm>>
        %dma_start3A_50 = arith.constant 0 : i32
        %dma_start3A_51 = tpu.memref_slice %arg4[%add3A_47, %dma_start3A_50] : memref<65536x128xf32, #tpu.memory_space<hbm>> -> memref<128x128xf32, #tpu.memory_space<hbm>>
        tpu.enqueue_dma source(%arg7 : memref<128x128xf32, #tpu.memory_space<vmem>>) target(%dma_start3A_51 : memref<128x128xf32, #tpu.memory_space<hbm>>) target_semaphore(%run_scoped3A : memref<!tpu.dma_semaphore, #tpu.memory_space<semaphore_mem>>)
        %dma_wait3A_52 = arith.constant 0 : i32
        %dma_wait3A_53 = tpu.memref_slice %arg4[%add3A_47, %dma_wait3A_52] : memref<65536x128xf32, #tpu.memory_space<hbm>> -> memref<128x128xf32, #tpu.memory_space<hbm>>
        %dma_wait3A_54 = arith.constant 0 : i32
        %dma_wait3A_55 = tpu.memref_slice %arg4[%add3A_47, %dma_wait3A_54] : memref<65536x128xf32, #tpu.memory_space<hbm>> -> memref<128x128xf32, #tpu.memory_space<hbm>>
        tpu.wait_dma2 semaphore(%run_scoped3A : memref<!tpu.dma_semaphore, #tpu.memory_space<semaphore_mem>>) src(%arg7 : memref<128x128xf32, #tpu.memory_space<vmem>>) dst(%dma_wait3A_55 : memref<128x128xf32, #tpu.memory_space<hbm>>)
        tpu.yield
      }) : () -> ()
    }
    %scan3A_15 = arith.constant 8 : i32
    return
  }
}

module attributes {stable_mosaic.version = 14 : i64} {
  func.func @_knn_kernel(%arg0: i32, %arg1: i32, %arg2: memref<1x512x6xf32, #tpu.memory_space<vmem>>, %arg3: memref<1x2048x6xf32, #tpu.memory_space<vmem>>, %arg4: memref<1x6x2048xf32, #tpu.memory_space<vmem>>, %arg5: memref<1x512x16xi32, #tpu.memory_space<vmem>>) attributes {dimension_semantics = [#tpu.dimension_semantics<arbitrary>, #tpu.dimension_semantics<arbitrary>], iteration_bounds = array<i64: 2, 4>, scalar_prefetch = 0 : i64, scratch_operands = 0 : i64, tpu.core_type = #tpu.core_type<tc>, window_params = [{transform_indices = @transform_0, window_bounds = array<i64: 1, 512, 6>}, {transform_indices = @transform_1, window_bounds = array<i64: 1, 2048, 6>}, {transform_indices = @transform_2, window_bounds = array<i64: 1, 6, 2048>}, {transform_indices = @transform_3, window_bounds = array<i64: 1, 512, 16>}]} {
    %get3A = arith.constant 0 : index
    %get3A_0 = arith.constant 0 : index
    %get3A_1 = arith.constant 0 : index
    %get3A_2 = vector.load %arg4[%get3A, %get3A_0, %get3A_1] : memref<1x6x2048xf32, #tpu.memory_space<vmem>>, vector<1x6x2048xf32>
    %get3A_3 = vector.shape_cast %get3A_2 : vector<1x6x2048xf32> to vector<6x2048xf32>
    %get3A_4 = arith.constant 0 : index
    %get3A_5 = arith.constant 0 : index
    %get3A_6 = arith.constant 0 : index
    %get3A_7 = vector.load %arg2[%get3A_4, %get3A_5, %get3A_6] : memref<1x512x6xf32, #tpu.memory_space<vmem>>, vector<1x512x3xf32>
    %get3A_8 = vector.shape_cast %get3A_7 : vector<1x512x3xf32> to vector<512x3xf32>
    %get3A_9 = arith.constant 0 : index
    %get3A_10 = arith.constant 0 : index
    %get3A_11 = arith.constant 0 : index
    %get3A_12 = vector.load %arg3[%get3A_9, %get3A_10, %get3A_11] : memref<1x2048x6xf32, #tpu.memory_space<vmem>>, vector<1x2048x3xf32>
    %get3A_13 = vector.shape_cast %get3A_12 : vector<1x2048x3xf32> to vector<2048x3xf32>
    %dot_general3A = arith.constant dense<0.000000e+00> : vector<512x2048xf32>
    %dot_general3A_14 = tpu.matmul %get3A_8, %get3A_13, %dot_general3A {dimension_numbers = #tpu.dot_dimension_numbers<[1], [1], [0], [0], [0, 0, 1, 0], [], []>, transpose_lhs_hint = false} : vector<512x3xf32>, vector<2048x3xf32>, vector<512x2048xf32> -> vector<512x2048xf32>
    %slice3A = vector.extract_strided_slice %get3A_3 {offsets = [0, 0], sizes = [1, 2048], strides = [1, 1]} : vector<6x2048xf32> to vector<1x2048xf32>
    %slice3A_15 = vector.extract_strided_slice %get3A_3 {offsets = [0, 0], sizes = [1, 2048], strides = [1, 1]} : vector<6x2048xf32> to vector<1x2048xf32>
    %mul3A = arith.mulf %slice3A, %slice3A_15 : vector<1x2048xf32>
    %slice3A_16 = vector.extract_strided_slice %get3A_3 {offsets = [1, 0], sizes = [1, 2048], strides = [1, 1]} : vector<6x2048xf32> to vector<1x2048xf32>
    %slice3A_17 = vector.extract_strided_slice %get3A_3 {offsets = [1, 0], sizes = [1, 2048], strides = [1, 1]} : vector<6x2048xf32> to vector<1x2048xf32>
    %mul3A_18 = arith.mulf %slice3A_16, %slice3A_17 : vector<1x2048xf32>
    %add3A = arith.addf %mul3A, %mul3A_18 : vector<1x2048xf32>
    %slice3A_19 = vector.extract_strided_slice %get3A_3 {offsets = [2, 0], sizes = [1, 2048], strides = [1, 1]} : vector<6x2048xf32> to vector<1x2048xf32>
    %slice3A_20 = vector.extract_strided_slice %get3A_3 {offsets = [2, 0], sizes = [1, 2048], strides = [1, 1]} : vector<6x2048xf32> to vector<1x2048xf32>
    %mul3A_21 = arith.mulf %slice3A_19, %slice3A_20 : vector<1x2048xf32>
    %add3A_22 = arith.addf %add3A, %mul3A_21 : vector<1x2048xf32>
    %slice3A_23 = vector.extract_strided_slice %get3A_8 {offsets = [0, 0], sizes = [512, 1], strides = [1, 1]} : vector<512x3xf32> to vector<512x1xf32>
    %slice3A_24 = vector.extract_strided_slice %get3A_8 {offsets = [0, 0], sizes = [512, 1], strides = [1, 1]} : vector<512x3xf32> to vector<512x1xf32>
    %mul3A_25 = arith.mulf %slice3A_23, %slice3A_24 : vector<512x1xf32>
    %slice3A_26 = vector.extract_strided_slice %get3A_8 {offsets = [0, 1], sizes = [512, 1], strides = [1, 1]} : vector<512x3xf32> to vector<512x1xf32>
    %slice3A_27 = vector.extract_strided_slice %get3A_8 {offsets = [0, 1], sizes = [512, 1], strides = [1, 1]} : vector<512x3xf32> to vector<512x1xf32>
    %mul3A_28 = arith.mulf %slice3A_26, %slice3A_27 : vector<512x1xf32>
    %add3A_29 = arith.addf %mul3A_25, %mul3A_28 : vector<512x1xf32>
    %slice3A_30 = vector.extract_strided_slice %get3A_8 {offsets = [0, 2], sizes = [512, 1], strides = [1, 1]} : vector<512x3xf32> to vector<512x1xf32>
    %slice3A_31 = vector.extract_strided_slice %get3A_8 {offsets = [0, 2], sizes = [512, 1], strides = [1, 1]} : vector<512x3xf32> to vector<512x1xf32>
    %mul3A_32 = arith.mulf %slice3A_30, %slice3A_31 : vector<512x1xf32>
    %add3A_33 = arith.addf %add3A_29, %mul3A_32 : vector<512x1xf32>
    %mul3A_34 = arith.constant 2.000000e+00 : f32
    %mul3A_35 = vector.broadcast %mul3A_34 : f32 to vector<512x2048xf32>
    %mul3A_36 = arith.mulf %mul3A_35, %dot_general3A_14 : vector<512x2048xf32>
    %sub3A = vector.broadcast %add3A_33 : vector<512x1xf32> to vector<512x2048xf32>
    %sub3A_37 = arith.subf %sub3A, %mul3A_36 : vector<512x2048xf32>
    %add3A_38 = vector.broadcast %add3A_22 : vector<1x2048xf32> to vector<512x2048xf32>
    %add3A_39 = arith.addf %sub3A_37, %add3A_38 : vector<512x2048xf32>
    %neg3A = arith.constant 0.000000e+00 : f32
    %neg3A_40 = vector.broadcast %neg3A : f32 to vector<512x2048xf32>
    %neg3A_41 = arith.subf %neg3A_40, %add3A_39 : vector<512x2048xf32>
    %iota3A = tpu.iota {dimensions = array<i32: 1>} : vector<512x2048xi32>
    %reduce_max3A = arith.constant dense<0xFF800000> : vector<512xf32>
    %reduce_max3A_42 = vector.multi_reduction <maximumf>, %neg3A_41, %reduce_max3A [1] : vector<512x2048xf32> to vector<512xf32>
    %broadcast_in_dim3A = vector.shape_cast %reduce_max3A_42 : vector<512xf32> to vector<512x1xf32>
    %eq3A = vector.broadcast %broadcast_in_dim3A : vector<512x1xf32> to vector<512x2048xf32>
    %eq3A_43 = arith.cmpf oeq, %neg3A_41, %eq3A : vector<512x2048xf32>
    %jit3A = arith.constant 2048 : i32
    %broadcast_in_dim3A_44 = vector.broadcast %jit3A : i32 to vector<512x2048xi32>
    %select_n3A = arith.select %eq3A_43, %iota3A, %broadcast_in_dim3A_44 : vector<512x2048xi1>, vector<512x2048xi32>
    %reduce_min3A = arith.constant dense<2147483647> : vector<512xi32>
    %reduce_min3A_45 = vector.multi_reduction <minsi>, %select_n3A, %reduce_min3A [1] : vector<512x2048xi32> to vector<512xi32>
    %mul3A_46 = arith.constant 2048 : i32
    %mul3A_47 = arith.muli %arg0, %mul3A_46 : i32
    %add3A_48 = vector.broadcast %mul3A_47 : i32 to vector<512xi32>
    %add3A_49 = arith.addi %reduce_min3A_45, %add3A_48 : vector<512xi32>
    %swap3A = arith.constant 0 : index
    %swap3A_50 = arith.constant 0 : index
    %swap3A_51 = arith.constant 0 : index
    %swap3A_52 = vector.load %arg5[%swap3A, %swap3A_50, %swap3A_51] : memref<1x512x16xi32, #tpu.memory_space<vmem>>, vector<1x512x1xi32>
    %swap3A_53 = vector.shape_cast %swap3A_52 : vector<1x512x1xi32> to vector<512xi32>
    %swap3A_54 = vector.shape_cast %add3A_49 : vector<512xi32> to vector<1x512x1xi32>
    tpu.vector_store %arg5[%swap3A, %swap3A_50, %swap3A_51], %swap3A_54 {strides = array<i32>} : memref<1x512x16xi32, #tpu.memory_space<vmem>>, vector<1x512x1xi32>,
    %broadcast_in_dim3A_55 = vector.shape_cast %reduce_min3A_45 : vector<512xi32> to vector<512x1xi32>
    %eq3A_56 = vector.broadcast %broadcast_in_dim3A_55 : vector<512x1xi32> to vector<512x2048xi32>
    %eq3A_57 = arith.cmpi eq, %iota3A, %eq3A_56 : vector<512x2048xi32>
    %jit3A_58 = arith.constant -3.40282347E+38 : f32
    %broadcast_in_dim3A_59 = vector.broadcast %jit3A_58 : f32 to vector<512x2048xf32>
    %select_n3A_60 = arith.select %eq3A_57, %broadcast_in_dim3A_59, %neg3A_41 : vector<512x2048xi1>, vector<512x2048xf32>
    %reduce_max3A_61 = arith.constant dense<0xFF800000> : vector<512xf32>
    %reduce_max3A_62 = vector.multi_reduction <maximumf>, %select_n3A_60, %reduce_max3A_61 [1] : vector<512x2048xf32> to vector<512xf32>
    %broadcast_in_dim3A_63 = vector.shape_cast %reduce_max3A_62 : vector<512xf32> to vector<512x1xf32>
    %eq3A_64 = vector.broadcast %broadcast_in_dim3A_63 : vector<512x1xf32> to vector<512x2048xf32>
    %eq3A_65 = arith.cmpf oeq, %select_n3A_60, %eq3A_64 : vector<512x2048xf32>
    %jit3A_66 = arith.constant 2048 : i32
    %broadcast_in_dim3A_67 = vector.broadcast %jit3A_66 : i32 to vector<512x2048xi32>
    %select_n3A_68 = arith.select %eq3A_65, %iota3A, %broadcast_in_dim3A_67 : vector<512x2048xi1>, vector<512x2048xi32>
    %reduce_min3A_69 = arith.constant dense<2147483647> : vector<512xi32>
    %reduce_min3A_70 = vector.multi_reduction <minsi>, %select_n3A_68, %reduce_min3A_69 [1] : vector<512x2048xi32> to vector<512xi32>
    %mul3A_71 = arith.constant 2048 : i32
    %mul3A_72 = arith.muli %arg0, %mul3A_71 : i32
    %add3A_73 = vector.broadcast %mul3A_72 : i32 to vector<512xi32>
    %add3A_74 = arith.addi %reduce_min3A_70, %add3A_73 : vector<512xi32>
    %swap3A_75 = arith.constant 0 : index
    %swap3A_76 = arith.constant 0 : index
    %swap3A_77 = arith.constant 1 : index
    %swap3A_78 = vector.load %arg5[%swap3A_75, %swap3A_76, %swap3A_77] : memref<1x512x16xi32, #tpu.memory_space<vmem>>, vector<1x512x1xi32>
    %swap3A_79 = vector.shape_cast %swap3A_78 : vector<1x512x1xi32> to vector<512xi32>
    %swap3A_80 = vector.shape_cast %add3A_74 : vector<512xi32> to vector<1x512x1xi32>
    tpu.vector_store %arg5[%swap3A_75, %swap3A_76, %swap3A_77], %swap3A_80 {strides = array<i32>} : memref<1x512x16xi32, #tpu.memory_space<vmem>>, vector<1x512x1xi32>,
    %broadcast_in_dim3A_81 = vector.shape_cast %reduce_min3A_70 : vector<512xi32> to vector<512x1xi32>
    %eq3A_82 = vector.broadcast %broadcast_in_dim3A_81 : vector<512x1xi32> to vector<512x2048xi32>
    %eq3A_83 = arith.cmpi eq, %iota3A, %eq3A_82 : vector<512x2048xi32>
    %jit3A_84 = arith.constant -3.40282347E+38 : f32
    %broadcast_in_dim3A_85 = vector.broadcast %jit3A_84 : f32 to vector<512x2048xf32>
    %select_n3A_86 = arith.select %eq3A_83, %broadcast_in_dim3A_85, %select_n3A_60 : vector<512x2048xi1>, vector<512x2048xf32>
    %reduce_max3A_87 = arith.constant dense<0xFF800000> : vector<512xf32>
    %reduce_max3A_88 = vector.multi_reduction <maximumf>, %select_n3A_86, %reduce_max3A_87 [1] : vector<512x2048xf32> to vector<512xf32>
    %broadcast_in_dim3A_89 = vector.shape_cast %reduce_max3A_88 : vector<512xf32> to vector<512x1xf32>
    %eq3A_90 = vector.broadcast %broadcast_in_dim3A_89 : vector<512x1xf32> to vector<512x2048xf32>
    %eq3A_91 = arith.cmpf oeq, %select_n3A_86, %eq3A_90 : vector<512x2048xf32>
    %jit3A_92 = arith.constant 2048 : i32
    %broadcast_in_dim3A_93 = vector.broadcast %jit3A_92 : i32 to vector<512x2048xi32>
    %select_n3A_94 = arith.select %eq3A_91, %iota3A, %broadcast_in_dim3A_93 : vector<512x2048xi1>, vector<512x2048xi32>
    %reduce_min3A_95 = arith.constant dense<2147483647> : vector<512xi32>
    %reduce_min3A_96 = vector.multi_reduction <minsi>, %select_n3A_94, %reduce_min3A_95 [1] : vector<512x2048xi32> to vector<512xi32>
    %mul3A_97 = arith.constant 2048 : i32
    %mul3A_98 = arith.muli %arg0, %mul3A_97 : i32
    %add3A_99 = vector.broadcast %mul3A_98 : i32 to vector<512xi32>
    %add3A_100 = arith.addi %reduce_min3A_96, %add3A_99 : vector<512xi32>
    %swap3A_101 = arith.constant 0 : index
    %swap3A_102 = arith.constant 0 : index
    %swap3A_103 = arith.constant 2 : index
    %swap3A_104 = vector.load %arg5[%swap3A_101, %swap3A_102, %swap3A_103] : memref<1x512x16xi32, #tpu.memory_space<vmem>>, vector<1x512x1xi32>
    %swap3A_105 = vector.shape_cast %swap3A_104 : vector<1x512x1xi32> to vector<512xi32>
    %swap3A_106 = vector.shape_cast %add3A_100 : vector<512xi32> to vector<1x512x1xi32>
    tpu.vector_store %arg5[%swap3A_101, %swap3A_102, %swap3A_103], %swap3A_106 {strides = array<i32>} : memref<1x512x16xi32, #tpu.memory_space<vmem>>, vector<1x512x1xi32>,
    %broadcast_in_dim3A_107 = vector.shape_cast %reduce_min3A_96 : vector<512xi32> to vector<512x1xi32>
    %eq3A_108 = vector.broadcast %broadcast_in_dim3A_107 : vector<512x1xi32> to vector<512x2048xi32>
    %eq3A_109 = arith.cmpi eq, %iota3A, %eq3A_108 : vector<512x2048xi32>
    %jit3A_110 = arith.constant -3.40282347E+38 : f32
    %broadcast_in_dim3A_111 = vector.broadcast %jit3A_110 : f32 to vector<512x2048xf32>
    %select_n3A_112 = arith.select %eq3A_109, %broadcast_in_dim3A_111, %select_n3A_86 : vector<512x2048xi1>, vector<512x2048xf32>
    %reduce_max3A_113 = arith.constant dense<0xFF800000> : vector<512xf32>
    %reduce_max3A_114 = vector.multi_reduction <maximumf>, %select_n3A_112, %reduce_max3A_113 [1] : vector<512x2048xf32> to vector<512xf32>
    %broadcast_in_dim3A_115 = vector.shape_cast %reduce_max3A_114 : vector<512xf32> to vector<512x1xf32>
    %eq3A_116 = vector.broadcast %broadcast_in_dim3A_115 : vector<512x1xf32> to vector<512x2048xf32>
    %eq3A_117 = arith.cmpf oeq, %select_n3A_112, %eq3A_116 : vector<512x2048xf32>
    %jit3A_118 = arith.constant 2048 : i32
    %broadcast_in_dim3A_119 = vector.broadcast %jit3A_118 : i32 to vector<512x2048xi32>
    %select_n3A_120 = arith.select %eq3A_117, %iota3A, %broadcast_in_dim3A_119 : vector<512x2048xi1>, vector<512x2048xi32>
    %reduce_min3A_121 = arith.constant dense<2147483647> : vector<512xi32>
    %reduce_min3A_122 = vector.multi_reduction <minsi>, %select_n3A_120, %reduce_min3A_121 [1] : vector<512x2048xi32> to vector<512xi32>
    %mul3A_123 = arith.constant 2048 : i32
    %mul3A_124 = arith.muli %arg0, %mul3A_123 : i32
    %add3A_125 = vector.broadcast %mul3A_124 : i32 to vector<512xi32>
    %add3A_126 = arith.addi %reduce_min3A_122, %add3A_125 : vector<512xi32>
    %swap3A_127 = arith.constant 0 : index
    %swap3A_128 = arith.constant 0 : index
    %swap3A_129 = arith.constant 3 : index
    %swap3A_130 = vector.load %arg5[%swap3A_127, %swap3A_128, %swap3A_129] : memref<1x512x16xi32, #tpu.memory_space<vmem>>, vector<1x512x1xi32>
    %swap3A_131 = vector.shape_cast %swap3A_130 : vector<1x512x1xi32> to vector<512xi32>
    %swap3A_132 = vector.shape_cast %add3A_126 : vector<512xi32> to vector<1x512x1xi32>
    tpu.vector_store %arg5[%swap3A_127, %swap3A_128, %swap3A_129], %swap3A_132 {strides = array<i32>} : memref<1x512x16xi32, #tpu.memory_space<vmem>>, vector<1x512x1xi32>,
    %broadcast_in_dim3A_133 = vector.shape_cast %reduce_min3A_122 : vector<512xi32> to vector<512x1xi32>
    %eq3A_134 = vector.broadcast %broadcast_in_dim3A_133 : vector<512x1xi32> to vector<512x2048xi32>
    %eq3A_135 = arith.cmpi eq, %iota3A, %eq3A_134 : vector<512x2048xi32>
    %jit3A_136 = arith.constant -3.40282347E+38 : f32
    %broadcast_in_dim3A_137 = vector.broadcast %jit3A_136 : f32 to vector<512x2048xf32>
    %select_n3A_138 = arith.select %eq3A_135, %broadcast_in_dim3A_137, %select_n3A_112 : vector<512x2048xi1>, vector<512x2048xf32>
    %reduce_max3A_139 = arith.constant dense<0xFF800000> : vector<512xf32>
    %reduce_max3A_140 = vector.multi_reduction <maximumf>, %select_n3A_138, %reduce_max3A_139 [1] : vector<512x2048xf32> to vector<512xf32>
    %broadcast_in_dim3A_141 = vector.shape_cast %reduce_max3A_140 : vector<512xf32> to vector<512x1xf32>
    %eq3A_142 = vector.broadcast %broadcast_in_dim3A_141 : vector<512x1xf32> to vector<512x2048xf32>
    %eq3A_143 = arith.cmpf oeq, %select_n3A_138, %eq3A_142 : vector<512x2048xf32>
    %jit3A_144 = arith.constant 2048 : i32
    %broadcast_in_dim3A_145 = vector.broadcast %jit3A_144 : i32 to vector<512x2048xi32>
    %select_n3A_146 = arith.select %eq3A_143, %iota3A, %broadcast_in_dim3A_145 : vector<512x2048xi1>, vector<512x2048xi32>
    %reduce_min3A_147 = arith.constant dense<2147483647> : vector<512xi32>
    %reduce_min3A_148 = vector.multi_reduction <minsi>, %select_n3A_146, %reduce_min3A_147 [1] : vector<512x2048xi32> to vector<512xi32>
    %mul3A_149 = arith.constant 2048 : i32
    %mul3A_150 = arith.muli %arg0, %mul3A_149 : i32
    %add3A_151 = vector.broadcast %mul3A_150 : i32 to vector<512xi32>
    %add3A_152 = arith.addi %reduce_min3A_148, %add3A_151 : vector<512xi32>
    %swap3A_153 = arith.constant 0 : index
    %swap3A_154 = arith.constant 0 : index
    %swap3A_155 = arith.constant 4 : index
    %swap3A_156 = vector.load %arg5[%swap3A_153, %swap3A_154, %swap3A_155] : memref<1x512x16xi32, #tpu.memory_space<vmem>>, vector<1x512x1xi32>
    %swap3A_157 = vector.shape_cast %swap3A_156 : vector<1x512x1xi32> to vector<512xi32>
    %swap3A_158 = vector.shape_cast %add3A_152 : vector<512xi32> to vector<1x512x1xi32>
    tpu.vector_store %arg5[%swap3A_153, %swap3A_154, %swap3A_155], %swap3A_158 {strides = array<i32>} : memref<1x512x16xi32, #tpu.memory_space<vmem>>, vector<1x512x1xi32>,
    %broadcast_in_dim3A_159 = vector.shape_cast %reduce_min3A_148 : vector<512xi32> to vector<512x1xi32>
    %eq3A_160 = vector.broadcast %broadcast_in_dim3A_159 : vector<512x1xi32> to vector<512x2048xi32>
    %eq3A_161 = arith.cmpi eq, %iota3A, %eq3A_160 : vector<512x2048xi32>
    %jit3A_162 = arith.constant -3.40282347E+38 : f32
    %broadcast_in_dim3A_163 = vector.broadcast %jit3A_162 : f32 to vector<512x2048xf32>
    %select_n3A_164 = arith.select %eq3A_161, %broadcast_in_dim3A_163, %select_n3A_138 : vector<512x2048xi1>, vector<512x2048xf32>
    %reduce_max3A_165 = arith.constant dense<0xFF800000> : vector<512xf32>
    %reduce_max3A_166 = vector.multi_reduction <maximumf>, %select_n3A_164, %reduce_max3A_165 [1] : vector<512x2048xf32> to vector<512xf32>
    %broadcast_in_dim3A_167 = vector.shape_cast %reduce_max3A_166 : vector<512xf32> to vector<512x1xf32>
    %eq3A_168 = vector.broadcast %broadcast_in_dim3A_167 : vector<512x1xf32> to vector<512x2048xf32>
    %eq3A_169 = arith.cmpf oeq, %select_n3A_164, %eq3A_168 : vector<512x2048xf32>
    %jit3A_170 = arith.constant 2048 : i32
    %broadcast_in_dim3A_171 = vector.broadcast %jit3A_170 : i32 to vector<512x2048xi32>
    %select_n3A_172 = arith.select %eq3A_169, %iota3A, %broadcast_in_dim3A_171 : vector<512x2048xi1>, vector<512x2048xi32>
    %reduce_min3A_173 = arith.constant dense<2147483647> : vector<512xi32>
    %reduce_min3A_174 = vector.multi_reduction <minsi>, %select_n3A_172, %reduce_min3A_173 [1] : vector<512x2048xi32> to vector<512xi32>
    %mul3A_175 = arith.constant 2048 : i32
    %mul3A_176 = arith.muli %arg0, %mul3A_175 : i32
    %add3A_177 = vector.broadcast %mul3A_176 : i32 to vector<512xi32>
    %add3A_178 = arith.addi %reduce_min3A_174, %add3A_177 : vector<512xi32>
    %swap3A_179 = arith.constant 0 : index
    %swap3A_180 = arith.constant 0 : index
    %swap3A_181 = arith.constant 5 : index
    %swap3A_182 = vector.load %arg5[%swap3A_179, %swap3A_180, %swap3A_181] : memref<1x512x16xi32, #tpu.memory_space<vmem>>, vector<1x512x1xi32>
    %swap3A_183 = vector.shape_cast %swap3A_182 : vector<1x512x1xi32> to vector<512xi32>
    %swap3A_184 = vector.shape_cast %add3A_178 : vector<512xi32> to vector<1x512x1xi32>
    tpu.vector_store %arg5[%swap3A_179, %swap3A_180, %swap3A_181], %swap3A_184 {strides = array<i32>} : memref<1x512x16xi32, #tpu.memory_space<vmem>>, vector<1x512x1xi32>,
    %broadcast_in_dim3A_185 = vector.shape_cast %reduce_min3A_174 : vector<512xi32> to vector<512x1xi32>
    %eq3A_186 = vector.broadcast %broadcast_in_dim3A_185 : vector<512x1xi32> to vector<512x2048xi32>
    %eq3A_187 = arith.cmpi eq, %iota3A, %eq3A_186 : vector<512x2048xi32>
    %jit3A_188 = arith.constant -3.40282347E+38 : f32
    %broadcast_in_dim3A_189 = vector.broadcast %jit3A_188 : f32 to vector<512x2048xf32>
    %select_n3A_190 = arith.select %eq3A_187, %broadcast_in_dim3A_189, %select_n3A_164 : vector<512x2048xi1>, vector<512x2048xf32>
    %reduce_max3A_191 = arith.constant dense<0xFF800000> : vector<512xf32>
    %reduce_max3A_192 = vector.multi_reduction <maximumf>, %select_n3A_190, %reduce_max3A_191 [1] : vector<512x2048xf32> to vector<512xf32>
    %broadcast_in_dim3A_193 = vector.shape_cast %reduce_max3A_192 : vector<512xf32> to vector<512x1xf32>
    %eq3A_194 = vector.broadcast %broadcast_in_dim3A_193 : vector<512x1xf32> to vector<512x2048xf32>
    %eq3A_195 = arith.cmpf oeq, %select_n3A_190, %eq3A_194 : vector<512x2048xf32>
    %jit3A_196 = arith.constant 2048 : i32
    %broadcast_in_dim3A_197 = vector.broadcast %jit3A_196 : i32 to vector<512x2048xi32>
    %select_n3A_198 = arith.select %eq3A_195, %iota3A, %broadcast_in_dim3A_197 : vector<512x2048xi1>, vector<512x2048xi32>
    %reduce_min3A_199 = arith.constant dense<2147483647> : vector<512xi32>
    %reduce_min3A_200 = vector.multi_reduction <minsi>, %select_n3A_198, %reduce_min3A_199 [1] : vector<512x2048xi32> to vector<512xi32>
    %mul3A_201 = arith.constant 2048 : i32
    %mul3A_202 = arith.muli %arg0, %mul3A_201 : i32
    %add3A_203 = vector.broadcast %mul3A_202 : i32 to vector<512xi32>
    %add3A_204 = arith.addi %reduce_min3A_200, %add3A_203 : vector<512xi32>
    %swap3A_205 = arith.constant 0 : index
    %swap3A_206 = arith.constant 0 : index
    %swap3A_207 = arith.constant 6 : index
    %swap3A_208 = vector.load %arg5[%swap3A_205, %swap3A_206, %swap3A_207] : memref<1x512x16xi32, #tpu.memory_space<vmem>>, vector<1x512x1xi32>
    %swap3A_209 = vector.shape_cast %swap3A_208 : vector<1x512x1xi32> to vector<512xi32>
    %swap3A_210 = vector.shape_cast %add3A_204 : vector<512xi32> to vector<1x512x1xi32>
    tpu.vector_store %arg5[%swap3A_205, %swap3A_206, %swap3A_207], %swap3A_210 {strides = array<i32>} : memref<1x512x16xi32, #tpu.memory_space<vmem>>, vector<1x512x1xi32>,
    %broadcast_in_dim3A_211 = vector.shape_cast %reduce_min3A_200 : vector<512xi32> to vector<512x1xi32>
    %eq3A_212 = vector.broadcast %broadcast_in_dim3A_211 : vector<512x1xi32> to vector<512x2048xi32>
    %eq3A_213 = arith.cmpi eq, %iota3A, %eq3A_212 : vector<512x2048xi32>
    %jit3A_214 = arith.constant -3.40282347E+38 : f32
    %broadcast_in_dim3A_215 = vector.broadcast %jit3A_214 : f32 to vector<512x2048xf32>
    %select_n3A_216 = arith.select %eq3A_213, %broadcast_in_dim3A_215, %select_n3A_190 : vector<512x2048xi1>, vector<512x2048xf32>
    %reduce_max3A_217 = arith.constant dense<0xFF800000> : vector<512xf32>
    %reduce_max3A_218 = vector.multi_reduction <maximumf>, %select_n3A_216, %reduce_max3A_217 [1] : vector<512x2048xf32> to vector<512xf32>
    %broadcast_in_dim3A_219 = vector.shape_cast %reduce_max3A_218 : vector<512xf32> to vector<512x1xf32>
    %eq3A_220 = vector.broadcast %broadcast_in_dim3A_219 : vector<512x1xf32> to vector<512x2048xf32>
    %eq3A_221 = arith.cmpf oeq, %select_n3A_216, %eq3A_220 : vector<512x2048xf32>
    %jit3A_222 = arith.constant 2048 : i32
    %broadcast_in_dim3A_223 = vector.broadcast %jit3A_222 : i32 to vector<512x2048xi32>
    %select_n3A_224 = arith.select %eq3A_221, %iota3A, %broadcast_in_dim3A_223 : vector<512x2048xi1>, vector<512x2048xi32>
    %reduce_min3A_225 = arith.constant dense<2147483647> : vector<512xi32>
    %reduce_min3A_226 = vector.multi_reduction <minsi>, %select_n3A_224, %reduce_min3A_225 [1] : vector<512x2048xi32> to vector<512xi32>
    %mul3A_227 = arith.constant 2048 : i32
    %mul3A_228 = arith.muli %arg0, %mul3A_227 : i32
    %add3A_229 = vector.broadcast %mul3A_228 : i32 to vector<512xi32>
    %add3A_230 = arith.addi %reduce_min3A_226, %add3A_229 : vector<512xi32>
    %swap3A_231 = arith.constant 0 : index
    %swap3A_232 = arith.constant 0 : index
    %swap3A_233 = arith.constant 7 : index
    %swap3A_234 = vector.load %arg5[%swap3A_231, %swap3A_232, %swap3A_233] : memref<1x512x16xi32, #tpu.memory_space<vmem>>, vector<1x512x1xi32>
    %swap3A_235 = vector.shape_cast %swap3A_234 : vector<1x512x1xi32> to vector<512xi32>
    %swap3A_236 = vector.shape_cast %add3A_230 : vector<512xi32> to vector<1x512x1xi32>
    tpu.vector_store %arg5[%swap3A_231, %swap3A_232, %swap3A_233], %swap3A_236 {strides = array<i32>} : memref<1x512x16xi32, #tpu.memory_space<vmem>>, vector<1x512x1xi32>,
    %broadcast_in_dim3A_237 = vector.shape_cast %reduce_min3A_226 : vector<512xi32> to vector<512x1xi32>
    %eq3A_238 = vector.broadcast %broadcast_in_dim3A_237 : vector<512x1xi32> to vector<512x2048xi32>
    %eq3A_239 = arith.cmpi eq, %iota3A, %eq3A_238 : vector<512x2048xi32>
    %jit3A_240 = arith.constant -3.40282347E+38 : f32
    %broadcast_in_dim3A_241 = vector.broadcast %jit3A_240 : f32 to vector<512x2048xf32>
    %select_n3A_242 = arith.select %eq3A_239, %broadcast_in_dim3A_241, %select_n3A_216 : vector<512x2048xi1>, vector<512x2048xf32>
    %reduce_max3A_243 = arith.constant dense<0xFF800000> : vector<512xf32>
    %reduce_max3A_244 = vector.multi_reduction <maximumf>, %select_n3A_242, %reduce_max3A_243 [1] : vector<512x2048xf32> to vector<512xf32>
    %broadcast_in_dim3A_245 = vector.shape_cast %reduce_max3A_244 : vector<512xf32> to vector<512x1xf32>
    %eq3A_246 = vector.broadcast %broadcast_in_dim3A_245 : vector<512x1xf32> to vector<512x2048xf32>
    %eq3A_247 = arith.cmpf oeq, %select_n3A_242, %eq3A_246 : vector<512x2048xf32>
    %jit3A_248 = arith.constant 2048 : i32
    %broadcast_in_dim3A_249 = vector.broadcast %jit3A_248 : i32 to vector<512x2048xi32>
    %select_n3A_250 = arith.select %eq3A_247, %iota3A, %broadcast_in_dim3A_249 : vector<512x2048xi1>, vector<512x2048xi32>
    %reduce_min3A_251 = arith.constant dense<2147483647> : vector<512xi32>
    %reduce_min3A_252 = vector.multi_reduction <minsi>, %select_n3A_250, %reduce_min3A_251 [1] : vector<512x2048xi32> to vector<512xi32>
    %mul3A_253 = arith.constant 2048 : i32
    %mul3A_254 = arith.muli %arg0, %mul3A_253 : i32
    %add3A_255 = vector.broadcast %mul3A_254 : i32 to vector<512xi32>
    %add3A_256 = arith.addi %reduce_min3A_252, %add3A_255 : vector<512xi32>
    %swap3A_257 = arith.constant 0 : index
    %swap3A_258 = arith.constant 0 : index
    %swap3A_259 = arith.constant 8 : index
    %swap3A_260 = vector.load %arg5[%swap3A_257, %swap3A_258, %swap3A_259] : memref<1x512x16xi32, #tpu.memory_space<vmem>>, vector<1x512x1xi32>
    %swap3A_261 = vector.shape_cast %swap3A_260 : vector<1x512x1xi32> to vector<512xi32>
    %swap3A_262 = vector.shape_cast %add3A_256 : vector<512xi32> to vector<1x512x1xi32>
    tpu.vector_store %arg5[%swap3A_257, %swap3A_258, %swap3A_259], %swap3A_262 {strides = array<i32>} : memref<1x512x16xi32, #tpu.memory_space<vmem>>, vector<1x512x1xi32>,
    %broadcast_in_dim3A_263 = vector.shape_cast %reduce_min3A_252 : vector<512xi32> to vector<512x1xi32>
    %eq3A_264 = vector.broadcast %broadcast_in_dim3A_263 : vector<512x1xi32> to vector<512x2048xi32>
    %eq3A_265 = arith.cmpi eq, %iota3A, %eq3A_264 : vector<512x2048xi32>
    %jit3A_266 = arith.constant -3.40282347E+38 : f32
    %broadcast_in_dim3A_267 = vector.broadcast %jit3A_266 : f32 to vector<512x2048xf32>
    %select_n3A_268 = arith.select %eq3A_265, %broadcast_in_dim3A_267, %select_n3A_242 : vector<512x2048xi1>, vector<512x2048xf32>
    %reduce_max3A_269 = arith.constant dense<0xFF800000> : vector<512xf32>
    %reduce_max3A_270 = vector.multi_reduction <maximumf>, %select_n3A_268, %reduce_max3A_269 [1] : vector<512x2048xf32> to vector<512xf32>
    %broadcast_in_dim3A_271 = vector.shape_cast %reduce_max3A_270 : vector<512xf32> to vector<512x1xf32>
    %eq3A_272 = vector.broadcast %broadcast_in_dim3A_271 : vector<512x1xf32> to vector<512x2048xf32>
    %eq3A_273 = arith.cmpf oeq, %select_n3A_268, %eq3A_272 : vector<512x2048xf32>
    %jit3A_274 = arith.constant 2048 : i32
    %broadcast_in_dim3A_275 = vector.broadcast %jit3A_274 : i32 to vector<512x2048xi32>
    %select_n3A_276 = arith.select %eq3A_273, %iota3A, %broadcast_in_dim3A_275 : vector<512x2048xi1>, vector<512x2048xi32>
    %reduce_min3A_277 = arith.constant dense<2147483647> : vector<512xi32>
    %reduce_min3A_278 = vector.multi_reduction <minsi>, %select_n3A_276, %reduce_min3A_277 [1] : vector<512x2048xi32> to vector<512xi32>
    %mul3A_279 = arith.constant 2048 : i32
    %mul3A_280 = arith.muli %arg0, %mul3A_279 : i32
    %add3A_281 = vector.broadcast %mul3A_280 : i32 to vector<512xi32>
    %add3A_282 = arith.addi %reduce_min3A_278, %add3A_281 : vector<512xi32>
    %swap3A_283 = arith.constant 0 : index
    %swap3A_284 = arith.constant 0 : index
    %swap3A_285 = arith.constant 9 : index
    %swap3A_286 = vector.load %arg5[%swap3A_283, %swap3A_284, %swap3A_285] : memref<1x512x16xi32, #tpu.memory_space<vmem>>, vector<1x512x1xi32>
    %swap3A_287 = vector.shape_cast %swap3A_286 : vector<1x512x1xi32> to vector<512xi32>
    %swap3A_288 = vector.shape_cast %add3A_282 : vector<512xi32> to vector<1x512x1xi32>
    tpu.vector_store %arg5[%swap3A_283, %swap3A_284, %swap3A_285], %swap3A_288 {strides = array<i32>} : memref<1x512x16xi32, #tpu.memory_space<vmem>>, vector<1x512x1xi32>,
    %broadcast_in_dim3A_289 = vector.shape_cast %reduce_min3A_278 : vector<512xi32> to vector<512x1xi32>
    %eq3A_290 = vector.broadcast %broadcast_in_dim3A_289 : vector<512x1xi32> to vector<512x2048xi32>
    %eq3A_291 = arith.cmpi eq, %iota3A, %eq3A_290 : vector<512x2048xi32>
    %jit3A_292 = arith.constant -3.40282347E+38 : f32
    %broadcast_in_dim3A_293 = vector.broadcast %jit3A_292 : f32 to vector<512x2048xf32>
    %select_n3A_294 = arith.select %eq3A_291, %broadcast_in_dim3A_293, %select_n3A_268 : vector<512x2048xi1>, vector<512x2048xf32>
    %reduce_max3A_295 = arith.constant dense<0xFF800000> : vector<512xf32>
    %reduce_max3A_296 = vector.multi_reduction <maximumf>, %select_n3A_294, %reduce_max3A_295 [1] : vector<512x2048xf32> to vector<512xf32>
    %broadcast_in_dim3A_297 = vector.shape_cast %reduce_max3A_296 : vector<512xf32> to vector<512x1xf32>
    %eq3A_298 = vector.broadcast %broadcast_in_dim3A_297 : vector<512x1xf32> to vector<512x2048xf32>
    %eq3A_299 = arith.cmpf oeq, %select_n3A_294, %eq3A_298 : vector<512x2048xf32>
    %jit3A_300 = arith.constant 2048 : i32
    %broadcast_in_dim3A_301 = vector.broadcast %jit3A_300 : i32 to vector<512x2048xi32>
    %select_n3A_302 = arith.select %eq3A_299, %iota3A, %broadcast_in_dim3A_301 : vector<512x2048xi1>, vector<512x2048xi32>
    %reduce_min3A_303 = arith.constant dense<2147483647> : vector<512xi32>
    %reduce_min3A_304 = vector.multi_reduction <minsi>, %select_n3A_302, %reduce_min3A_303 [1] : vector<512x2048xi32> to vector<512xi32>
    %mul3A_305 = arith.constant 2048 : i32
    %mul3A_306 = arith.muli %arg0, %mul3A_305 : i32
    %add3A_307 = vector.broadcast %mul3A_306 : i32 to vector<512xi32>
    %add3A_308 = arith.addi %reduce_min3A_304, %add3A_307 : vector<512xi32>
    %swap3A_309 = arith.constant 0 : index
    %swap3A_310 = arith.constant 0 : index
    %swap3A_311 = arith.constant 10 : index
    %swap3A_312 = vector.load %arg5[%swap3A_309, %swap3A_310, %swap3A_311] : memref<1x512x16xi32, #tpu.memory_space<vmem>>, vector<1x512x1xi32>
    %swap3A_313 = vector.shape_cast %swap3A_312 : vector<1x512x1xi32> to vector<512xi32>
    %swap3A_314 = vector.shape_cast %add3A_308 : vector<512xi32> to vector<1x512x1xi32>
    tpu.vector_store %arg5[%swap3A_309, %swap3A_310, %swap3A_311], %swap3A_314 {strides = array<i32>} : memref<1x512x16xi32, #tpu.memory_space<vmem>>, vector<1x512x1xi32>,
    %broadcast_in_dim3A_315 = vector.shape_cast %reduce_min3A_304 : vector<512xi32> to vector<512x1xi32>
    %eq3A_316 = vector.broadcast %broadcast_in_dim3A_315 : vector<512x1xi32> to vector<512x2048xi32>
    %eq3A_317 = arith.cmpi eq, %iota3A, %eq3A_316 : vector<512x2048xi32>
    %jit3A_318 = arith.constant -3.40282347E+38 : f32
    %broadcast_in_dim3A_319 = vector.broadcast %jit3A_318 : f32 to vector<512x2048xf32>
    %select_n3A_320 = arith.select %eq3A_317, %broadcast_in_dim3A_319, %select_n3A_294 : vector<512x2048xi1>, vector<512x2048xf32>
    %reduce_max3A_321 = arith.constant dense<0xFF800000> : vector<512xf32>
    %reduce_max3A_322 = vector.multi_reduction <maximumf>, %select_n3A_320, %reduce_max3A_321 [1] : vector<512x2048xf32> to vector<512xf32>
    %broadcast_in_dim3A_323 = vector.shape_cast %reduce_max3A_322 : vector<512xf32> to vector<512x1xf32>
    %eq3A_324 = vector.broadcast %broadcast_in_dim3A_323 : vector<512x1xf32> to vector<512x2048xf32>
    %eq3A_325 = arith.cmpf oeq, %select_n3A_320, %eq3A_324 : vector<512x2048xf32>
    %jit3A_326 = arith.constant 2048 : i32
    %broadcast_in_dim3A_327 = vector.broadcast %jit3A_326 : i32 to vector<512x2048xi32>
    %select_n3A_328 = arith.select %eq3A_325, %iota3A, %broadcast_in_dim3A_327 : vector<512x2048xi1>, vector<512x2048xi32>
    %reduce_min3A_329 = arith.constant dense<2147483647> : vector<512xi32>
    %reduce_min3A_330 = vector.multi_reduction <minsi>, %select_n3A_328, %reduce_min3A_329 [1] : vector<512x2048xi32> to vector<512xi32>
    %mul3A_331 = arith.constant 2048 : i32
    %mul3A_332 = arith.muli %arg0, %mul3A_331 : i32
    %add3A_333 = vector.broadcast %mul3A_332 : i32 to vector<512xi32>
    %add3A_334 = arith.addi %reduce_min3A_330, %add3A_333 : vector<512xi32>
    %swap3A_335 = arith.constant 0 : index
    %swap3A_336 = arith.constant 0 : index
    %swap3A_337 = arith.constant 11 : index
    %swap3A_338 = vector.load %arg5[%swap3A_335, %swap3A_336, %swap3A_337] : memref<1x512x16xi32, #tpu.memory_space<vmem>>, vector<1x512x1xi32>
    %swap3A_339 = vector.shape_cast %swap3A_338 : vector<1x512x1xi32> to vector<512xi32>
    %swap3A_340 = vector.shape_cast %add3A_334 : vector<512xi32> to vector<1x512x1xi32>
    tpu.vector_store %arg5[%swap3A_335, %swap3A_336, %swap3A_337], %swap3A_340 {strides = array<i32>} : memref<1x512x16xi32, #tpu.memory_space<vmem>>, vector<1x512x1xi32>,
    %broadcast_in_dim3A_341 = vector.shape_cast %reduce_min3A_330 : vector<512xi32> to vector<512x1xi32>
    %eq3A_342 = vector.broadcast %broadcast_in_dim3A_341 : vector<512x1xi32> to vector<512x2048xi32>
    %eq3A_343 = arith.cmpi eq, %iota3A, %eq3A_342 : vector<512x2048xi32>
    %jit3A_344 = arith.constant -3.40282347E+38 : f32
    %broadcast_in_dim3A_345 = vector.broadcast %jit3A_344 : f32 to vector<512x2048xf32>
    %select_n3A_346 = arith.select %eq3A_343, %broadcast_in_dim3A_345, %select_n3A_320 : vector<512x2048xi1>, vector<512x2048xf32>
    %reduce_max3A_347 = arith.constant dense<0xFF800000> : vector<512xf32>
    %reduce_max3A_348 = vector.multi_reduction <maximumf>, %select_n3A_346, %reduce_max3A_347 [1] : vector<512x2048xf32> to vector<512xf32>
    %broadcast_in_dim3A_349 = vector.shape_cast %reduce_max3A_348 : vector<512xf32> to vector<512x1xf32>
    %eq3A_350 = vector.broadcast %broadcast_in_dim3A_349 : vector<512x1xf32> to vector<512x2048xf32>
    %eq3A_351 = arith.cmpf oeq, %select_n3A_346, %eq3A_350 : vector<512x2048xf32>
    %jit3A_352 = arith.constant 2048 : i32
    %broadcast_in_dim3A_353 = vector.broadcast %jit3A_352 : i32 to vector<512x2048xi32>
    %select_n3A_354 = arith.select %eq3A_351, %iota3A, %broadcast_in_dim3A_353 : vector<512x2048xi1>, vector<512x2048xi32>
    %reduce_min3A_355 = arith.constant dense<2147483647> : vector<512xi32>
    %reduce_min3A_356 = vector.multi_reduction <minsi>, %select_n3A_354, %reduce_min3A_355 [1] : vector<512x2048xi32> to vector<512xi32>
    %mul3A_357 = arith.constant 2048 : i32
    %mul3A_358 = arith.muli %arg0, %mul3A_357 : i32
    %add3A_359 = vector.broadcast %mul3A_358 : i32 to vector<512xi32>
    %add3A_360 = arith.addi %reduce_min3A_356, %add3A_359 : vector<512xi32>
    %swap3A_361 = arith.constant 0 : index
    %swap3A_362 = arith.constant 0 : index
    %swap3A_363 = arith.constant 12 : index
    %swap3A_364 = vector.load %arg5[%swap3A_361, %swap3A_362, %swap3A_363] : memref<1x512x16xi32, #tpu.memory_space<vmem>>, vector<1x512x1xi32>
    %swap3A_365 = vector.shape_cast %swap3A_364 : vector<1x512x1xi32> to vector<512xi32>
    %swap3A_366 = vector.shape_cast %add3A_360 : vector<512xi32> to vector<1x512x1xi32>
    tpu.vector_store %arg5[%swap3A_361, %swap3A_362, %swap3A_363], %swap3A_366 {strides = array<i32>} : memref<1x512x16xi32, #tpu.memory_space<vmem>>, vector<1x512x1xi32>,
    %broadcast_in_dim3A_367 = vector.shape_cast %reduce_min3A_356 : vector<512xi32> to vector<512x1xi32>
    %eq3A_368 = vector.broadcast %broadcast_in_dim3A_367 : vector<512x1xi32> to vector<512x2048xi32>
    %eq3A_369 = arith.cmpi eq, %iota3A, %eq3A_368 : vector<512x2048xi32>
    %jit3A_370 = arith.constant -3.40282347E+38 : f32
    %broadcast_in_dim3A_371 = vector.broadcast %jit3A_370 : f32 to vector<512x2048xf32>
    %select_n3A_372 = arith.select %eq3A_369, %broadcast_in_dim3A_371, %select_n3A_346 : vector<512x2048xi1>, vector<512x2048xf32>
    %reduce_max3A_373 = arith.constant dense<0xFF800000> : vector<512xf32>
    %reduce_max3A_374 = vector.multi_reduction <maximumf>, %select_n3A_372, %reduce_max3A_373 [1] : vector<512x2048xf32> to vector<512xf32>
    %broadcast_in_dim3A_375 = vector.shape_cast %reduce_max3A_374 : vector<512xf32> to vector<512x1xf32>
    %eq3A_376 = vector.broadcast %broadcast_in_dim3A_375 : vector<512x1xf32> to vector<512x2048xf32>
    %eq3A_377 = arith.cmpf oeq, %select_n3A_372, %eq3A_376 : vector<512x2048xf32>
    %jit3A_378 = arith.constant 2048 : i32
    %broadcast_in_dim3A_379 = vector.broadcast %jit3A_378 : i32 to vector<512x2048xi32>
    %select_n3A_380 = arith.select %eq3A_377, %iota3A, %broadcast_in_dim3A_379 : vector<512x2048xi1>, vector<512x2048xi32>
    %reduce_min3A_381 = arith.constant dense<2147483647> : vector<512xi32>
    %reduce_min3A_382 = vector.multi_reduction <minsi>, %select_n3A_380, %reduce_min3A_381 [1] : vector<512x2048xi32> to vector<512xi32>
    %mul3A_383 = arith.constant 2048 : i32
    %mul3A_384 = arith.muli %arg0, %mul3A_383 : i32
    %add3A_385 = vector.broadcast %mul3A_384 : i32 to vector<512xi32>
    %add3A_386 = arith.addi %reduce_min3A_382, %add3A_385 : vector<512xi32>
    %swap3A_387 = arith.constant 0 : index
    %swap3A_388 = arith.constant 0 : index
    %swap3A_389 = arith.constant 13 : index
    %swap3A_390 = vector.load %arg5[%swap3A_387, %swap3A_388, %swap3A_389] : memref<1x512x16xi32, #tpu.memory_space<vmem>>, vector<1x512x1xi32>
    %swap3A_391 = vector.shape_cast %swap3A_390 : vector<1x512x1xi32> to vector<512xi32>
    %swap3A_392 = vector.shape_cast %add3A_386 : vector<512xi32> to vector<1x512x1xi32>
    tpu.vector_store %arg5[%swap3A_387, %swap3A_388, %swap3A_389], %swap3A_392 {strides = array<i32>} : memref<1x512x16xi32, #tpu.memory_space<vmem>>, vector<1x512x1xi32>,
    %broadcast_in_dim3A_393 = vector.shape_cast %reduce_min3A_382 : vector<512xi32> to vector<512x1xi32>
    %eq3A_394 = vector.broadcast %broadcast_in_dim3A_393 : vector<512x1xi32> to vector<512x2048xi32>
    %eq3A_395 = arith.cmpi eq, %iota3A, %eq3A_394 : vector<512x2048xi32>
    %jit3A_396 = arith.constant -3.40282347E+38 : f32
    %broadcast_in_dim3A_397 = vector.broadcast %jit3A_396 : f32 to vector<512x2048xf32>
    %select_n3A_398 = arith.select %eq3A_395, %broadcast_in_dim3A_397, %select_n3A_372 : vector<512x2048xi1>, vector<512x2048xf32>
    %reduce_max3A_399 = arith.constant dense<0xFF800000> : vector<512xf32>
    %reduce_max3A_400 = vector.multi_reduction <maximumf>, %select_n3A_398, %reduce_max3A_399 [1] : vector<512x2048xf32> to vector<512xf32>
    %broadcast_in_dim3A_401 = vector.shape_cast %reduce_max3A_400 : vector<512xf32> to vector<512x1xf32>
    %eq3A_402 = vector.broadcast %broadcast_in_dim3A_401 : vector<512x1xf32> to vector<512x2048xf32>
    %eq3A_403 = arith.cmpf oeq, %select_n3A_398, %eq3A_402 : vector<512x2048xf32>
    %jit3A_404 = arith.constant 2048 : i32
    %broadcast_in_dim3A_405 = vector.broadcast %jit3A_404 : i32 to vector<512x2048xi32>
    %select_n3A_406 = arith.select %eq3A_403, %iota3A, %broadcast_in_dim3A_405 : vector<512x2048xi1>, vector<512x2048xi32>
    %reduce_min3A_407 = arith.constant dense<2147483647> : vector<512xi32>
    %reduce_min3A_408 = vector.multi_reduction <minsi>, %select_n3A_406, %reduce_min3A_407 [1] : vector<512x2048xi32> to vector<512xi32>
    %mul3A_409 = arith.constant 2048 : i32
    %mul3A_410 = arith.muli %arg0, %mul3A_409 : i32
    %add3A_411 = vector.broadcast %mul3A_410 : i32 to vector<512xi32>
    %add3A_412 = arith.addi %reduce_min3A_408, %add3A_411 : vector<512xi32>
    %swap3A_413 = arith.constant 0 : index
    %swap3A_414 = arith.constant 0 : index
    %swap3A_415 = arith.constant 14 : index
    %swap3A_416 = vector.load %arg5[%swap3A_413, %swap3A_414, %swap3A_415] : memref<1x512x16xi32, #tpu.memory_space<vmem>>, vector<1x512x1xi32>
    %swap3A_417 = vector.shape_cast %swap3A_416 : vector<1x512x1xi32> to vector<512xi32>
    %swap3A_418 = vector.shape_cast %add3A_412 : vector<512xi32> to vector<1x512x1xi32>
    tpu.vector_store %arg5[%swap3A_413, %swap3A_414, %swap3A_415], %swap3A_418 {strides = array<i32>} : memref<1x512x16xi32, #tpu.memory_space<vmem>>, vector<1x512x1xi32>,
    %broadcast_in_dim3A_419 = vector.shape_cast %reduce_min3A_408 : vector<512xi32> to vector<512x1xi32>
    %eq3A_420 = vector.broadcast %broadcast_in_dim3A_419 : vector<512x1xi32> to vector<512x2048xi32>
    %eq3A_421 = arith.cmpi eq, %iota3A, %eq3A_420 : vector<512x2048xi32>
    %jit3A_422 = arith.constant -3.40282347E+38 : f32
    %broadcast_in_dim3A_423 = vector.broadcast %jit3A_422 : f32 to vector<512x2048xf32>
    %select_n3A_424 = arith.select %eq3A_421, %broadcast_in_dim3A_423, %select_n3A_398 : vector<512x2048xi1>, vector<512x2048xf32>
    %reduce_max3A_425 = arith.constant dense<0xFF800000> : vector<512xf32>
    %reduce_max3A_426 = vector.multi_reduction <maximumf>, %select_n3A_424, %reduce_max3A_425 [1] : vector<512x2048xf32> to vector<512xf32>
    %broadcast_in_dim3A_427 = vector.shape_cast %reduce_max3A_426 : vector<512xf32> to vector<512x1xf32>
    %eq3A_428 = vector.broadcast %broadcast_in_dim3A_427 : vector<512x1xf32> to vector<512x2048xf32>
    %eq3A_429 = arith.cmpf oeq, %select_n3A_424, %eq3A_428 : vector<512x2048xf32>
    %jit3A_430 = arith.constant 2048 : i32
    %broadcast_in_dim3A_431 = vector.broadcast %jit3A_430 : i32 to vector<512x2048xi32>
    %select_n3A_432 = arith.select %eq3A_429, %iota3A, %broadcast_in_dim3A_431 : vector<512x2048xi1>, vector<512x2048xi32>
    %reduce_min3A_433 = arith.constant dense<2147483647> : vector<512xi32>
    %reduce_min3A_434 = vector.multi_reduction <minsi>, %select_n3A_432, %reduce_min3A_433 [1] : vector<512x2048xi32> to vector<512xi32>
    %mul3A_435 = arith.constant 2048 : i32
    %mul3A_436 = arith.muli %arg0, %mul3A_435 : i32
    %add3A_437 = vector.broadcast %mul3A_436 : i32 to vector<512xi32>
    %add3A_438 = arith.addi %reduce_min3A_434, %add3A_437 : vector<512xi32>
    %swap3A_439 = arith.constant 0 : index
    %swap3A_440 = arith.constant 0 : index
    %swap3A_441 = arith.constant 15 : index
    %swap3A_442 = vector.load %arg5[%swap3A_439, %swap3A_440, %swap3A_441] : memref<1x512x16xi32, #tpu.memory_space<vmem>>, vector<1x512x1xi32>
    %swap3A_443 = vector.shape_cast %swap3A_442 : vector<1x512x1xi32> to vector<512xi32>
    %swap3A_444 = vector.shape_cast %add3A_438 : vector<512xi32> to vector<1x512x1xi32>
    tpu.vector_store %arg5[%swap3A_439, %swap3A_440, %swap3A_441], %swap3A_444 {strides = array<i32>} : memref<1x512x16xi32, #tpu.memory_space<vmem>>, vector<1x512x1xi32>,
    return
  }
  func.func @transform_0(%arg0: i32, %arg1: i32) -> (i32, i32, i32) {
    %c0_i32 = arith.constant 0 : i32
    %c0_i32_0 = arith.constant 0 : i32
    return %arg0, %arg1, %c0_i32 : i32, i32, i32
  }
  func.func @transform_1(%arg0: i32, %arg1: i32) -> (i32, i32, i32) {
    %c0_i32 = arith.constant 0 : i32
    %c0_i32_0 = arith.constant 0 : i32
    %c0_i32_1 = arith.constant 0 : i32
    return %arg0, %c0_i32, %c0_i32_0 : i32, i32, i32
  }
  func.func @transform_2(%arg0: i32, %arg1: i32) -> (i32, i32, i32) {
    %c0_i32 = arith.constant 0 : i32
    %c0_i32_0 = arith.constant 0 : i32
    %c0_i32_1 = arith.constant 0 : i32
    return %arg0, %c0_i32, %c0_i32_0 : i32, i32, i32
  }
  func.func @transform_3(%arg0: i32, %arg1: i32) -> (i32, i32, i32) {
    %c0_i32 = arith.constant 0 : i32
    %c0_i32_0 = arith.constant 0 : i32
    return %arg0, %arg1, %c0_i32 : i32, i32, i32
  }
}

module attributes {stable_mosaic.version = 14 : i64} {
  func.func @_taylor_conv1_kernel(%arg0: i32, %arg1: i32, %arg2: memref<1x256x256xf32, #tpu.memory_space<vmem>>, %arg3: memref<1x256x6xf32, #tpu.memory_space<vmem>>, %arg4: memref<256x48xf32, #tpu.memory_space<vmem>>, %arg5: memref<320x192xf32, #tpu.memory_space<vmem>>, %arg6: memref<1x192xf32, #tpu.memory_space<vmem>>, %arg7: memref<3x192x256xbf16, #tpu.memory_space<vmem>>, %arg8: memref<3x256x32xbf16, #tpu.memory_space<vmem>>, %arg9: memref<1x32xf32, #tpu.memory_space<vmem>>, %arg10: memref<1x256x192xf32, #tpu.memory_space<vmem>>, %arg11: memref<1x256x32xf32, #tpu.memory_space<vmem>>) attributes {dimension_semantics = [#tpu.dimension_semantics<arbitrary>, #tpu.dimension_semantics<arbitrary>], iteration_bounds = array<i64: 2, 8>, scalar_prefetch = 0 : i64, scratch_operands = 0 : i64, tpu.core_type = #tpu.core_type<tc>, window_params = [{transform_indices = @transform_0, window_bounds = array<i64: 1, 256, 256>}, {transform_indices = @transform_1, window_bounds = array<i64: 1, 256, 6>}, {pipeline_mode = #tpu.pipeline_mode<synchronous>, transform_indices = @transform_2, window_bounds = array<i64: 256, 48>}, {pipeline_mode = #tpu.pipeline_mode<synchronous>, transform_indices = @transform_3, window_bounds = array<i64: 320, 192>}, {pipeline_mode = #tpu.pipeline_mode<synchronous>, transform_indices = @transform_4, window_bounds = array<i64: 1, 192>}, {pipeline_mode = #tpu.pipeline_mode<synchronous>, transform_indices = @transform_5, window_bounds = array<i64: 3, 192, 256>}, {pipeline_mode = #tpu.pipeline_mode<synchronous>, transform_indices = @transform_6, window_bounds = array<i64: 3, 256, 32>}, {pipeline_mode = #tpu.pipeline_mode<synchronous>, transform_indices = @transform_7, window_bounds = array<i64: 1, 32>}, {transform_indices = @transform_8, window_bounds = array<i64: 1, 256, 192>}, {transform_indices = @transform_9, window_bounds = array<i64: 1, 256, 32>}]} {
    %get3A = arith.constant 0 : index
    %get3A_0 = arith.constant 0 : index
    %get3A_1 = arith.constant 0 : index
    %get3A_2 = vector.load %arg2[%get3A, %get3A_0, %get3A_1] : memref<1x256x256xf32, #tpu.memory_space<vmem>>, vector<1x256x256xf32>
    %get3A_3 = vector.shape_cast %get3A_2 : vector<1x256x256xf32> to vector<256x256xf32>
    %get3A_4 = arith.constant 0 : index
    %get3A_5 = arith.constant 0 : index
    %get3A_6 = vector.load %arg4[%get3A_4, %get3A_5] : memref<256x48xf32, #tpu.memory_space<vmem>>, vector<256x48xf32>
    %dot_general3A = arith.constant dense<0.000000e+00> : vector<256x48xf32>
    %dot_general3A_7 = tpu.matmul %get3A_3, %get3A_6, %dot_general3A {dimension_numbers = #tpu.dot_dimension_numbers<[1], [0], [0], [1], [0, 0, 1, 1], [], []>, precision = #tpu.contract_precision<fp32>, transpose_lhs_hint = false} : vector<256x256xf32>, vector<256x48xf32>, vector<256x48xf32> -> vector<256x48xf32>
    %get3A_8 = arith.constant 0 : index
    %get3A_9 = arith.constant 0 : index
    %get3A_10 = arith.constant 0 : index
    %get3A_11 = vector.load %arg3[%get3A_8, %get3A_9, %get3A_10] : memref<1x256x6xf32, #tpu.memory_space<vmem>>, vector<1x256x1xf32>
    %get3A_12 = vector.shape_cast %get3A_11 : vector<1x256x1xf32> to vector<256x1xf32>
    %get3A_13 = arith.constant 0 : index
    %get3A_14 = arith.constant 0 : index
    %get3A_15 = arith.constant 1 : index
    %get3A_16 = vector.load %arg3[%get3A_13, %get3A_14, %get3A_15] : memref<1x256x6xf32, #tpu.memory_space<vmem>>, vector<1x256x1xf32>
    %get3A_17 = vector.shape_cast %get3A_16 : vector<1x256x1xf32> to vector<256x1xf32>
    %get3A_18 = arith.constant 0 : index
    %get3A_19 = arith.constant 0 : index
    %get3A_20 = arith.constant 2 : index
    %get3A_21 = vector.load %arg3[%get3A_18, %get3A_19, %get3A_20] : memref<1x256x6xf32, #tpu.memory_space<vmem>>, vector<1x256x1xf32>
    %get3A_22 = vector.shape_cast %get3A_21 : vector<1x256x1xf32> to vector<256x1xf32>
    %slice3A = vector.extract_strided_slice %dot_general3A_7 {offsets = [0, 0], sizes = [256, 16], strides = [1, 1]} : vector<256x48xf32> to vector<256x16xf32>
    %sub3A = vector.broadcast %get3A_12 : vector<256x1xf32> to vector<256x16xf32>
    %sub3A_23 = arith.subf %slice3A, %sub3A : vector<256x16xf32>
    %slice3A_24 = vector.extract_strided_slice %dot_general3A_7 {offsets = [0, 16], sizes = [256, 16], strides = [1, 1]} : vector<256x48xf32> to vector<256x16xf32>
    %sub3A_25 = vector.broadcast %get3A_17 : vector<256x1xf32> to vector<256x16xf32>
    %sub3A_26 = arith.subf %slice3A_24, %sub3A_25 : vector<256x16xf32>
    %slice3A_27 = vector.extract_strided_slice %dot_general3A_7 {offsets = [0, 32], sizes = [256, 16], strides = [1, 1]} : vector<256x48xf32> to vector<256x16xf32>
    %sub3A_28 = vector.broadcast %get3A_22 : vector<256x1xf32> to vector<256x16xf32>
    %sub3A_29 = arith.subf %slice3A_27, %sub3A_28 : vector<256x16xf32>
    %broadcast_in_dim3A = arith.constant 1.000000e+00 : f32
    %broadcast_in_dim3A_30 = vector.broadcast %broadcast_in_dim3A : f32 to vector<256x16xf32>
    %mul3A = arith.mulf %sub3A_23, %sub3A_26 : vector<256x16xf32>
    %mul3A_31 = arith.mulf %sub3A_23, %sub3A_29 : vector<256x16xf32>
    %mul3A_32 = arith.mulf %sub3A_26, %sub3A_29 : vector<256x16xf32>
    %mul3A_33 = arith.mulf %sub3A_23, %sub3A_23 : vector<256x16xf32>
    %mul3A_34 = arith.mulf %sub3A_26, %sub3A_26 : vector<256x16xf32>
    %mul3A_35 = arith.mulf %sub3A_29, %sub3A_29 : vector<256x16xf32>
    %mul3A_36 = arith.mulf %mul3A, %sub3A_29 : vector<256x16xf32>
    %mul3A_37 = arith.mulf %mul3A_33, %sub3A_26 : vector<256x16xf32>
    %mul3A_38 = arith.mulf %mul3A_33, %sub3A_29 : vector<256x16xf32>
    %mul3A_39 = arith.mulf %sub3A_23, %mul3A_34 : vector<256x16xf32>
    %mul3A_40 = arith.mulf %mul3A_34, %sub3A_29 : vector<256x16xf32>
    %mul3A_41 = arith.mulf %sub3A_23, %mul3A_35 : vector<256x16xf32>
    %mul3A_42 = arith.mulf %sub3A_26, %mul3A_35 : vector<256x16xf32>
    %mul3A_43 = arith.mulf %mul3A_33, %sub3A_23 : vector<256x16xf32>
    %mul3A_44 = arith.mulf %mul3A_34, %sub3A_26 : vector<256x16xf32>
    %mul3A_45 = arith.mulf %mul3A_35, %sub3A_29 : vector<256x16xf32>
    %concatenate3A = tpu.concatenate %broadcast_in_dim3A_30, %sub3A_23, %sub3A_26, %sub3A_29, %mul3A, %mul3A_31, %mul3A_32, %mul3A_33, %mul3A_34, %mul3A_35, %mul3A_36, %mul3A_37, %mul3A_38, %mul3A_39, %mul3A_40, %mul3A_41, %mul3A_42, %mul3A_43, %mul3A_44, %mul3A_45 in 1 : vector<256x16xf32>, vector<256x16xf32>, vector<256x16xf32>, vector<256x16xf32>, vector<256x16xf32>, vector<256x16xf32>, vector<256x16xf32>, vector<256x16xf32>, vector<256x16xf32>, vector<256x16xf32>, vector<256x16xf32>, vector<256x16xf32>, vector<256x16xf32>, vector<256x16xf32>, vector<256x16xf32>, vector<256x16xf32>, vector<256x16xf32>, vector<256x16xf32>, vector<256x16xf32>, vector<256x16xf32> -> vector<256x320xf32>
    %get3A_46 = arith.constant 0 : index
    %get3A_47 = arith.constant 0 : index
    %get3A_48 = vector.load %arg5[%get3A_46, %get3A_47] : memref<320x192xf32, #tpu.memory_space<vmem>>, vector<320x192xf32>
    %dot_general3A_49 = arith.constant dense<0.000000e+00> : vector<256x192xf32>
    %dot_general3A_50 = tpu.matmul %concatenate3A, %get3A_48, %dot_general3A_49 {dimension_numbers = #tpu.dot_dimension_numbers<[1], [0], [0], [1], [0, 0, 1, 1], [], []>, transpose_lhs_hint = false} : vector<256x320xf32>, vector<320x192xf32>, vector<256x192xf32> -> vector<256x192xf32>
    %get3A_51 = arith.constant 0 : index
    %get3A_52 = arith.constant 0 : index
    %get3A_53 = vector.load %arg6[%get3A_51, %get3A_52] : memref<1x192xf32, #tpu.memory_space<vmem>>, vector<1x192xf32>
    %get3A_54 = vector.shape_cast %get3A_53 : vector<1x192xf32> to vector<192xf32>
    %broadcast_in_dim3A_55 = vector.shape_cast %get3A_54 : vector<192xf32> to vector<1x192xf32>
    %add3A = vector.broadcast %broadcast_in_dim3A_55 : vector<1x192xf32> to vector<256x192xf32>
    %add3A_56 = arith.addf %dot_general3A_50, %add3A : vector<256x192xf32>
    %swap3A = arith.constant 0 : index
    %swap3A_57 = arith.constant 0 : index
    %swap3A_58 = arith.constant 0 : index
    %swap3A_59 = vector.load %arg10[%swap3A, %swap3A_57, %swap3A_58] : memref<1x256x192xf32, #tpu.memory_space<vmem>>, vector<1x256x192xf32>
    %swap3A_60 = vector.shape_cast %swap3A_59 : vector<1x256x192xf32> to vector<256x192xf32>
    %swap3A_61 = vector.shape_cast %add3A_56 : vector<256x192xf32> to vector<1x256x192xf32>
    tpu.vector_store %arg10[%swap3A, %swap3A_57, %swap3A_58], %swap3A_61 {strides = array<i32>} : memref<1x256x192xf32, #tpu.memory_space<vmem>>, vector<1x256x192xf32>,
    %get3A_62 = arith.constant 0 : index
    %get3A_63 = arith.constant 0 : index
    %get3A_64 = arith.constant 0 : index
    %get3A_65 = vector.load %arg2[%get3A_62, %get3A_63, %get3A_64] : memref<1x256x256xf32, #tpu.memory_space<vmem>>, vector<1x256x256xf32>
    %get3A_66 = vector.shape_cast %get3A_65 : vector<1x256x256xf32> to vector<256x256xf32>
    %get3A_67 = arith.constant 0 : index
    %get3A_68 = arith.constant 0 : index
    %get3A_69 = arith.constant 0 : index
    %get3A_70 = vector.load %arg7[%get3A_67, %get3A_68, %get3A_69] : memref<3x192x256xbf16, #tpu.memory_space<vmem>>, vector<1x192x256xbf16>
    %get3A_71 = vector.shape_cast %get3A_70 : vector<1x192x256xbf16> to vector<192x256xbf16>
    %dot_general3A_72 = arith.constant dense<0.000000e+00> : vector<256x256xf32>
    %dot_general3A_73 = tpu.matmul %add3A_56, %get3A_71, %dot_general3A_72 {dimension_numbers = #tpu.dot_dimension_numbers<[1], [0], [0], [1], [0, 0, 1, 1], [], []>, transpose_lhs_hint = false} : vector<256x192xf32>, vector<192x256xbf16>, vector<256x256xf32> -> vector<256x256xf32>
    %mul3A_74 = arith.mulf %get3A_66, %dot_general3A_73 : vector<256x256xf32>
    %get3A_75 = arith.constant 0 : index
    %get3A_76 = arith.constant 0 : index
    %get3A_77 = arith.constant 0 : index
    %get3A_78 = vector.load %arg8[%get3A_75, %get3A_76, %get3A_77] : memref<3x256x32xbf16, #tpu.memory_space<vmem>>, vector<1x256x32xbf16>
    %get3A_79 = vector.shape_cast %get3A_78 : vector<1x256x32xbf16> to vector<256x32xbf16>
    %dot_general3A_80 = arith.constant dense<0.000000e+00> : vector<256x32xf32>
    %dot_general3A_81 = tpu.matmul %mul3A_74, %get3A_79, %dot_general3A_80 {dimension_numbers = #tpu.dot_dimension_numbers<[1], [0], [0], [1], [0, 0, 1, 1], [], []>, transpose_lhs_hint = false} : vector<256x256xf32>, vector<256x32xbf16>, vector<256x32xf32> -> vector<256x32xf32>
    %get3A_82 = arith.constant 1 : index
    %get3A_83 = arith.constant 0 : index
    %get3A_84 = arith.constant 0 : index
    %get3A_85 = vector.load %arg7[%get3A_82, %get3A_83, %get3A_84] : memref<3x192x256xbf16, #tpu.memory_space<vmem>>, vector<1x192x256xbf16>
    %get3A_86 = vector.shape_cast %get3A_85 : vector<1x192x256xbf16> to vector<192x256xbf16>
    %dot_general3A_87 = arith.constant dense<0.000000e+00> : vector<256x256xf32>
    %dot_general3A_88 = tpu.matmul %add3A_56, %get3A_86, %dot_general3A_87 {dimension_numbers = #tpu.dot_dimension_numbers<[1], [0], [0], [1], [0, 0, 1, 1], [], []>, transpose_lhs_hint = false} : vector<256x192xf32>, vector<192x256xbf16>, vector<256x256xf32> -> vector<256x256xf32>
    %mul3A_89 = arith.mulf %get3A_66, %dot_general3A_88 : vector<256x256xf32>
    %get3A_90 = arith.constant 1 : index
    %get3A_91 = arith.constant 0 : index
    %get3A_92 = arith.constant 0 : index
    %get3A_93 = vector.load %arg8[%get3A_90, %get3A_91, %get3A_92] : memref<3x256x32xbf16, #tpu.memory_space<vmem>>, vector<1x256x32xbf16>
    %get3A_94 = vector.shape_cast %get3A_93 : vector<1x256x32xbf16> to vector<256x32xbf16>
    %dot_general3A_95 = arith.constant dense<0.000000e+00> : vector<256x32xf32>
    %dot_general3A_96 = tpu.matmul %mul3A_89, %get3A_94, %dot_general3A_95 {dimension_numbers = #tpu.dot_dimension_numbers<[1], [0], [0], [1], [0, 0, 1, 1], [], []>, transpose_lhs_hint = false} : vector<256x256xf32>, vector<256x32xbf16>, vector<256x32xf32> -> vector<256x32xf32>
    %add3A_97 = arith.addf %dot_general3A_81, %dot_general3A_96 : vector<256x32xf32>
    %get3A_98 = arith.constant 2 : index
    %get3A_99 = arith.constant 0 : index
    %get3A_100 = arith.constant 0 : index
    %get3A_101 = vector.load %arg7[%get3A_98, %get3A_99, %get3A_100] : memref<3x192x256xbf16, #tpu.memory_space<vmem>>, vector<1x192x256xbf16>
    %get3A_102 = vector.shape_cast %get3A_101 : vector<1x192x256xbf16> to vector<192x256xbf16>
    %dot_general3A_103 = arith.constant dense<0.000000e+00> : vector<256x256xf32>
    %dot_general3A_104 = tpu.matmul %add3A_56, %get3A_102, %dot_general3A_103 {dimension_numbers = #tpu.dot_dimension_numbers<[1], [0], [0], [1], [0, 0, 1, 1], [], []>, transpose_lhs_hint = false} : vector<256x192xf32>, vector<192x256xbf16>, vector<256x256xf32> -> vector<256x256xf32>
    %mul3A_105 = arith.mulf %get3A_66, %dot_general3A_104 : vector<256x256xf32>
    %get3A_106 = arith.constant 2 : index
    %get3A_107 = arith.constant 0 : index
    %get3A_108 = arith.constant 0 : index
    %get3A_109 = vector.load %arg8[%get3A_106, %get3A_107, %get3A_108] : memref<3x256x32xbf16, #tpu.memory_space<vmem>>, vector<1x256x32xbf16>
    %get3A_110 = vector.shape_cast %get3A_109 : vector<1x256x32xbf16> to vector<256x32xbf16>
    %dot_general3A_111 = arith.constant dense<0.000000e+00> : vector<256x32xf32>
    %dot_general3A_112 = tpu.matmul %mul3A_105, %get3A_110, %dot_general3A_111 {dimension_numbers = #tpu.dot_dimension_numbers<[1], [0], [0], [1], [0, 0, 1, 1], [], []>, transpose_lhs_hint = false} : vector<256x256xf32>, vector<256x32xbf16>, vector<256x32xf32> -> vector<256x32xf32>
    %add3A_113 = arith.addf %add3A_97, %dot_general3A_112 : vector<256x32xf32>
    %get3A_114 = arith.constant 0 : index
    %get3A_115 = arith.constant 0 : index
    %get3A_116 = vector.load %arg9[%get3A_114, %get3A_115] : memref<1x32xf32, #tpu.memory_space<vmem>>, vector<1x32xf32>
    %get3A_117 = vector.shape_cast %get3A_116 : vector<1x32xf32> to vector<32xf32>
    %broadcast_in_dim3A_118 = vector.shape_cast %get3A_117 : vector<32xf32> to vector<1x32xf32>
    %add3A_119 = vector.broadcast %broadcast_in_dim3A_118 : vector<1x32xf32> to vector<256x32xf32>
    %add3A_120 = arith.addf %add3A_113, %add3A_119 : vector<256x32xf32>
    %max3A = arith.constant 0.000000e+00 : f32
    %max3A_121 = vector.broadcast %max3A : f32 to vector<256x32xf32>
    %max3A_122 = arith.maximumf %add3A_120, %max3A_121 : vector<256x32xf32>
    %swap3A_123 = arith.constant 0 : index
    %swap3A_124 = arith.constant 0 : index
    %swap3A_125 = arith.constant 0 : index
    %swap3A_126 = vector.load %arg11[%swap3A_123, %swap3A_124, %swap3A_125] : memref<1x256x32xf32, #tpu.memory_space<vmem>>, vector<1x256x32xf32>
    %swap3A_127 = vector.shape_cast %swap3A_126 : vector<1x256x32xf32> to vector<256x32xf32>
    %swap3A_128 = vector.shape_cast %max3A_122 : vector<256x32xf32> to vector<1x256x32xf32>
    tpu.vector_store %arg11[%swap3A_123, %swap3A_124, %swap3A_125], %swap3A_128 {strides = array<i32>} : memref<1x256x32xf32, #tpu.memory_space<vmem>>, vector<1x256x32xf32>,
    return
  }
  func.func @transform_0(%arg0: i32, %arg1: i32) -> (i32, i32, i32) {
    %c0_i32 = arith.constant 0 : i32
    %c0_i32_0 = arith.constant 0 : i32
    return %arg0, %arg1, %c0_i32 : i32, i32, i32
  }
  func.func @transform_1(%arg0: i32, %arg1: i32) -> (i32, i32, i32) {
    %c0_i32 = arith.constant 0 : i32
    %c0_i32_0 = arith.constant 0 : i32
    return %arg0, %arg1, %c0_i32 : i32, i32, i32
  }
  func.func @transform_2(%arg0: i32, %arg1: i32) -> (i32, i32) {
    %c0_i32 = arith.constant 0 : i32
    %c0_i32_0 = arith.constant 0 : i32
    %c0_i32_1 = arith.constant 0 : i32
    return %c0_i32, %c0_i32_0 : i32, i32
  }
  func.func @transform_3(%arg0: i32, %arg1: i32) -> (i32, i32) {
    %c0_i32 = arith.constant 0 : i32
    %c0_i32_0 = arith.constant 0 : i32
    %c0_i32_1 = arith.constant 0 : i32
    return %c0_i32, %c0_i32_0 : i32, i32
  }
  func.func @transform_4(%arg0: i32, %arg1: i32) -> (i32, i32) {
    %c0_i32 = arith.constant 0 : i32
    %c0_i32_0 = arith.constant 0 : i32
    %c0_i32_1 = arith.constant 0 : i32
    return %c0_i32, %c0_i32_0 : i32, i32
  }
  func.func @transform_5(%arg0: i32, %arg1: i32) -> (i32, i32, i32) {
    %c0_i32 = arith.constant 0 : i32
    %c0_i32_0 = arith.constant 0 : i32
    %c0_i32_1 = arith.constant 0 : i32
    %c0_i32_2 = arith.constant 0 : i32
    return %c0_i32, %c0_i32_0, %c0_i32_1 : i32, i32, i32
  }
  func.func @transform_6(%arg0: i32, %arg1: i32) -> (i32, i32, i32) {
    %c0_i32 = arith.constant 0 : i32
    %c0_i32_0 = arith.constant 0 : i32
    %c0_i32_1 = arith.constant 0 : i32
    %c0_i32_2 = arith.constant 0 : i32
    return %c0_i32, %c0_i32_0, %c0_i32_1 : i32, i32, i32
  }
  func.func @transform_7(%arg0: i32, %arg1: i32) -> (i32, i32) {
    %c0_i32 = arith.constant 0 : i32
    %c0_i32_0 = arith.constant 0 : i32
    %c0_i32_1 = arith.constant 0 : i32
    return %c0_i32, %c0_i32_0 : i32, i32
  }
  func.func @transform_8(%arg0: i32, %arg1: i32) -> (i32, i32, i32) {
    %c0_i32 = arith.constant 0 : i32
    %c0_i32_0 = arith.constant 0 : i32
    return %arg0, %arg1, %c0_i32 : i32, i32, i32
  }
  func.func @transform_9(%arg0: i32, %arg1: i32) -> (i32, i32, i32) {
    %c0_i32 = arith.constant 0 : i32
    %c0_i32_0 = arith.constant 0 : i32
    return %arg0, %arg1, %c0_i32 : i32, i32, i32
  }
}

module attributes {stable_mosaic.version = 14 : i64} {
  func.func @conv_kernel(%arg0: i32, %arg1: i32, %arg2: memref<1x256x512xf32, #tpu.memory_space<vmem>>, %arg3: memref<1x256x192xf32, #tpu.memory_space<vmem>>, %arg4: memref<3x192x512xbf16, #tpu.memory_space<vmem>>, %arg5: memref<3x512x64xbf16, #tpu.memory_space<vmem>>, %arg6: memref<1x64xf32, #tpu.memory_space<vmem>>, %arg7: memref<1x256x64xf32, #tpu.memory_space<vmem>>) attributes {dimension_semantics = [#tpu.dimension_semantics<arbitrary>, #tpu.dimension_semantics<arbitrary>], iteration_bounds = array<i64: 2, 8>, scalar_prefetch = 0 : i64, scratch_operands = 0 : i64, tpu.core_type = #tpu.core_type<tc>, window_params = [{transform_indices = @transform_0, window_bounds = array<i64: 1, 256, 512>}, {transform_indices = @transform_1, window_bounds = array<i64: 1, 256, 192>}, {pipeline_mode = #tpu.pipeline_mode<synchronous>, transform_indices = @transform_2, window_bounds = array<i64: 3, 192, 512>}, {pipeline_mode = #tpu.pipeline_mode<synchronous>, transform_indices = @transform_3, window_bounds = array<i64: 3, 512, 64>}, {pipeline_mode = #tpu.pipeline_mode<synchronous>, transform_indices = @transform_4, window_bounds = array<i64: 1, 64>}, {transform_indices = @transform_5, window_bounds = array<i64: 1, 256, 64>}]} {
    %get3A = arith.constant 0 : index
    %get3A_0 = arith.constant 0 : index
    %get3A_1 = arith.constant 0 : index
    %get3A_2 = vector.load %arg2[%get3A, %get3A_0, %get3A_1] : memref<1x256x512xf32, #tpu.memory_space<vmem>>, vector<1x256x512xf32>
    %get3A_3 = vector.shape_cast %get3A_2 : vector<1x256x512xf32> to vector<256x512xf32>
    %get3A_4 = arith.constant 0 : index
    %get3A_5 = arith.constant 0 : index
    %get3A_6 = arith.constant 0 : index
    %get3A_7 = vector.load %arg3[%get3A_4, %get3A_5, %get3A_6] : memref<1x256x192xf32, #tpu.memory_space<vmem>>, vector<1x256x192xf32>
    %get3A_8 = vector.shape_cast %get3A_7 : vector<1x256x192xf32> to vector<256x192xf32>
    %get3A_9 = arith.constant 0 : index
    %get3A_10 = arith.constant 0 : index
    %get3A_11 = arith.constant 0 : index
    %get3A_12 = vector.load %arg4[%get3A_9, %get3A_10, %get3A_11] : memref<3x192x512xbf16, #tpu.memory_space<vmem>>, vector<1x192x512xbf16>
    %get3A_13 = vector.shape_cast %get3A_12 : vector<1x192x512xbf16> to vector<192x512xbf16>
    %dot_general3A = arith.constant dense<0.000000e+00> : vector<256x512xf32>
    %dot_general3A_14 = tpu.matmul %get3A_8, %get3A_13, %dot_general3A {dimension_numbers = #tpu.dot_dimension_numbers<[1], [0], [0], [1], [0, 0, 1, 1], [], []>, transpose_lhs_hint = false} : vector<256x192xf32>, vector<192x512xbf16>, vector<256x512xf32> -> vector<256x512xf32>
    %mul3A = arith.mulf %get3A_3, %dot_general3A_14 : vector<256x512xf32>
    %get3A_15 = arith.constant 0 : index
    %get3A_16 = arith.constant 0 : index
    %get3A_17 = arith.constant 0 : index
    %get3A_18 = vector.load %arg5[%get3A_15, %get3A_16, %get3A_17] : memref<3x512x64xbf16, #tpu.memory_space<vmem>>, vector<1x512x64xbf16>
    %get3A_19 = vector.shape_cast %get3A_18 : vector<1x512x64xbf16> to vector<512x64xbf16>
    %dot_general3A_20 = arith.constant dense<0.000000e+00> : vector<256x64xf32>
    %dot_general3A_21 = tpu.matmul %mul3A, %get3A_19, %dot_general3A_20 {dimension_numbers = #tpu.dot_dimension_numbers<[1], [0], [0], [1], [0, 0, 1, 1], [], []>, transpose_lhs_hint = false} : vector<256x512xf32>, vector<512x64xbf16>, vector<256x64xf32> -> vector<256x64xf32>
    %get3A_22 = arith.constant 1 : index
    %get3A_23 = arith.constant 0 : index
    %get3A_24 = arith.constant 0 : index
    %get3A_25 = vector.load %arg4[%get3A_22, %get3A_23, %get3A_24] : memref<3x192x512xbf16, #tpu.memory_space<vmem>>, vector<1x192x512xbf16>
    %get3A_26 = vector.shape_cast %get3A_25 : vector<1x192x512xbf16> to vector<192x512xbf16>
    %dot_general3A_27 = arith.constant dense<0.000000e+00> : vector<256x512xf32>
    %dot_general3A_28 = tpu.matmul %get3A_8, %get3A_26, %dot_general3A_27 {dimension_numbers = #tpu.dot_dimension_numbers<[1], [0], [0], [1], [0, 0, 1, 1], [], []>, transpose_lhs_hint = false} : vector<256x192xf32>, vector<192x512xbf16>, vector<256x512xf32> -> vector<256x512xf32>
    %mul3A_29 = arith.mulf %get3A_3, %dot_general3A_28 : vector<256x512xf32>
    %get3A_30 = arith.constant 1 : index
    %get3A_31 = arith.constant 0 : index
    %get3A_32 = arith.constant 0 : index
    %get3A_33 = vector.load %arg5[%get3A_30, %get3A_31, %get3A_32] : memref<3x512x64xbf16, #tpu.memory_space<vmem>>, vector<1x512x64xbf16>
    %get3A_34 = vector.shape_cast %get3A_33 : vector<1x512x64xbf16> to vector<512x64xbf16>
    %dot_general3A_35 = arith.constant dense<0.000000e+00> : vector<256x64xf32>
    %dot_general3A_36 = tpu.matmul %mul3A_29, %get3A_34, %dot_general3A_35 {dimension_numbers = #tpu.dot_dimension_numbers<[1], [0], [0], [1], [0, 0, 1, 1], [], []>, transpose_lhs_hint = false} : vector<256x512xf32>, vector<512x64xbf16>, vector<256x64xf32> -> vector<256x64xf32>
    %add3A = arith.addf %dot_general3A_21, %dot_general3A_36 : vector<256x64xf32>
    %get3A_37 = arith.constant 2 : index
    %get3A_38 = arith.constant 0 : index
    %get3A_39 = arith.constant 0 : index
    %get3A_40 = vector.load %arg4[%get3A_37, %get3A_38, %get3A_39] : memref<3x192x512xbf16, #tpu.memory_space<vmem>>, vector<1x192x512xbf16>
    %get3A_41 = vector.shape_cast %get3A_40 : vector<1x192x512xbf16> to vector<192x512xbf16>
    %dot_general3A_42 = arith.constant dense<0.000000e+00> : vector<256x512xf32>
    %dot_general3A_43 = tpu.matmul %get3A_8, %get3A_41, %dot_general3A_42 {dimension_numbers = #tpu.dot_dimension_numbers<[1], [0], [0], [1], [0, 0, 1, 1], [], []>, transpose_lhs_hint = false} : vector<256x192xf32>, vector<192x512xbf16>, vector<256x512xf32> -> vector<256x512xf32>
    %mul3A_44 = arith.mulf %get3A_3, %dot_general3A_43 : vector<256x512xf32>
    %get3A_45 = arith.constant 2 : index
    %get3A_46 = arith.constant 0 : index
    %get3A_47 = arith.constant 0 : index
    %get3A_48 = vector.load %arg5[%get3A_45, %get3A_46, %get3A_47] : memref<3x512x64xbf16, #tpu.memory_space<vmem>>, vector<1x512x64xbf16>
    %get3A_49 = vector.shape_cast %get3A_48 : vector<1x512x64xbf16> to vector<512x64xbf16>
    %dot_general3A_50 = arith.constant dense<0.000000e+00> : vector<256x64xf32>
    %dot_general3A_51 = tpu.matmul %mul3A_44, %get3A_49, %dot_general3A_50 {dimension_numbers = #tpu.dot_dimension_numbers<[1], [0], [0], [1], [0, 0, 1, 1], [], []>, transpose_lhs_hint = false} : vector<256x512xf32>, vector<512x64xbf16>, vector<256x64xf32> -> vector<256x64xf32>
    %add3A_52 = arith.addf %add3A, %dot_general3A_51 : vector<256x64xf32>
    %get3A_53 = arith.constant 0 : index
    %get3A_54 = arith.constant 0 : index
    %get3A_55 = vector.load %arg6[%get3A_53, %get3A_54] : memref<1x64xf32, #tpu.memory_space<vmem>>, vector<1x64xf32>
    %get3A_56 = vector.shape_cast %get3A_55 : vector<1x64xf32> to vector<64xf32>
    %broadcast_in_dim3A = vector.shape_cast %get3A_56 : vector<64xf32> to vector<1x64xf32>
    %add3A_57 = vector.broadcast %broadcast_in_dim3A : vector<1x64xf32> to vector<256x64xf32>
    %add3A_58 = arith.addf %add3A_52, %add3A_57 : vector<256x64xf32>
    %max3A = arith.constant 0.000000e+00 : f32
    %max3A_59 = vector.broadcast %max3A : f32 to vector<256x64xf32>
    %max3A_60 = arith.maximumf %add3A_58, %max3A_59 : vector<256x64xf32>
    %swap3A = arith.constant 0 : index
    %swap3A_61 = arith.constant 0 : index
    %swap3A_62 = arith.constant 0 : index
    %swap3A_63 = vector.load %arg7[%swap3A, %swap3A_61, %swap3A_62] : memref<1x256x64xf32, #tpu.memory_space<vmem>>, vector<1x256x64xf32>
    %swap3A_64 = vector.shape_cast %swap3A_63 : vector<1x256x64xf32> to vector<256x64xf32>
    %swap3A_65 = vector.shape_cast %max3A_60 : vector<256x64xf32> to vector<1x256x64xf32>
    tpu.vector_store %arg7[%swap3A, %swap3A_61, %swap3A_62], %swap3A_65 {strides = array<i32>} : memref<1x256x64xf32, #tpu.memory_space<vmem>>, vector<1x256x64xf32>,
    return
  }
  func.func @transform_0(%arg0: i32, %arg1: i32) -> (i32, i32, i32) {
    %c0_i32 = arith.constant 0 : i32
    %c0_i32_0 = arith.constant 0 : i32
    return %arg0, %arg1, %c0_i32 : i32, i32, i32
  }
  func.func @transform_1(%arg0: i32, %arg1: i32) -> (i32, i32, i32) {
    %c0_i32 = arith.constant 0 : i32
    %c0_i32_0 = arith.constant 0 : i32
    return %arg0, %arg1, %c0_i32 : i32, i32, i32
  }
  func.func @transform_2(%arg0: i32, %arg1: i32) -> (i32, i32, i32) {
    %c0_i32 = arith.constant 0 : i32
    %c0_i32_0 = arith.constant 0 : i32
    %c0_i32_1 = arith.constant 0 : i32
    %c0_i32_2 = arith.constant 0 : i32
    return %c0_i32, %c0_i32_0, %c0_i32_1 : i32, i32, i32
  }
  func.func @transform_3(%arg0: i32, %arg1: i32) -> (i32, i32, i32) {
    %c0_i32 = arith.constant 0 : i32
    %c0_i32_0 = arith.constant 0 : i32
    %c0_i32_1 = arith.constant 0 : i32
    %c0_i32_2 = arith.constant 0 : i32
    return %c0_i32, %c0_i32_0, %c0_i32_1 : i32, i32, i32
  }
  func.func @transform_4(%arg0: i32, %arg1: i32) -> (i32, i32) {
    %c0_i32 = arith.constant 0 : i32
    %c0_i32_0 = arith.constant 0 : i32
    %c0_i32_1 = arith.constant 0 : i32
    return %c0_i32, %c0_i32_0 : i32, i32
  }
  func.func @transform_5(%arg0: i32, %arg1: i32) -> (i32, i32, i32) {
    %c0_i32 = arith.constant 0 : i32
    %c0_i32_0 = arith.constant 0 : i32
    return %arg0, %arg1, %c0_i32 : i32, i32, i32
  }
}

module attributes {stable_mosaic.version = 14 : i64} {
  func.func @conv_kernel(%arg0: i32, %arg1: i32, %arg2: memref<1x256x1024xf32, #tpu.memory_space<vmem>>, %arg3: memref<1x256x192xf32, #tpu.memory_space<vmem>>, %arg4: memref<3x192x1024xbf16, #tpu.memory_space<vmem>>, %arg5: memref<3x1024x128xbf16, #tpu.memory_space<vmem>>, %arg6: memref<1x128xf32, #tpu.memory_space<vmem>>, %arg7: memref<1x256x128xf32, #tpu.memory_space<vmem>>) attributes {dimension_semantics = [#tpu.dimension_semantics<arbitrary>, #tpu.dimension_semantics<arbitrary>], iteration_bounds = array<i64: 2, 8>, scalar_prefetch = 0 : i64, scratch_operands = 0 : i64, tpu.core_type = #tpu.core_type<tc>, window_params = [{transform_indices = @transform_0, window_bounds = array<i64: 1, 256, 1024>}, {transform_indices = @transform_1, window_bounds = array<i64: 1, 256, 192>}, {pipeline_mode = #tpu.pipeline_mode<synchronous>, transform_indices = @transform_2, window_bounds = array<i64: 3, 192, 1024>}, {pipeline_mode = #tpu.pipeline_mode<synchronous>, transform_indices = @transform_3, window_bounds = array<i64: 3, 1024, 128>}, {pipeline_mode = #tpu.pipeline_mode<synchronous>, transform_indices = @transform_4, window_bounds = array<i64: 1, 128>}, {transform_indices = @transform_5, window_bounds = array<i64: 1, 256, 128>}]} {
    %get3A = arith.constant 0 : index
    %get3A_0 = arith.constant 0 : index
    %get3A_1 = arith.constant 0 : index
    %get3A_2 = vector.load %arg2[%get3A, %get3A_0, %get3A_1] : memref<1x256x1024xf32, #tpu.memory_space<vmem>>, vector<1x256x1024xf32>
    %get3A_3 = vector.shape_cast %get3A_2 : vector<1x256x1024xf32> to vector<256x1024xf32>
    %get3A_4 = arith.constant 0 : index
    %get3A_5 = arith.constant 0 : index
    %get3A_6 = arith.constant 0 : index
    %get3A_7 = vector.load %arg3[%get3A_4, %get3A_5, %get3A_6] : memref<1x256x192xf32, #tpu.memory_space<vmem>>, vector<1x256x192xf32>
    %get3A_8 = vector.shape_cast %get3A_7 : vector<1x256x192xf32> to vector<256x192xf32>
    %get3A_9 = arith.constant 0 : index
    %get3A_10 = arith.constant 0 : index
    %get3A_11 = arith.constant 0 : index
    %get3A_12 = vector.load %arg4[%get3A_9, %get3A_10, %get3A_11] : memref<3x192x1024xbf16, #tpu.memory_space<vmem>>, vector<1x192x1024xbf16>
    %get3A_13 = vector.shape_cast %get3A_12 : vector<1x192x1024xbf16> to vector<192x1024xbf16>
    %dot_general3A = arith.constant dense<0.000000e+00> : vector<256x1024xf32>
    %dot_general3A_14 = tpu.matmul %get3A_8, %get3A_13, %dot_general3A {dimension_numbers = #tpu.dot_dimension_numbers<[1], [0], [0], [1], [0, 0, 1, 1], [], []>, transpose_lhs_hint = false} : vector<256x192xf32>, vector<192x1024xbf16>, vector<256x1024xf32> -> vector<256x1024xf32>
    %mul3A = arith.mulf %get3A_3, %dot_general3A_14 : vector<256x1024xf32>
    %get3A_15 = arith.constant 0 : index
    %get3A_16 = arith.constant 0 : index
    %get3A_17 = arith.constant 0 : index
    %get3A_18 = vector.load %arg5[%get3A_15, %get3A_16, %get3A_17] : memref<3x1024x128xbf16, #tpu.memory_space<vmem>>, vector<1x1024x128xbf16>
    %get3A_19 = vector.shape_cast %get3A_18 : vector<1x1024x128xbf16> to vector<1024x128xbf16>
    %dot_general3A_20 = arith.constant dense<0.000000e+00> : vector<256x128xf32>
    %dot_general3A_21 = tpu.matmul %mul3A, %get3A_19, %dot_general3A_20 {dimension_numbers = #tpu.dot_dimension_numbers<[1], [0], [0], [1], [0, 0, 1, 1], [], []>, transpose_lhs_hint = false} : vector<256x1024xf32>, vector<1024x128xbf16>, vector<256x128xf32> -> vector<256x128xf32>
    %get3A_22 = arith.constant 1 : index
    %get3A_23 = arith.constant 0 : index
    %get3A_24 = arith.constant 0 : index
    %get3A_25 = vector.load %arg4[%get3A_22, %get3A_23, %get3A_24] : memref<3x192x1024xbf16, #tpu.memory_space<vmem>>, vector<1x192x1024xbf16>
    %get3A_26 = vector.shape_cast %get3A_25 : vector<1x192x1024xbf16> to vector<192x1024xbf16>
    %dot_general3A_27 = arith.constant dense<0.000000e+00> : vector<256x1024xf32>
    %dot_general3A_28 = tpu.matmul %get3A_8, %get3A_26, %dot_general3A_27 {dimension_numbers = #tpu.dot_dimension_numbers<[1], [0], [0], [1], [0, 0, 1, 1], [], []>, transpose_lhs_hint = false} : vector<256x192xf32>, vector<192x1024xbf16>, vector<256x1024xf32> -> vector<256x1024xf32>
    %mul3A_29 = arith.mulf %get3A_3, %dot_general3A_28 : vector<256x1024xf32>
    %get3A_30 = arith.constant 1 : index
    %get3A_31 = arith.constant 0 : index
    %get3A_32 = arith.constant 0 : index
    %get3A_33 = vector.load %arg5[%get3A_30, %get3A_31, %get3A_32] : memref<3x1024x128xbf16, #tpu.memory_space<vmem>>, vector<1x1024x128xbf16>
    %get3A_34 = vector.shape_cast %get3A_33 : vector<1x1024x128xbf16> to vector<1024x128xbf16>
    %dot_general3A_35 = arith.constant dense<0.000000e+00> : vector<256x128xf32>
    %dot_general3A_36 = tpu.matmul %mul3A_29, %get3A_34, %dot_general3A_35 {dimension_numbers = #tpu.dot_dimension_numbers<[1], [0], [0], [1], [0, 0, 1, 1], [], []>, transpose_lhs_hint = false} : vector<256x1024xf32>, vector<1024x128xbf16>, vector<256x128xf32> -> vector<256x128xf32>
    %add3A = arith.addf %dot_general3A_21, %dot_general3A_36 : vector<256x128xf32>
    %get3A_37 = arith.constant 2 : index
    %get3A_38 = arith.constant 0 : index
    %get3A_39 = arith.constant 0 : index
    %get3A_40 = vector.load %arg4[%get3A_37, %get3A_38, %get3A_39] : memref<3x192x1024xbf16, #tpu.memory_space<vmem>>, vector<1x192x1024xbf16>
    %get3A_41 = vector.shape_cast %get3A_40 : vector<1x192x1024xbf16> to vector<192x1024xbf16>
    %dot_general3A_42 = arith.constant dense<0.000000e+00> : vector<256x1024xf32>
    %dot_general3A_43 = tpu.matmul %get3A_8, %get3A_41, %dot_general3A_42 {dimension_numbers = #tpu.dot_dimension_numbers<[1], [0], [0], [1], [0, 0, 1, 1], [], []>, transpose_lhs_hint = false} : vector<256x192xf32>, vector<192x1024xbf16>, vector<256x1024xf32> -> vector<256x1024xf32>
    %mul3A_44 = arith.mulf %get3A_3, %dot_general3A_43 : vector<256x1024xf32>
    %get3A_45 = arith.constant 2 : index
    %get3A_46 = arith.constant 0 : index
    %get3A_47 = arith.constant 0 : index
    %get3A_48 = vector.load %arg5[%get3A_45, %get3A_46, %get3A_47] : memref<3x1024x128xbf16, #tpu.memory_space<vmem>>, vector<1x1024x128xbf16>
    %get3A_49 = vector.shape_cast %get3A_48 : vector<1x1024x128xbf16> to vector<1024x128xbf16>
    %dot_general3A_50 = arith.constant dense<0.000000e+00> : vector<256x128xf32>
    %dot_general3A_51 = tpu.matmul %mul3A_44, %get3A_49, %dot_general3A_50 {dimension_numbers = #tpu.dot_dimension_numbers<[1], [0], [0], [1], [0, 0, 1, 1], [], []>, transpose_lhs_hint = false} : vector<256x1024xf32>, vector<1024x128xbf16>, vector<256x128xf32> -> vector<256x128xf32>
    %add3A_52 = arith.addf %add3A, %dot_general3A_51 : vector<256x128xf32>
    %get3A_53 = arith.constant 0 : index
    %get3A_54 = arith.constant 0 : index
    %get3A_55 = vector.load %arg6[%get3A_53, %get3A_54] : memref<1x128xf32, #tpu.memory_space<vmem>>, vector<1x128xf32>
    %get3A_56 = vector.shape_cast %get3A_55 : vector<1x128xf32> to vector<128xf32>
    %broadcast_in_dim3A = vector.shape_cast %get3A_56 : vector<128xf32> to vector<1x128xf32>
    %add3A_57 = vector.broadcast %broadcast_in_dim3A : vector<1x128xf32> to vector<256x128xf32>
    %add3A_58 = arith.addf %add3A_52, %add3A_57 : vector<256x128xf32>
    %max3A = arith.constant 0.000000e+00 : f32
    %max3A_59 = vector.broadcast %max3A : f32 to vector<256x128xf32>
    %max3A_60 = arith.maximumf %add3A_58, %max3A_59 : vector<256x128xf32>
    %swap3A = arith.constant 0 : index
    %swap3A_61 = arith.constant 0 : index
    %swap3A_62 = arith.constant 0 : index
    %swap3A_63 = vector.load %arg7[%swap3A, %swap3A_61, %swap3A_62] : memref<1x256x128xf32, #tpu.memory_space<vmem>>, vector<1x256x128xf32>
    %swap3A_64 = vector.shape_cast %swap3A_63 : vector<1x256x128xf32> to vector<256x128xf32>
    %swap3A_65 = vector.shape_cast %max3A_60 : vector<256x128xf32> to vector<1x256x128xf32>
    tpu.vector_store %arg7[%swap3A, %swap3A_61, %swap3A_62], %swap3A_65 {strides = array<i32>} : memref<1x256x128xf32, #tpu.memory_space<vmem>>, vector<1x256x128xf32>,
    return
  }
  func.func @transform_0(%arg0: i32, %arg1: i32) -> (i32, i32, i32) {
    %c0_i32 = arith.constant 0 : i32
    %c0_i32_0 = arith.constant 0 : i32
    return %arg0, %arg1, %c0_i32 : i32, i32, i32
  }
  func.func @transform_1(%arg0: i32, %arg1: i32) -> (i32, i32, i32) {
    %c0_i32 = arith.constant 0 : i32
    %c0_i32_0 = arith.constant 0 : i32
    return %arg0, %arg1, %c0_i32 : i32, i32, i32
  }
  func.func @transform_2(%arg0: i32, %arg1: i32) -> (i32, i32, i32) {
    %c0_i32 = arith.constant 0 : i32
    %c0_i32_0 = arith.constant 0 : i32
    %c0_i32_1 = arith.constant 0 : i32
    %c0_i32_2 = arith.constant 0 : i32
    return %c0_i32, %c0_i32_0, %c0_i32_1 : i32, i32, i32
  }
  func.func @transform_3(%arg0: i32, %arg1: i32) -> (i32, i32, i32) {
    %c0_i32 = arith.constant 0 : i32
    %c0_i32_0 = arith.constant 0 : i32
    %c0_i32_1 = arith.constant 0 : i32
    %c0_i32_2 = arith.constant 0 : i32
    return %c0_i32, %c0_i32_0, %c0_i32_1 : i32, i32, i32
  }
  func.func @transform_4(%arg0: i32, %arg1: i32) -> (i32, i32) {
    %c0_i32 = arith.constant 0 : i32
    %c0_i32_0 = arith.constant 0 : i32
    %c0_i32_1 = arith.constant 0 : i32
    return %c0_i32, %c0_i32_0 : i32, i32
  }
  func.func @transform_5(%arg0: i32, %arg1: i32) -> (i32, i32, i32) {
    %c0_i32 = arith.constant 0 : i32
    %c0_i32_0 = arith.constant 0 : i32
    return %arg0, %arg1, %c0_i32 : i32, i32, i32
  }
}

module attributes {stable_mosaic.version = 14 : i64} {
  func.func @conv_kernel(%arg0: i32, %arg1: i32, %arg2: memref<1x256x2048xf32, #tpu.memory_space<vmem>>, %arg3: memref<1x256x192xf32, #tpu.memory_space<vmem>>, %arg4: memref<3x192x2048xbf16, #tpu.memory_space<vmem>>, %arg5: memref<3x2048x256xbf16, #tpu.memory_space<vmem>>, %arg6: memref<1x256xf32, #tpu.memory_space<vmem>>, %arg7: memref<1x256x256xf32, #tpu.memory_space<vmem>>) attributes {dimension_semantics = [#tpu.dimension_semantics<arbitrary>, #tpu.dimension_semantics<arbitrary>], iteration_bounds = array<i64: 2, 8>, scalar_prefetch = 0 : i64, scratch_operands = 0 : i64, tpu.core_type = #tpu.core_type<tc>, window_params = [{transform_indices = @transform_0, window_bounds = array<i64: 1, 256, 2048>}, {transform_indices = @transform_1, window_bounds = array<i64: 1, 256, 192>}, {pipeline_mode = #tpu.pipeline_mode<synchronous>, transform_indices = @transform_2, window_bounds = array<i64: 3, 192, 2048>}, {pipeline_mode = #tpu.pipeline_mode<synchronous>, transform_indices = @transform_3, window_bounds = array<i64: 3, 2048, 256>}, {pipeline_mode = #tpu.pipeline_mode<synchronous>, transform_indices = @transform_4, window_bounds = array<i64: 1, 256>}, {transform_indices = @transform_5, window_bounds = array<i64: 1, 256, 256>}]} {
    %get3A = arith.constant 0 : index
    %get3A_0 = arith.constant 0 : index
    %get3A_1 = arith.constant 0 : index
    %get3A_2 = vector.load %arg2[%get3A, %get3A_0, %get3A_1] : memref<1x256x2048xf32, #tpu.memory_space<vmem>>, vector<1x256x2048xf32>
    %get3A_3 = vector.shape_cast %get3A_2 : vector<1x256x2048xf32> to vector<256x2048xf32>
    %get3A_4 = arith.constant 0 : index
    %get3A_5 = arith.constant 0 : index
    %get3A_6 = arith.constant 0 : index
    %get3A_7 = vector.load %arg3[%get3A_4, %get3A_5, %get3A_6] : memref<1x256x192xf32, #tpu.memory_space<vmem>>, vector<1x256x192xf32>
    %get3A_8 = vector.shape_cast %get3A_7 : vector<1x256x192xf32> to vector<256x192xf32>
    %get3A_9 = arith.constant 0 : index
    %get3A_10 = arith.constant 0 : index
    %get3A_11 = arith.constant 0 : index
    %get3A_12 = vector.load %arg4[%get3A_9, %get3A_10, %get3A_11] : memref<3x192x2048xbf16, #tpu.memory_space<vmem>>, vector<1x192x2048xbf16>
    %get3A_13 = vector.shape_cast %get3A_12 : vector<1x192x2048xbf16> to vector<192x2048xbf16>
    %dot_general3A = arith.constant dense<0.000000e+00> : vector<256x2048xf32>
    %dot_general3A_14 = tpu.matmul %get3A_8, %get3A_13, %dot_general3A {dimension_numbers = #tpu.dot_dimension_numbers<[1], [0], [0], [1], [0, 0, 1, 1], [], []>, transpose_lhs_hint = false} : vector<256x192xf32>, vector<192x2048xbf16>, vector<256x2048xf32> -> vector<256x2048xf32>
    %mul3A = arith.mulf %get3A_3, %dot_general3A_14 : vector<256x2048xf32>
    %get3A_15 = arith.constant 0 : index
    %get3A_16 = arith.constant 0 : index
    %get3A_17 = arith.constant 0 : index
    %get3A_18 = vector.load %arg5[%get3A_15, %get3A_16, %get3A_17] : memref<3x2048x256xbf16, #tpu.memory_space<vmem>>, vector<1x2048x256xbf16>
    %get3A_19 = vector.shape_cast %get3A_18 : vector<1x2048x256xbf16> to vector<2048x256xbf16>
    %dot_general3A_20 = arith.constant dense<0.000000e+00> : vector<256x256xf32>
    %dot_general3A_21 = tpu.matmul %mul3A, %get3A_19, %dot_general3A_20 {dimension_numbers = #tpu.dot_dimension_numbers<[1], [0], [0], [1], [0, 0, 1, 1], [], []>, transpose_lhs_hint = false} : vector<256x2048xf32>, vector<2048x256xbf16>, vector<256x256xf32> -> vector<256x256xf32>
    %get3A_22 = arith.constant 1 : index
    %get3A_23 = arith.constant 0 : index
    %get3A_24 = arith.constant 0 : index
    %get3A_25 = vector.load %arg4[%get3A_22, %get3A_23, %get3A_24] : memref<3x192x2048xbf16, #tpu.memory_space<vmem>>, vector<1x192x2048xbf16>
    %get3A_26 = vector.shape_cast %get3A_25 : vector<1x192x2048xbf16> to vector<192x2048xbf16>
    %dot_general3A_27 = arith.constant dense<0.000000e+00> : vector<256x2048xf32>
    %dot_general3A_28 = tpu.matmul %get3A_8, %get3A_26, %dot_general3A_27 {dimension_numbers = #tpu.dot_dimension_numbers<[1], [0], [0], [1], [0, 0, 1, 1], [], []>, transpose_lhs_hint = false} : vector<256x192xf32>, vector<192x2048xbf16>, vector<256x2048xf32> -> vector<256x2048xf32>
    %mul3A_29 = arith.mulf %get3A_3, %dot_general3A_28 : vector<256x2048xf32>
    %get3A_30 = arith.constant 1 : index
    %get3A_31 = arith.constant 0 : index
    %get3A_32 = arith.constant 0 : index
    %get3A_33 = vector.load %arg5[%get3A_30, %get3A_31, %get3A_32] : memref<3x2048x256xbf16, #tpu.memory_space<vmem>>, vector<1x2048x256xbf16>
    %get3A_34 = vector.shape_cast %get3A_33 : vector<1x2048x256xbf16> to vector<2048x256xbf16>
    %dot_general3A_35 = arith.constant dense<0.000000e+00> : vector<256x256xf32>
    %dot_general3A_36 = tpu.matmul %mul3A_29, %get3A_34, %dot_general3A_35 {dimension_numbers = #tpu.dot_dimension_numbers<[1], [0], [0], [1], [0, 0, 1, 1], [], []>, transpose_lhs_hint = false} : vector<256x2048xf32>, vector<2048x256xbf16>, vector<256x256xf32> -> vector<256x256xf32>
    %add3A = arith.addf %dot_general3A_21, %dot_general3A_36 : vector<256x256xf32>
    %get3A_37 = arith.constant 2 : index
    %get3A_38 = arith.constant 0 : index
    %get3A_39 = arith.constant 0 : index
    %get3A_40 = vector.load %arg4[%get3A_37, %get3A_38, %get3A_39] : memref<3x192x2048xbf16, #tpu.memory_space<vmem>>, vector<1x192x2048xbf16>
    %get3A_41 = vector.shape_cast %get3A_40 : vector<1x192x2048xbf16> to vector<192x2048xbf16>
    %dot_general3A_42 = arith.constant dense<0.000000e+00> : vector<256x2048xf32>
    %dot_general3A_43 = tpu.matmul %get3A_8, %get3A_41, %dot_general3A_42 {dimension_numbers = #tpu.dot_dimension_numbers<[1], [0], [0], [1], [0, 0, 1, 1], [], []>, transpose_lhs_hint = false} : vector<256x192xf32>, vector<192x2048xbf16>, vector<256x2048xf32> -> vector<256x2048xf32>
    %mul3A_44 = arith.mulf %get3A_3, %dot_general3A_43 : vector<256x2048xf32>
    %get3A_45 = arith.constant 2 : index
    %get3A_46 = arith.constant 0 : index
    %get3A_47 = arith.constant 0 : index
    %get3A_48 = vector.load %arg5[%get3A_45, %get3A_46, %get3A_47] : memref<3x2048x256xbf16, #tpu.memory_space<vmem>>, vector<1x2048x256xbf16>
    %get3A_49 = vector.shape_cast %get3A_48 : vector<1x2048x256xbf16> to vector<2048x256xbf16>
    %dot_general3A_50 = arith.constant dense<0.000000e+00> : vector<256x256xf32>
    %dot_general3A_51 = tpu.matmul %mul3A_44, %get3A_49, %dot_general3A_50 {dimension_numbers = #tpu.dot_dimension_numbers<[1], [0], [0], [1], [0, 0, 1, 1], [], []>, transpose_lhs_hint = false} : vector<256x2048xf32>, vector<2048x256xbf16>, vector<256x256xf32> -> vector<256x256xf32>
    %add3A_52 = arith.addf %add3A, %dot_general3A_51 : vector<256x256xf32>
    %get3A_53 = arith.constant 0 : index
    %get3A_54 = arith.constant 0 : index
    %get3A_55 = vector.load %arg6[%get3A_53, %get3A_54] : memref<1x256xf32, #tpu.memory_space<vmem>>, vector<1x256xf32>
    %get3A_56 = vector.shape_cast %get3A_55 : vector<1x256xf32> to vector<256xf32>
    %broadcast_in_dim3A = vector.shape_cast %get3A_56 : vector<256xf32> to vector<1x256xf32>
    %add3A_57 = vector.broadcast %broadcast_in_dim3A : vector<1x256xf32> to vector<256x256xf32>
    %add3A_58 = arith.addf %add3A_52, %add3A_57 : vector<256x256xf32>
    %max3A = arith.constant 0.000000e+00 : f32
    %max3A_59 = vector.broadcast %max3A : f32 to vector<256x256xf32>
    %max3A_60 = arith.maximumf %add3A_58, %max3A_59 : vector<256x256xf32>
    %swap3A = arith.constant 0 : index
    %swap3A_61 = arith.constant 0 : index
    %swap3A_62 = arith.constant 0 : index
    %swap3A_63 = vector.load %arg7[%swap3A, %swap3A_61, %swap3A_62] : memref<1x256x256xf32, #tpu.memory_space<vmem>>, vector<1x256x256xf32>
    %swap3A_64 = vector.shape_cast %swap3A_63 : vector<1x256x256xf32> to vector<256x256xf32>
    %swap3A_65 = vector.shape_cast %max3A_60 : vector<256x256xf32> to vector<1x256x256xf32>
    tpu.vector_store %arg7[%swap3A, %swap3A_61, %swap3A_62], %swap3A_65 {strides = array<i32>} : memref<1x256x256xf32, #tpu.memory_space<vmem>>, vector<1x256x256xf32>,
    return
  }
  func.func @transform_0(%arg0: i32, %arg1: i32) -> (i32, i32, i32) {
    %c0_i32 = arith.constant 0 : i32
    %c0_i32_0 = arith.constant 0 : i32
    return %arg0, %arg1, %c0_i32 : i32, i32, i32
  }
  func.func @transform_1(%arg0: i32, %arg1: i32) -> (i32, i32, i32) {
    %c0_i32 = arith.constant 0 : i32
    %c0_i32_0 = arith.constant 0 : i32
    return %arg0, %arg1, %c0_i32 : i32, i32, i32
  }
  func.func @transform_2(%arg0: i32, %arg1: i32) -> (i32, i32, i32) {
    %c0_i32 = arith.constant 0 : i32
    %c0_i32_0 = arith.constant 0 : i32
    %c0_i32_1 = arith.constant 0 : i32
    %c0_i32_2 = arith.constant 0 : i32
    return %c0_i32, %c0_i32_0, %c0_i32_1 : i32, i32, i32
  }
  func.func @transform_3(%arg0: i32, %arg1: i32) -> (i32, i32, i32) {
    %c0_i32 = arith.constant 0 : i32
    %c0_i32_0 = arith.constant 0 : i32
    %c0_i32_1 = arith.constant 0 : i32
    %c0_i32_2 = arith.constant 0 : i32
    return %c0_i32, %c0_i32_0, %c0_i32_1 : i32, i32, i32
  }
  func.func @transform_4(%arg0: i32, %arg1: i32) -> (i32, i32) {
    %c0_i32 = arith.constant 0 : i32
    %c0_i32_0 = arith.constant 0 : i32
    %c0_i32_1 = arith.constant 0 : i32
    return %c0_i32, %c0_i32_0 : i32, i32
  }
  func.func @transform_5(%arg0: i32, %arg1: i32) -> (i32, i32, i32) {
    %c0_i32 = arith.constant 0 : i32
    %c0_i32_0 = arith.constant 0 : i32
    return %arg0, %arg1, %c0_i32 : i32, i32, i32
  }
}

module attributes {stable_mosaic.version = 14 : i64} {
  func.func @_top2_kernel(%arg0: i32, %arg1: memref<1x480x2048xf32, #tpu.memory_space<vmem>>, %arg2: memref<1x480x2xf32, #tpu.memory_space<vmem>>) attributes {dimension_semantics = [#tpu.dimension_semantics<arbitrary>], iteration_bounds = array<i64: 2>, scalar_prefetch = 0 : i64, scratch_operands = 0 : i64, tpu.core_type = #tpu.core_type<tc>, window_params = [{transform_indices = @transform_0, window_bounds = array<i64: 1, 480, 2048>}, {transform_indices = @transform_1, window_bounds = array<i64: 1, 480, 2>}]} {
    %get3A = arith.constant 0 : index
    %get3A_0 = arith.constant 0 : index
    %get3A_1 = arith.constant 0 : index
    %get3A_2 = vector.load %arg1[%get3A, %get3A_0, %get3A_1] : memref<1x480x2048xf32, #tpu.memory_space<vmem>>, vector<1x480x2048xf32>
    %get3A_3 = vector.shape_cast %get3A_2 : vector<1x480x2048xf32> to vector<480x2048xf32>
    %iota3A = tpu.iota {dimensions = array<i32: 1>} : vector<480x2048xi32>
    %reduce_max3A = arith.constant dense<0xFF800000> : vector<480xf32>
    %reduce_max3A_4 = vector.multi_reduction <maximumf>, %get3A_3, %reduce_max3A [1] : vector<480x2048xf32> to vector<480xf32>
    %broadcast_in_dim3A = vector.shape_cast %reduce_max3A_4 : vector<480xf32> to vector<480x1xf32>
    %eq3A = vector.broadcast %broadcast_in_dim3A : vector<480x1xf32> to vector<480x2048xf32>
    %eq3A_5 = arith.cmpf oeq, %get3A_3, %eq3A : vector<480x2048xf32>
    %jit3A = arith.constant 2048 : i32
    %broadcast_in_dim3A_6 = vector.broadcast %jit3A : i32 to vector<480x2048xi32>
    %select_n3A = arith.select %eq3A_5, %iota3A, %broadcast_in_dim3A_6 : vector<480x2048xi1>, vector<480x2048xi32>
    %reduce_min3A = arith.constant dense<2147483647> : vector<480xi32>
    %reduce_min3A_7 = vector.multi_reduction <minsi>, %select_n3A, %reduce_min3A [1] : vector<480x2048xi32> to vector<480xi32>
    %broadcast_in_dim3A_8 = vector.shape_cast %reduce_min3A_7 : vector<480xi32> to vector<480x1xi32>
    %eq3A_9 = vector.broadcast %broadcast_in_dim3A_8 : vector<480x1xi32> to vector<480x2048xi32>
    %eq3A_10 = arith.cmpi eq, %iota3A, %eq3A_9 : vector<480x2048xi32>
    %jit3A_11 = arith.constant -3.40282347E+38 : f32
    %broadcast_in_dim3A_12 = vector.broadcast %jit3A_11 : f32 to vector<480x2048xf32>
    %select_n3A_13 = arith.select %eq3A_10, %broadcast_in_dim3A_12, %get3A_3 : vector<480x2048xi1>, vector<480x2048xf32>
    %reduce_max3A_14 = arith.constant dense<0xFF800000> : vector<480xf32>
    %reduce_max3A_15 = vector.multi_reduction <maximumf>, %select_n3A_13, %reduce_max3A_14 [1] : vector<480x2048xf32> to vector<480xf32>
    %swap3A = arith.constant 0 : index
    %swap3A_16 = arith.constant 0 : index
    %swap3A_17 = arith.constant 0 : index
    %swap3A_18 = vector.load %arg2[%swap3A, %swap3A_16, %swap3A_17] : memref<1x480x2xf32, #tpu.memory_space<vmem>>, vector<1x480x1xf32>
    %swap3A_19 = vector.shape_cast %swap3A_18 : vector<1x480x1xf32> to vector<480xf32>
    %swap3A_20 = vector.shape_cast %reduce_max3A_4 : vector<480xf32> to vector<1x480x1xf32>
    tpu.vector_store %arg2[%swap3A, %swap3A_16, %swap3A_17], %swap3A_20 {strides = array<i32>} : memref<1x480x2xf32, #tpu.memory_space<vmem>>, vector<1x480x1xf32>,
    %swap3A_21 = arith.constant 0 : index
    %swap3A_22 = arith.constant 0 : index
    %swap3A_23 = arith.constant 1 : index
    %swap3A_24 = vector.load %arg2[%swap3A_21, %swap3A_22, %swap3A_23] : memref<1x480x2xf32, #tpu.memory_space<vmem>>, vector<1x480x1xf32>
    %swap3A_25 = vector.shape_cast %swap3A_24 : vector<1x480x1xf32> to vector<480xf32>
    %swap3A_26 = vector.shape_cast %reduce_max3A_15 : vector<480xf32> to vector<1x480x1xf32>
    tpu.vector_store %arg2[%swap3A_21, %swap3A_22, %swap3A_23], %swap3A_26 {strides = array<i32>} : memref<1x480x2xf32, #tpu.memory_space<vmem>>, vector<1x480x1xf32>,
    return
  }
  func.func @transform_0(%arg0: i32) -> (i32, i32, i32) {
    %c0_i32 = arith.constant 0 : i32
    %c0_i32_0 = arith.constant 0 : i32
    %c0_i32_1 = arith.constant 0 : i32
    return %arg0, %c0_i32, %c0_i32_0 : i32, i32, i32
  }
  func.func @transform_1(%arg0: i32) -> (i32, i32, i32) {
    %c0_i32 = arith.constant 0 : i32
    %c0_i32_0 = arith.constant 0 : i32
    %c0_i32_1 = arith.constant 0 : i32
    return %arg0, %c0_i32, %c0_i32_0 : i32, i32, i32
  }
}

</mosaic_0001>

<sc_bundles>
// kernel: kernel.12.cloned.1.call-start
scs
__scs_entry_jumppad:
0x0: {  	(pc) =	sbr.rel $0x88, $3  }
0x1: {  	(tag) =	ssettag $0x0;
	lr =	simm.s32 $0x1  }
0x2: {  	[smem:$0x3F90] =	sst lr;
	_ =	strace $0xD0000000  }
0x3: {  	_ = 	snop  }
0x4: {  	_ = 	snop  }
0x5: {  	_ = 	snop  }
0x6: {  	_ = 	snop  }
0x7: {  	_ = 	snop  }
__scs_overlays_trampoline_lowered:
0x8: {  	[smem:$0x3F9F] =	sst s0  }
0x9: {  	[smem:$0x3FA0] =	sst s1  }
0xa: {  	[smem:$0x3FA1] =	sst s2  }
0xb: {  	[smem:$0x3FA2] =	sst s3  }
0xc: {  	[smem:$0x3FA3] =	sst s4  }
0xd: {  	[smem:$0x3FA4] =	sst s5  }
0xe: {  	[smem:$0x3FA5] =	sst s6  }
0xf: {  	[smem:$0x3FA6] =	sst s7  }
0x10: {  	[smem:$0x3FA7] =	sst s8  }
0x11: {  	[smem:$0x3FA8] =	sst s9;
	s0 =	simm.s32 @!p0 $0x0  }
0x12: {  	s1 =	sld [smem:$0x3F8E];
	s0 =	simm.s32 @p0 $0x1  }
0x13: {  	[smem:$0x3FA9] =	sst s0;
	s0 =	simm.s32 @!p1 $0x0  }
0x14: {  	s2 =	sld [smem:$0x3F8D];
	s0 =	simm.s32 @p1 $0x1  }
0x15: {  	[smem:$0x3FAA] =	sst s0;
	s0 =	simm.s32 @!p2 $0x0  }
0x16: {  	s3 =	sld [smem:$0x3FDB];
	s0 =	simm.s32 @p2 $0x1  }
0x17: {  	s4 =	simm.s32 $0x1BF5;
	[smem:$0x3FAC] =	sst s0  }
0x18: {  	s0 =	sld [smem:$0x3F8F];
	_ =	swait.ge [sflag:s4], $0x0  }
0x19: {  	s7 =	sld [smem:$0x3F90]  }
0x1a: {  	s8 =	sadd.s32 $0xFFFFE003, lr  }
0x1b: {  	s9 =	sadd.s32 $0xFFFFFEF7, lr;
	s5 =	simm.s32 $0xFFFFFFFF;
	p2 =	slt.u32 s8, $0xFFFFF086  }
0x1c: {  	p1 =	slt.u32 s9, $0xF7A;
	s5 =	simm.s32 @!p2 $0x0  }
0x1d: {  	s5 =	simm.s32 @p1 $0x1;
	p0 =	seq.s32 s7, s2  }
0x1e: {  	s7 =	smul.u32 @!p0 $0xF7A, s2;
	p2 =	seq.s32 @!p0 s5, $0x0  }
0x1f: {  	s9 =	smul.u32 $0xF7A, s1;
	s8 =	simm.s32 @!p0 $0x1BF5;
	p2 =	por !p2, p0  }
0x20: {  	[sflag:s8] =	ssyncset.s32 @!p0 $0xFFFFF086;
	s6 =	sadd.s32 @!p0 s3, s7;
	s7 =	simm.s32 @!p0 $0x108  }
0x21: {  	s3 =	sadd.s32 s3, s9;
	s6 =	sadd.s32 @!p0 $0x88, s6;
	s7 =	simm.s32 @p2 $0x1082  }
0x22: {  	[simem:s7], [sflag:s8] =	dma.local @!p0 [hbm:s6], $0xF7A  }
0x23: {  	s9 =	sor.u32 $0xD0000000, s2;
	s6 =	simm.s32 $0x108;
	_ =	swait.ge @!p0 [sflag:s8], $0x0  }
0x24: {  	s3 =	sadd.s32 $0x88, s3;
	s6 =	simm.s32 @!p1 $0x1082;
	[sflag:s4] =	ssyncset.s32 $0xFFFFF086  }
0x25: {  	[simem:s6], [sflag:s4] =	dma.local [hbm:s3], $0xF7A  }
0x26: {  	[smem:$0x3F90] =	sst s1;
	(tag) =	ssettag s2;
	_ =	strace s9  }
0x27: {  	s1 =	sld [smem:$0x3FA0]  }
0x28: {  	s2 =	sld [smem:$0x3FA1]  }
0x29: {  	s4 =	sld [smem:$0x3FA3]  }
0x2a: {  	p0 =	seq.s32 s5, $0x0;
	s5 =	sld [smem:$0x3FA4]  }
0x2b: {  	s6 =	sld [smem:$0x3FA5]  }
0x2c: {  	s7 =	sld [smem:$0x3FA6]  }
0x2d: {  	s3 =	simm.s32 $0x108;
	s8 =	sld [smem:$0x3FA7]  }
0x2e: {  	s3 =	simm.s32 @!p0 $0x1082;
	s9 =	sld [smem:$0x3FA8]  }
0x2f: {  	lr =	sadd.s32 s0, s3;
	s0 =	sld [smem:$0x3F9F]  }
0x30: {  	s3 =	sld [smem:$0x3FA2]  }
0x31: {  	[smem:$0x3FAB] =	sst s10  }
0x32: {  	s10 =	sld [smem:$0x3FA9];
	_ =	sdelay $0x3  }
0x33: {  	p0 =	seq.s32 s10, $0x1;
	s10 =	sld [smem:$0x3FAB];
	_ =	sdelay $0x3  }
0x34: {  	[smem:$0x3FAB] =	sst s10  }
0x35: {  	s10 =	sld [smem:$0x3FAA];
	_ =	sdelay $0x3  }
0x36: {  	p1 =	seq.s32 s10, $0x1;
	s10 =	sld [smem:$0x3FAB];
	_ =	sdelay $0x3  }
0x37: {  	[smem:$0x3FAB] =	sst s10  }
0x38: {  	s10 =	sld [smem:$0x3FAC]  }
0x39: {  	_ = 	snop;
	(pc) =	sbr.ind lr, $3  }
0x3a: {  	_ = 	snop  }
0x3b: {  	_ = 	snop  }
0x3c: {  	p2 =	seq.s32 s10, $0x1;
	s10 =	sld [smem:$0x3FAB]  }
0x3d: {  	_ =	shalt  }
0x3e: {  	_ =	shalt  }
0x3f: {  	_ =	shalt  }
0x40: {  	_ =	shalt  }
0x41: {  	_ =	shalt  }
0x42: {  	_ =	shalt  }
0x43: {  	_ =	shalt  }
0x44: {  	_ =	shalt  }
0x45: {  	_ =	shalt  }
0x46: {  	_ =	shalt  }
0x47: {  	_ =	shalt  }
0x48: {  	_ =	shalt  }
0x49: {  	_ =	shalt  }
0x4a: {  	_ =	shalt  }
0x4b: {  	_ =	shalt  }
0x4c: {  	_ =	shalt  }
0x4d: {  	_ =	shalt  }
0x4e: {  	_ =	shalt  }
0x4f: {  	_ =	shalt  }
0x50: {  	_ =	shalt  }
0x51: {  	_ =	shalt  }
0x52: {  	_ =	shalt  }
0x53: {  	_ =	shalt  }
0x54: {  	_ =	shalt  }
0x55: {  	_ =	shalt  }
0x56: {  	_ =	shalt  }
0x57: {  	_ =	shalt  }
0x58: {  	_ =	shalt  }
0x59: {  	_ =	shalt  }
0x5a: {  	_ =	shalt  }
0x5b: {  	_ =	shalt  }
0x5c: {  	_ =	shalt  }
0x5d: {  	_ =	shalt  }
0x5e: {  	_ =	shalt  }
0x5f: {  	_ =	shalt  }
0x60: {  	_ =	shalt  }
0x61: {  	_ =	shalt  }
0x62: {  	_ =	shalt  }
0x63: {  	_ =	shalt  }
0x64: {  	_ =	shalt  }
0x65: {  	_ =	shalt  }
0x66: {  	_ =	shalt  }
0x67: {  	_ =	shalt  }
0x68: {  	_ =	shalt  }
0x69: {  	_ =	shalt  }
0x6a: {  	_ =	shalt  }
0x6b: {  	_ =	shalt  }
0x6c: {  	_ =	shalt  }
0x6d: {  	_ =	shalt  }
0x6e: {  	_ =	shalt  }
0x6f: {  	_ =	shalt  }
0x70: {  	_ =	shalt  }
0x71: {  	_ =	shalt  }
0x72: {  	_ =	shalt  }
0x73: {  	_ =	shalt  }
0x74: {  	_ =	shalt  }
0x75: {  	_ =	shalt  }
0x76: {  	_ =	shalt  }
0x77: {  	_ =	shalt  }
0x78: {  	_ =	shalt  }
0x79: {  	_ =	shalt  }
0x7a: {  	_ =	shalt  }
0x7b: {  	_ =	shalt  }
0x7c: {  	_ =	shalt  }
0x7d: {  	_ =	shalt  }
0x7e: {  	_ =	shalt  }
0x7f: {  	_ =	shalt  }
0x80: {  	_ =	shalt  }
0x81: {  	_ =	shalt  }
0x82: {  	_ =	shalt  }
0x83: {  	_ =	shalt  }
0x84: {  	_ =	shalt  }
0x85: {  	_ =	shalt  }
0x86: {  	_ =	shalt  }
0x87: {  	_ =	shalt  }
.Lfunc_end0:
.L_simem_size_0:
called_computation_lowered:
.L_overlay_start_0:
0x88: {  	s2 =	sld [smem:$0x3FD9]  }
0x89: {  	s3 =	sld [smem:$0x3FFE];
	_ =	sdelay $0x1  }
0x8a: {  	s1 =	srdreg.scid  }
0x8b: {  	s0 =	sand.u32 $0x1, s1  }
0x8c: {  	s14 =	sshll.u32 s0, $0xA;
	s2 =	sadd.s32 s3, s2  }
0x8d: {  	s2 =	sadd.s32 s2, s14  }
0x8e: {  	[smem:$0x3FB7] =	sst s2  }
0x8f: {  	_ = 	snop  }
0x90: {  	s2 =	sld [smem:$0x3FD0];
	_ =	sdelay $0x2  }
0x91: {  	s15 =	simm.s32 $0xA;
	s4 =	simm.s32 $0x10  }
0x92: {  	[smem:s4], [sflag:s15] =	dma.local [hbm:s2], $0x1  }
0x93: {  	_ =	swait.eq [sflag:s15], $0x1  }
0x94: {  	[sflag:s15] =	ssyncset.done $0x0  }
0x95: {  	[sflag:s15] =	ssyncadd.s32 $0xFFFFFFFF  }
0x96: {  	s16 =	sld [smem:$0x11];
	(tm) =	ssettm $0x1  }
0x97: {  	s17 =	sld [smem:$0x3FFB];
	_ =	sdelay $0x3  }
0x98: {  	_ =	strace s17  }
0x99: {  	s3 =	sld [smem:$0x3FFC];
	_ =	sdelay $0x3  }
0x9a: {  	_ =	strace s3  }
0x9b: {  	s3 =	sld [smem:$0x3FFD];
	_ =	sdelay $0x3  }
0x9c: {  	_ =	strace s3  }
0x9d: {  	_ =	strace $0x8FFFFFFF  }
0x9e: {  	s18 =	sld [smem:$0x3FDB];
	_ =	sdelay $0x1  }
0x9f: {  	s19 =	simm.s32 $_scs_section_size  }
0xa0: {  	s5 =	simm.s32 $_size__tile_overlayer_lowered;
	s6 =	simm.s32 $_tile_overlayer_lowered  }
0xa1: {  	s22 =	simm.s32 $0x1BFF;
	s21 =	sshll.u32 s6, $0x1;
	s3 =	sadd.s32 s19, s18  }
0xa2: {  	s7 =	simm.s32 $0x0;
	s20 =	sshll.u32 s5, $0x1;
	s5 =	sadd.s32 s21, s3  }
0xa3: {  	[timem:s7], [sflag:s22] =	dma.local [hbm:s5], s20  }
0xa4: {  	_ =	swait.ge [sflag:s22], s20  }
0xa5: {  	s4 =	ssub.s32 $0x0, s20;
	[sflag:s22] =	ssyncset.done $0x0  }
0xa6: {  	[sflag:s22] =	ssyncadd.s32 s4;
	_ =	sdelay $0x1  }
0xa7: {  	s23 =	simm.s32 $0x1B8B  }
0xa8: {  	_ =	swait.ge [sflag:s23], $0x1  }
0xa9: {  	[sflag:s23] =	ssyncset.done $0x0  }
0xaa: {  	s25 =	simm.s32 $0x1B8E;
	s24 =	sld [smem:$0x3FFE];
	[sflag:s23] =	ssyncadd.s32 $0xFFFFFFFF  }
0xab: {  	s26 =	simm.s32 $execute0_lowered;
	[smem:$0x3FD2] =	sst s25  }
0xac: {  	s5 =	sshll.u32 s26, $0x1;
	_ =	strace $0x80000046;
	[dreg:$0x1] =	wrdreg $0xFFFFFFFF  }
0xad: {  	s28 =	simm.s32 $_size_execute0_lowered;
	s3 =	sadd.s32 s3, s5;
	[dreg:$0x0] =	wrdreg $0x0  }
0xae: {  	s5 =	sshll.u32 s28, $0x1;
	[dreg:$0x2] =	wrdreg s3  }
0xaf: {  	[dreg:$0x3] =	wrdreg s5  }
0xb0: {  	[dreg:$0x4] =	wrdreg $0xC0  }
0xb1: {  	_ =	task [dreg:s7], $0x5FFFF  }
0xb2: {  	[dreg:$0x1] =	wrdreg $0xFFFFFFFF  }
0xb3: {  	[dreg:$0x0] =	wrdreg $0x60  }
0xb4: {  	[dreg:$0x2] =	wrdreg s24  }
0xb5: {  	[dreg:$0x3] =	wrdreg s16  }
0xb6: {  	[dreg:$0x4] =	wrdreg $0x9  }
0xb7: {  	_ =	task.clear_ibuf [dreg:s7], $0x5FFFF;
	_ =	strace $0x90000046  }
0xb8: {  	s29 =	simm.s32 $0x9;
	_ =	strace $0x80000048  }
0xb9: {  	_ =	swait.ge [sflag:s29], $0x1  }
0xba: {  	[sflag:s29] =	ssyncadd.s32 $0xFFFFFFFF  }
0xbb: {  	_ =	strace $0x90000048  }
0xbc: {  	_ =	sfence  }
0xbd: {  	s30 =	sld [smem:$0x0];
	_ =	sdelay $0x2  }
0xbe: {  	s31 =	sshll.u32 s1, $0xD;
	s1 =	sshrl.u32 s1, $0x2  }
0xbf: {  	s3 =	sand.u32 $0x4000, s31;
	s1 =	sadd.s32 s1, s30  }
0xc0: {  	s0 =	sor.u32 s3, s0;
	s1 =	sshll.u32 s1, $0x11  }
0xc1: {  	s0 =	sor.u32 s1, s0  }
0xc2: {  	s0 =	sadd.s32 $0x8F2B, s0  }
0xc3: {  	[sflag:s0] =	ssyncadd.remote.s32 $0x1  }
0xc4: {  	_ =	sfence.sel $0xFFFF  }
0xc5: {  	[dreg:$0x0] =	wrdreg $0xFFFFFFFF;
	(pc) =	sbr.abs _section_cstart, $3  }
0xc6: {  	[dreg:$0x1] =	wrdreg $0xFFFFFFFF  }
0xc7: {  	_ =	task.clear_ibuf [dreg:s7], $0x2FFFF;
	_ =	strace $0x9FFFFFFF  }
0xc8: {  	(tm) =	ssettm $0x7FFFFFFF  }
0xc9: {  	_ =	shalt  }
tec
execute0_lowered:
.L_overlay_start_1:
0x0: {  	(tag) =	ssettag $0x1  }
0x1: {  	s1 =	srdreg.scid;
	s0 =	stileid.u32  }
0x2: {  	s1 =	sand.u32 $0x1, s1;
	s2 =	sshll.u32 s0, $0x1  }
0x3: {  	s5 =	rddreg [dreg:$0x0];
	s4 =	sor.u32 s1, s2  }
0x4: {  	s3 =	rddreg [dreg:$0x1];
	s6 =	sshll.u32 s4, $0x8  }
0x5: {  	s2 =	simm.s32 $0x0;
	s4 =	sshll.u32 s4, $0xC;
	s6 =	sadd.s32 s6, s5  }
0x6: {  	[smem:$0x7FF] =	sst s2;
	s3 =	sadd.s32 s3, s4;
	s6 =	sadd.s32 $0x4800, s6  }
0x7: {  	_ =	strace $0x80000047;
	s4 =	sadd.s32 $0x100, s3;
	[dreg:$0x3] =	wrdreg s6  }
0x8: {  	s19 =	sadd.s32 $0x200, s3;
	[dreg:$0x4] =	wrdreg s4  }
0x9: {  	s20 =	sadd.s32 $0x300, s3;
	[dreg:$0x5] =	wrdreg s19  }
0xa: {  	s21 =	sadd.s32 $0x400, s3;
	[dreg:$0x6] =	wrdreg s20  }
0xb: {  	s22 =	sadd.s32 $0x500, s3;
	[dreg:$0x7] =	wrdreg s21  }
0xc: {  	s23 =	sadd.s32 $0x600, s3;
	[dreg:$0x8] =	wrdreg s22  }
0xd: {  	s24 =	sadd.s32 $0x700, s3;
	[dreg:$0x9] =	wrdreg s23  }
0xe: {  	s25 =	sadd.s32 $0x800, s3;
	[dreg:$0xa] =	wrdreg s24  }
0xf: {  	s26 =	sadd.s32 $0x900, s3;
	[dreg:$0xb] =	wrdreg s25  }
0x10: {  	[dreg:$0xc] =	wrdreg s26  }
0x11: {  	s4 =	simm.s32 $0x3;
	s6 =	rddreg [dreg:$0x3]  }
0x12: {  	[tilespmem:s2], [sflag:$0x3] =	stream.linear.gather [hbm4b:s6+s2], $0x800, $0x38;
	[tilespmem:$0x1800] =	vst v63  }
0x13: {  	_ =	swait.ge [sflag:s4], $0x800  }
0x14: {  	s7 =	simm.s32 $0x800;
	[sflag:s4] =	ssyncset.done $0x0  }
0x15: {  	s5 =	sadd.s32 $0x6800, s5;
	s6 =	simm.s32 $0x80;
	[sflag:s4] =	ssyncadd.s32 $0xFFFFF800  }
0x16: {  	[tilespmem:s7], [sflag:$0x1] =	stream.indirect.gather [hbm4b:s5+s6], $0x10, s2, s6, $0xb8;
	[tilespmem:$0x1800] =	vst v63  }
0x17: {  	s8 =	simm.s32 $0x1000;
	s9 =	simm.s32 $0x1  }
0x18: {  	[tilespmem:s8], [sflag:$0x2] =	stream.indirect.gather [hbm4b:s5+s6], $0x10, s6, s6, $0xb8;
	[tilespmem:$0x1800] =	vst v63  }
0x19: {  	_ =	swait.ge [sflag:s9], $0x800  }
0x1a: {  	[sflag:s9] =	ssyncset.done $0x0  }
0x1b: {  	[sflag:s9] =	ssyncadd.s32 $0xFFFFF800  }
0x1c: {  	[hbm4b:s3+s2] =	stream.linear.scatter [tilespmem:s7], [sflag:$0x3], $0x800, $0x38;
	[tilespmem:$0x1800] =	vst v63  }
0x1d: {  	_ =	swait.ge [sflag:s4], $0x800  }
0x1e: {  	[sflag:s4] =	ssyncset.done $0x0  }
0x1f: {  	s10 =	simm.s32 $0x100;
	s11 =	simm.s32 $0x2;
	[sflag:s4] =	ssyncadd.s32 $0xFFFFF800  }
0x20: {  	[tilespmem:s7], [sflag:$0x1] =	stream.indirect.gather [hbm4b:s5+s6], $0x10, s10, s6, $0xb8;
	[tilespmem:$0x1800] =	vst v63  }
0x21: {  	_ =	swait.ge [sflag:s11], $0x800  }
0x22: {  	[sflag:s11] =	ssyncset.done $0x0  }
0x23: {  	s12 =	rddreg [dreg:$0x4];
	[sflag:s11] =	ssyncadd.s32 $0xFFFFF800  }
0x24: {  	[hbm4b:s12+s2] =	stream.linear.scatter [tilespmem:s8], [sflag:$0x3], $0x800, $0x38;
	[tilespmem:$0x1800] =	vst v63  }
0x25: {  	_ =	swait.ge [sflag:s4], $0x800  }
0x26: {  	[sflag:s4] =	ssyncset.done $0x0  }
0x27: {  	s12 =	simm.s32 $0x180;
	[sflag:s4] =	ssyncadd.s32 $0xFFFFF800  }
0x28: {  	[tilespmem:s8], [sflag:$0x2] =	stream.indirect.gather [hbm4b:s5+s6], $0x10, s12, s6, $0xb8;
	[tilespmem:$0x1800] =	vst v63  }
0x29: {  	_ =	swait.ge [sflag:s9], $0x800  }
0x2a: {  	[sflag:s9] =	ssyncset.done $0x0  }
0x2b: {  	s13 =	rddreg [dreg:$0x5];
	[sflag:s9] =	ssyncadd.s32 $0xFFFFF800  }
0x2c: {  	[hbm4b:s13+s2] =	stream.linear.scatter [tilespmem:s7], [sflag:$0x3], $0x800, $0x38;
	[tilespmem:$0x1800] =	vst v63  }
0x2d: {  	_ =	swait.ge [sflag:s4], $0x800  }
0x2e: {  	[sflag:s4] =	ssyncset.done $0x0  }
0x2f: {  	s13 =	simm.s32 $0x200;
	[sflag:s4] =	ssyncadd.s32 $0xFFFFF800  }
0x30: {  	[tilespmem:s7], [sflag:$0x1] =	stream.indirect.gather [hbm4b:s5+s6], $0x10, s13, s6, $0xb8;
	[tilespmem:$0x1800] =	vst v63  }
0x31: {  	_ =	swait.ge [sflag:s11], $0x800  }
0x32: {  	[sflag:s11] =	ssyncset.done $0x0  }
0x33: {  	s14 =	rddreg [dreg:$0x6];
	[sflag:s11] =	ssyncadd.s32 $0xFFFFF800  }
0x34: {  	[hbm4b:s14+s2] =	stream.linear.scatter [tilespmem:s8], [sflag:$0x3], $0x800, $0x38;
	[tilespmem:$0x1800] =	vst v63  }
0x35: {  	_ =	swait.ge [sflag:s4], $0x800  }
0x36: {  	[sflag:s4] =	ssyncset.done $0x0  }
0x37: {  	s14 =	simm.s32 $0x280;
	[sflag:s4] =	ssyncadd.s32 $0xFFFFF800  }
0x38: {  	[tilespmem:s8], [sflag:$0x2] =	stream.indirect.gather [hbm4b:s5+s6], $0x10, s14, s6, $0xb8;
	[tilespmem:$0x1800] =	vst v63  }
0x39: {  	_ =	swait.ge [sflag:s9], $0x800  }
0x3a: {  	[sflag:s9] =	ssyncset.done $0x0  }
0x3b: {  	s15 =	rddreg [dreg:$0x7];
	[sflag:s9] =	ssyncadd.s32 $0xFFFFF800  }
0x3c: {  	[hbm4b:s15+s2] =	stream.linear.scatter [tilespmem:s7], [sflag:$0x3], $0x800, $0x38;
	[tilespmem:$0x1800] =	vst v63  }
0x3d: {  	_ =	swait.ge [sflag:s4], $0x800  }
0x3e: {  	[sflag:s4] =	ssyncset.done $0x0  }
0x3f: {  	s15 =	simm.s32 $0x300;
	[sflag:s4] =	ssyncadd.s32 $0xFFFFF800  }
0x40: {  	[tilespmem:s7], [sflag:$0x1] =	stream.indirect.gather [hbm4b:s5+s6], $0x10, s15, s6, $0xb8;
	[tilespmem:$0x1800] =	vst v63  }
0x41: {  	_ =	swait.ge [sflag:s11], $0x800  }
0x42: {  	[sflag:s11] =	ssyncset.done $0x0  }
0x43: {  	s16 =	rddreg [dreg:$0x8];
	[sflag:s11] =	ssyncadd.s32 $0xFFFFF800  }
0x44: {  	[hbm4b:s16+s2] =	stream.linear.scatter [tilespmem:s8], [sflag:$0x3], $0x800, $0x38;
	[tilespmem:$0x1800] =	vst v63  }
0x45: {  	_ =	swait.ge [sflag:s4], $0x800  }
0x46: {  	[sflag:s4] =	ssyncset.done $0x0  }
0x47: {  	s16 =	simm.s32 $0x380;
	[sflag:s4] =	ssyncadd.s32 $0xFFFFF800  }
0x48: {  	[tilespmem:s8], [sflag:$0x2] =	stream.indirect.gather [hbm4b:s5+s6], $0x10, s16, s6, $0xb8;
	[tilespmem:$0x1800] =	vst v63  }
0x49: {  	_ =	swait.ge [sflag:s9], $0x800  }
0x4a: {  	[sflag:s9] =	ssyncset.done $0x0  }
0x4b: {  	s17 =	rddreg [dreg:$0x9];
	[sflag:s9] =	ssyncadd.s32 $0xFFFFF800  }
0x4c: {  	[hbm4b:s17+s2] =	stream.linear.scatter [tilespmem:s7], [sflag:$0x3], $0x800, $0x38;
	[tilespmem:$0x1800] =	vst v63  }
0x4d: {  	_ =	swait.ge [sflag:s4], $0x800  }
0x4e: {  	[sflag:s4] =	ssyncset.done $0x0  }
0x4f: {  	s17 =	simm.s32 $0x400;
	[sflag:s4] =	ssyncadd.s32 $0xFFFFF800  }
0x50: {  	[tilespmem:s7], [sflag:$0x1] =	stream.indirect.gather [hbm4b:s5+s6], $0x10, s17, s6, $0xb8;
	[tilespmem:$0x1800] =	vst v63  }
0x51: {  	_ =	swait.ge [sflag:s11], $0x800  }
0x52: {  	[sflag:s11] =	ssyncset.done $0x0  }
0x53: {  	s18 =	rddreg [dreg:$0xa];
	[sflag:s11] =	ssyncadd.s32 $0xFFFFF800  }
0x54: {  	[hbm4b:s18+s2] =	stream.linear.scatter [tilespmem:s8], [sflag:$0x3], $0x800, $0x38;
	[tilespmem:$0x1800] =	vst v63  }
0x55: {  	_ =	swait.ge [sflag:s4], $0x800  }
0x56: {  	[sflag:s4] =	ssyncset.done $0x0  }
0x57: {  	s18 =	simm.s32 $0x480;
	[sflag:s4] =	ssyncadd.s32 $0xFFFFF800  }
0x58: {  	[tilespmem:s8], [sflag:$0x2] =	stream.indirect.gather [hbm4b:s5+s6], $0x10, s18, s6, $0xb8;
	[tilespmem:$0x1800] =	vst v63  }
0x59: {  	_ =	swait.ge [sflag:s9], $0x800  }
0x5a: {  	[sflag:s9] =	ssyncset.done $0x0  }
0x5b: {  	s19 =	rddreg [dreg:$0xb];
	[sflag:s9] =	ssyncadd.s32 $0xFFFFF800  }
0x5c: {  	[hbm4b:s19+s2] =	stream.linear.scatter [tilespmem:s7], [sflag:$0x3], $0x800, $0x38;
	[tilespmem:$0x1800] =	vst v63  }
0x5d: {  	_ =	swait.ge [sflag:s4], $0x800  }
0x5e: {  	[sflag:s4] =	ssyncset.done $0x0  }
0x5f: {  	s19 =	simm.s32 $0x500;
	[sflag:s4] =	ssyncadd.s32 $0xFFFFF800  }
0x60: {  	[tilespmem:s7], [sflag:$0x1] =	stream.indirect.gather [hbm4b:s5+s6], $0x10, s19, s6, $0xb8;
	[tilespmem:$0x1800] =	vst v63  }
0x61: {  	_ =	swait.ge [sflag:s11], $0x800  }
0x62: {  	[sflag:s11] =	ssyncset.done $0x0  }
0x63: {  	s20 =	rddreg [dreg:$0xc];
	[sflag:s11] =	ssyncadd.s32 $0xFFFFF800  }
0x64: {  	[hbm4b:s20+s2] =	stream.linear.scatter [tilespmem:s8], [sflag:$0x3], $0x800, $0x38;
	[tilespmem:$0x1800] =	vst v63  }
0x65: {  	_ =	swait.ge [sflag:s4], $0x800  }
0x66: {  	[sflag:s4] =	ssyncset.done $0x0  }
0x67: {  	s20 =	simm.s32 $0x580;
	[sflag:s4] =	ssyncadd.s32 $0xFFFFF800  }
0x68: {  	[tilespmem:s8], [sflag:$0x2] =	stream.indirect.gather [hbm4b:s5+s6], $0x10, s20, s6, $0xb8;
	[tilespmem:$0x1800] =	vst v63  }
0x69: {  	_ =	swait.ge [sflag:s9], $0x800  }
0x6a: {  	[sflag:s9] =	ssyncset.done $0x0  }
0x6b: {  	s21 =	sadd.s32 $0xA00, s3;
	[sflag:s9] =	ssyncadd.s32 $0xFFFFF800  }
0x6c: {  	[hbm4b:s21+s2] =	stream.linear.scatter [tilespmem:s7], [sflag:$0x3], $0x800, $0x38;
	[tilespmem:$0x1800] =	vst v63  }
0x6d: {  	_ =	swait.ge [sflag:s4], $0x800  }
0x6e: {  	[sflag:s4] =	ssyncset.done $0x0  }
0x6f: {  	s22 =	simm.s32 $0x600;
	[sflag:s4] =	ssyncadd.s32 $0xFFFFF800  }
0x70: {  	[tilespmem:s7], [sflag:$0x1] =	stream.indirect.gather [hbm4b:s5+s6], $0x10, s22, s6, $0xb8;
	[tilespmem:$0x1800] =	vst v63  }
0x71: {  	_ =	swait.ge [sflag:s11], $0x800  }
0x72: {  	[sflag:s11] =	ssyncset.done $0x0  }
0x73: {  	s23 =	sadd.s32 $0xB00, s3;
	[sflag:s11] =	ssyncadd.s32 $0xFFFFF800  }
0x74: {  	[hbm4b:s23+s2] =	stream.linear.scatter [tilespmem:s8], [sflag:$0x3], $0x800, $0x38;
	[tilespmem:$0x1800] =	vst v63  }
0x75: {  	_ =	swait.ge [sflag:s4], $0x800  }
0x76: {  	[sflag:s4] =	ssyncset.done $0x0  }
0x77: {  	s24 =	simm.s32 $0x680;
	[sflag:s4] =	ssyncadd.s32 $0xFFFFF800  }
0x78: {  	[tilespmem:s8], [sflag:$0x2] =	stream.indirect.gather [hbm4b:s5+s6], $0x10, s24, s6, $0xb8;
	[tilespmem:$0x1800] =	vst v63  }
0x79: {  	_ =	swait.ge [sflag:s9], $0x800  }
0x7a: {  	[sflag:s9] =	ssyncset.done $0x0  }
0x7b: {  	s25 =	sadd.s32 $0xC00, s3;
	[sflag:s9] =	ssyncadd.s32 $0xFFFFF800  }
0x7c: {  	[hbm4b:s25+s2] =	stream.linear.scatter [tilespmem:s7], [sflag:$0x3], $0x800, $0x38;
	[tilespmem:$0x1800] =	vst v63  }
0x7d: {  	_ =	swait.ge [sflag:s4], $0x800  }
0x7e: {  	[sflag:s4] =	ssyncset.done $0x0  }
0x7f: {  	s26 =	simm.s32 $0x700;
	[sflag:s4] =	ssyncadd.s32 $0xFFFFF800  }
0x80: {  	[tilespmem:s7], [sflag:$0x1] =	stream.indirect.gather [hbm4b:s5+s6], $0x10, s26, s6, $0xb8;
	[tilespmem:$0x1800] =	vst v63  }
0x81: {  	_ =	swait.ge [sflag:s11], $0x800  }
0x82: {  	[sflag:s11] =	ssyncset.done $0x0  }
0x83: {  	s28 =	sadd.s32 $0xD00, s3;
	[sflag:s11] =	ssyncadd.s32 $0xFFFFF800  }
0x84: {  	[hbm4b:s28+s2] =	stream.linear.scatter [tilespmem:s8], [sflag:$0x3], $0x800, $0x38;
	[tilespmem:$0x1800] =	vst v63  }
0x85: {  	_ =	swait.ge [sflag:s4], $0x800  }
0x86: {  	[sflag:s4] =	ssyncset.done $0x0  }
0x87: {  	s29 =	simm.s32 $0x780;
	[sflag:s4] =	ssyncadd.s32 $0xFFFFF800  }
0x88: {  	[tilespmem:s8], [sflag:$0x2] =	stream.indirect.gather [hbm4b:s5+s6], $0x10, s29, s6, $0xb8;
	[tilespmem:$0x1800] =	vst v63  }
0x89: {  	_ =	swait.ge [sflag:s9], $0x800  }
0x8a: {  	s1 =	ssub.s32 $0x2, s1;
	[sflag:s9] =	ssyncset.done $0x0  }
0x8b: {  	s31 =	sshrl.u32 s1, $0x1;
	s30 =	sadd.s32 $0xE00, s3;
	[sflag:s9] =	ssyncadd.s32 $0xFFFFF800  }
0x8c: {  	[hbm4b:s30+s2] =	stream.linear.scatter [tilespmem:s7], [sflag:$0x3], $0x800, $0x38;
	[tilespmem:$0x1800] =	vst v63  }
0x8d: {  	s1 =	ssub.s32 s1, s31;
	_ =	swait.ge [sflag:s4], $0x800  }
0x8e: {  	s1 =	smax.u32 s1, $0x1;
	[sflag:s4] =	ssyncset.done $0x0  }
0x8f: {  	p0 =	sne.s32 s1, $0x1;
	[sflag:s4] =	ssyncadd.s32 $0xFFFFF800  }
.Ltmp0:
0x90: {  	_ =	swait.ge [sflag:s11], $0x800;
	(pc) =	sbr.rel @!p0 .LBB2_2-.Ltmp0, $4  }
0x91: {  	[sflag:s11] =	ssyncset.done $0x0  }
0x92: {  	s31 =	sadd.s32 $0xF00, s3;
	[sflag:s11] =	ssyncadd.s32 $0xFFFFF800  }
0x93: {  	[hbm4b:s31+s2] =	stream.linear.scatter [tilespmem:s8], [sflag:$0x3], $0x800, $0x38;
	[tilespmem:$0x1800] =	vst v63  }
0x94: {  	s1 =	sadd.s32 $0xFFFFFFFF, s1;
	_ =	swait.ge [sflag:s4], $0x800  }
.LBB2_1:
0x95: {  	[sflag:s4] =	ssyncset.done $0x0  }
0x96: {  	s0 =	rddreg [dreg:$0x3];
	[sflag:s4] =	ssyncadd.s32 $0xFFFFF800  }
0x97: {  	[tilespmem:s2], [sflag:$0x3] =	stream.linear.gather [hbm4b:s0+s2], $0x800, $0x38;
	[tilespmem:$0x1800] =	vst v63  }
0x98: {  	_ =	swait.ge [sflag:s4], $0x800  }
0x99: {  	[sflag:s4] =	ssyncset.done $0x0  }
0x9a: {  	[sflag:s4] =	ssyncadd.s32 $0xFFFFF800  }
0x9b: {  	[tilespmem:s7], [sflag:$0x1] =	stream.indirect.gather [hbm4b:s5+s6], $0x10, s2, s6, $0xb8;
	[tilespmem:$0x1800] =	vst v63  }
0x9c: {  	_ = 	snop  }
0x9d: {  	[tilespmem:s8], [sflag:$0x2] =	stream.indirect.gather [hbm4b:s5+s6], $0x10, s6, s6, $0xb8;
	[tilespmem:$0x1800] =	vst v63  }
0x9e: {  	_ =	swait.ge [sflag:s9], $0x800  }
0x9f: {  	[sflag:s9] =	ssyncset.done $0x0  }
0xa0: {  	[sflag:s9] =	ssyncadd.s32 $0xFFFFF800  }
0xa1: {  	[hbm4b:s3+s2] =	stream.linear.scatter [tilespmem:s7], [sflag:$0x3], $0x800, $0x38;
	[tilespmem:$0x1800] =	vst v63  }
0xa2: {  	_ =	swait.ge [sflag:s4], $0x800  }
0xa3: {  	[sflag:s4] =	ssyncset.done $0x0  }
0xa4: {  	[sflag:s4] =	ssyncadd.s32 $0xFFFFF800  }
0xa5: {  	[tilespmem:s7], [sflag:$0x1] =	stream.indirect.gather [hbm4b:s5+s6], $0x10, s10, s6, $0xb8;
	[tilespmem:$0x1800] =	vst v63  }
0xa6: {  	_ =	swait.ge [sflag:s11], $0x800  }
0xa7: {  	[sflag:s11] =	ssyncset.done $0x0  }
0xa8: {  	s0 =	rddreg [dreg:$0x4];
	[sflag:s11] =	ssyncadd.s32 $0xFFFFF800  }
0xa9: {  	[hbm4b:s0+s2] =	stream.linear.scatter [tilespmem:s8], [sflag:$0x3], $0x800, $0x38;
	[tilespmem:$0x1800] =	vst v63  }
0xaa: {  	_ =	swait.ge [sflag:s4], $0x800  }
0xab: {  	[sflag:s4] =	ssyncset.done $0x0  }
0xac: {  	[sflag:s4] =	ssyncadd.s32 $0xFFFFF800  }
0xad: {  	[tilespmem:s8], [sflag:$0x2] =	stream.indirect.gather [hbm4b:s5+s6], $0x10, s12, s6, $0xb8;
	[tilespmem:$0x1800] =	vst v63  }
0xae: {  	_ =	swait.ge [sflag:s9], $0x800  }
0xaf: {  	[sflag:s9] =	ssyncset.done $0x0  }
0xb0: {  	s0 =	rddreg [dreg:$0x5];
	[sflag:s9] =	ssyncadd.s32 $0xFFFFF800  }
0xb1: {  	[hbm4b:s0+s2] =	stream.linear.scatter [tilespmem:s7], [sflag:$0x3], $0x800, $0x38;
	[tilespmem:$0x1800] =	vst v63  }
0xb2: {  	_ =	swait.ge [sflag:s4], $0x800  }
0xb3: {  	[sflag:s4] =	ssyncset.done $0x0  }
0xb4: {  	[sflag:s4] =	ssyncadd.s32 $0xFFFFF800  }
0xb5: {  	[tilespmem:s7], [sflag:$0x1] =	stream.indirect.gather [hbm4b:s5+s6], $0x10, s13, s6, $0xb8;
	[tilespmem:$0x1800] =	vst v63  }
0xb6: {  	_ =	swait.ge [sflag:s11], $0x800  }
0xb7: {  	[sflag:s11] =	ssyncset.done $0x0  }
0xb8: {  	s0 =	rddreg [dreg:$0x6];
	[sflag:s11] =	ssyncadd.s32 $0xFFFFF800  }
0xb9: {  	[hbm4b:s0+s2] =	stream.linear.scatter [tilespmem:s8], [sflag:$0x3], $0x800, $0x38;
	[tilespmem:$0x1800] =	vst v63  }
0xba: {  	_ =	swait.ge [sflag:s4], $0x800  }
0xbb: {  	[sflag:s4] =	ssyncset.done $0x0  }
0xbc: {  	[sflag:s4] =	ssyncadd.s32 $0xFFFFF800  }
0xbd: {  	[tilespmem:s8], [sflag:$0x2] =	stream.indirect.gather [hbm4b:s5+s6], $0x10, s14, s6, $0xb8;
	[tilespmem:$0x1800] =	vst v63  }
0xbe: {  	_ =	swait.ge [sflag:s9], $0x800  }
0xbf: {  	[sflag:s9] =	ssyncset.done $0x0  }
0xc0: {  	s0 =	rddreg [dreg:$0x7];
	[sflag:s9] =	ssyncadd.s32 $0xFFFFF800  }
0xc1: {  	[hbm4b:s0+s2] =	stream.linear.scatter [tilespmem:s7], [sflag:$0x3], $0x800, $0x38;
	[tilespmem:$0x1800] =	vst v63  }
0xc2: {  	_ =	swait.ge [sflag:s4], $0x800  }
0xc3: {  	[sflag:s4] =	ssyncset.done $0x0  }
0xc4: {  	[sflag:s4] =	ssyncadd.s32 $0xFFFFF800  }
0xc5: {  	[tilespmem:s7], [sflag:$0x1] =	stream.indirect.gather [hbm4b:s5+s6], $0x10, s15, s6, $0xb8;
	[tilespmem:$0x1800] =	vst v63  }
0xc6: {  	_ =	swait.ge [sflag:s11], $0x800  }
0xc7: {  	[sflag:s11] =	ssyncset.done $0x0  }
0xc8: {  	s0 =	rddreg [dreg:$0x8];
	[sflag:s11] =	ssyncadd.s32 $0xFFFFF800  }
0xc9: {  	[hbm4b:s0+s2] =	stream.linear.scatter [tilespmem:s8], [sflag:$0x3], $0x800, $0x38;
	[tilespmem:$0x1800] =	vst v63  }
0xca: {  	_ =	swait.ge [sflag:s4], $0x800  }
0xcb: {  	[sflag:s4] =	ssyncset.done $0x0  }
0xcc: {  	[sflag:s4] =	ssyncadd.s32 $0xFFFFF800  }
0xcd: {  	[tilespmem:s8], [sflag:$0x2] =	stream.indirect.gather [hbm4b:s5+s6], $0x10, s16, s6, $0xb8;
	[tilespmem:$0x1800] =	vst v63  }
0xce: {  	_ =	swait.ge [sflag:s9], $0x800  }
0xcf: {  	[sflag:s9] =	ssyncset.done $0x0  }
0xd0: {  	s0 =	rddreg [dreg:$0x9];
	[sflag:s9] =	ssyncadd.s32 $0xFFFFF800  }
0xd1: {  	[hbm4b:s0+s2] =	stream.linear.scatter [tilespmem:s7], [sflag:$0x3], $0x800, $0x38;
	[tilespmem:$0x1800] =	vst v63  }
0xd2: {  	_ =	swait.ge [sflag:s4], $0x800  }
0xd3: {  	[sflag:s4] =	ssyncset.done $0x0  }
0xd4: {  	[sflag:s4] =	ssyncadd.s32 $0xFFFFF800  }
0xd5: {  	[tilespmem:s7], [sflag:$0x1] =	stream.indirect.gather [hbm4b:s5+s6], $0x10, s17, s6, $0xb8;
	[tilespmem:$0x1800] =	vst v63  }
0xd6: {  	_ =	swait.ge [sflag:s11], $0x800  }
0xd7: {  	[sflag:s11] =	ssyncset.done $0x0  }
0xd8: {  	s0 =	rddreg [dreg:$0xa];
	[sflag:s11] =	ssyncadd.s32 $0xFFFFF800  }
0xd9: {  	[hbm4b:s0+s2] =	stream.linear.scatter [tilespmem:s8], [sflag:$0x3], $0x800, $0x38;
	[tilespmem:$0x1800] =	vst v63  }
0xda: {  	_ =	swait.ge [sflag:s4], $0x800  }
0xdb: {  	[sflag:s4] =	ssyncset.done $0x0  }
0xdc: {  	[sflag:s4] =	ssyncadd.s32 $0xFFFFF800  }
0xdd: {  	[tilespmem:s8], [sflag:$0x2] =	stream.indirect.gather [hbm4b:s5+s6], $0x10, s18, s6, $0xb8;
	[tilespmem:$0x1800] =	vst v63  }
0xde: {  	_ =	swait.ge [sflag:s9], $0x800  }
0xdf: {  	[sflag:s9] =	ssyncset.done $0x0  }
0xe0: {  	s0 =	rddreg [dreg:$0xb];
	[sflag:s9] =	ssyncadd.s32 $0xFFFFF800  }
0xe1: {  	[hbm4b:s0+s2] =	stream.linear.scatter [tilespmem:s7], [sflag:$0x3], $0x800, $0x38;
	[tilespmem:$0x1800] =	vst v63  }
0xe2: {  	_ =	swait.ge [sflag:s4], $0x800  }
0xe3: {  	[sflag:s4] =	ssyncset.done $0x0  }
0xe4: {  	[sflag:s4] =	ssyncadd.s32 $0xFFFFF800  }
0xe5: {  	[tilespmem:s7], [sflag:$0x1] =	stream.indirect.gather [hbm4b:s5+s6], $0x10, s19, s6, $0xb8;
	[tilespmem:$0x1800] =	vst v63  }
0xe6: {  	_ =	swait.ge [sflag:s11], $0x800  }
0xe7: {  	[sflag:s11] =	ssyncset.done $0x0  }
0xe8: {  	s0 =	rddreg [dreg:$0xc];
	[sflag:s11] =	ssyncadd.s32 $0xFFFFF800  }
0xe9: {  	[hbm4b:s0+s2] =	stream.linear.scatter [tilespmem:s8], [sflag:$0x3], $0x800, $0x38;
	[tilespmem:$0x1800] =	vst v63  }
0xea: {  	_ =	swait.ge [sflag:s4], $0x800  }
0xeb: {  	[sflag:s4] =	ssyncset.done $0x0  }
0xec: {  	[sflag:s4] =	ssyncadd.s32 $0xFFFFF800  }
0xed: {  	[tilespmem:s8], [sflag:$0x2] =	stream.indirect.gather [hbm4b:s5+s6], $0x10, s20, s6, $0xb8;
	[tilespmem:$0x1800] =	vst v63  }
0xee: {  	_ =	swait.ge [sflag:s9], $0x800  }
0xef: {  	[sflag:s9] =	ssyncset.done $0x0  }
0xf0: {  	[sflag:s9] =	ssyncadd.s32 $0xFFFFF800  }
0xf1: {  	[hbm4b:s21+s2] =	stream.linear.scatter [tilespmem:s7], [sflag:$0x3], $0x800, $0x38;
	[tilespmem:$0x1800] =	vst v63  }
0xf2: {  	_ =	swait.ge [sflag:s4], $0x800  }
0xf3: {  	[sflag:s4] =	ssyncset.done $0x0  }
0xf4: {  	[sflag:s4] =	ssyncadd.s32 $0xFFFFF800  }
0xf5: {  	[tilespmem:s7], [sflag:$0x1] =	stream.indirect.gather [hbm4b:s5+s6], $0x10, s22, s6, $0xb8;
	[tilespmem:$0x1800] =	vst v63  }
0xf6: {  	_ =	swait.ge [sflag:s11], $0x800  }
0xf7: {  	[sflag:s11] =	ssyncset.done $0x0  }
0xf8: {  	[sflag:s11] =	ssyncadd.s32 $0xFFFFF800  }
0xf9: {  	[hbm4b:s23+s2] =	stream.linear.scatter [tilespmem:s8], [sflag:$0x3], $0x800, $0x38;
	[tilespmem:$0x1800] =	vst v63  }
0xfa: {  	_ =	swait.ge [sflag:s4], $0x800  }
0xfb: {  	[sflag:s4] =	ssyncset.done $0x0  }
0xfc: {  	[sflag:s4] =	ssyncadd.s32 $0xFFFFF800  }
0xfd: {  	[tilespmem:s8], [sflag:$0x2] =	stream.indirect.gather [hbm4b:s5+s6], $0x10, s24, s6, $0xb8;
	[tilespmem:$0x1800] =	vst v63  }
0xfe: {  	_ =	swait.ge [sflag:s9], $0x800  }
0xff: {  	[sflag:s9] =	ssyncset.done $0x0  }
0x100: {  	[sflag:s9] =	ssyncadd.s32 $0xFFFFF800  }
0x101: {  	[hbm4b:s25+s2] =	stream.linear.scatter [tilespmem:s7], [sflag:$0x3], $0x800, $0x38;
	[tilespmem:$0x1800] =	vst v63  }
0x102: {  	_ =	swait.ge [sflag:s4], $0x800  }
0x103: {  	[sflag:s4] =	ssyncset.done $0x0  }
0x104: {  	[sflag:s4] =	ssyncadd.s32 $0xFFFFF800  }
0x105: {  	[tilespmem:s7], [sflag:$0x1] =	stream.indirect.gather [hbm4b:s5+s6], $0x10, s26, s6, $0xb8;
	[tilespmem:$0x1800] =	vst v63  }
0x106: {  	_ =	swait.ge [sflag:s11], $0x800  }
0x107: {  	[sflag:s11] =	ssyncset.done $0x0  }
0x108: {  	[sflag:s11] =	ssyncadd.s32 $0xFFFFF800  }
0x109: {  	[hbm4b:s28+s2] =	stream.linear.scatter [tilespmem:s8], [sflag:$0x3], $0x800, $0x38;
	[tilespmem:$0x1800] =	vst v63  }
0x10a: {  	_ =	swait.ge [sflag:s4], $0x800  }
0x10b: {  	[sflag:s4] =	ssyncset.done $0x0  }
0x10c: {  	[sflag:s4] =	ssyncadd.s32 $0xFFFFF800  }
0x10d: {  	[tilespmem:s8], [sflag:$0x2] =	stream.indirect.gather [hbm4b:s5+s6], $0x10, s29, s6, $0xb8;
	[tilespmem:$0x1800] =	vst v63  }
0x10e: {  	_ =	swait.ge [sflag:s9], $0x800  }
0x10f: {  	[sflag:s9] =	ssyncset.done $0x0  }
0x110: {  	[sflag:s9] =	ssyncadd.s32 $0xFFFFF800  }
0x111: {  	[hbm4b:s30+s2] =	stream.linear.scatter [tilespmem:s7], [sflag:$0x3], $0x800, $0x38;
	[tilespmem:$0x1800] =	vst v63  }
0x112: {  	_ =	swait.ge [sflag:s4], $0x800  }
0x113: {  	[sflag:s4] =	ssyncset.done $0x0  }
0x114: {  	p0 =	sne.s32 s1, $0x1;
	[sflag:s4] =	ssyncadd.s32 $0xFFFFF800  }
.Ltmp1:
0x115: {  	_ =	swait.ge [sflag:s11], $0x800;
	(pc) =	sbr.rel @p0 .LBB2_1-.Ltmp1, $4  }
0x116: {  	[sflag:s11] =	ssyncset.done $0x0  }
0x117: {  	[sflag:s11] =	ssyncadd.s32 $0xFFFFF800  }
0x118: {  	[hbm4b:s31+s2] =	stream.linear.scatter [tilespmem:s8], [sflag:$0x3], $0x800, $0x38;
	[tilespmem:$0x1800] =	vst v63  }
0x119: {  	s1 =	sadd.s32 $0xFFFFFFFF, s1;
	_ =	swait.ge [sflag:s4], $0x800  }
.LBB2_2:
0x11a: {  	[sflag:s4] =	ssyncset.done $0x0  }
0x11b: {  	[sflag:s4] =	ssyncadd.s32 $0xFFFFF800  }
0x11c: {  	_ =	sfence.sel $0x180000  }
0x11d: {  	[bflag:$0x0] =	sbarrier.arrive $0xFFFF  }
0x11e: {  	_ =	strace $0x90000047  }
0x11f: {  	s0 =	stileid.u32;
	[bflag:$0x2] =	sbarrier.arrive $0xFFFF  }
0x120: {  	p0 =	sne.s32 s0, $0x0;
	s0 =	rddreg [dreg:$0x2]  }
0x121: {  	s0 =	sadd.s32 @!p0 $0x100000, s0  }
0x122: {  	[sflag:s0] =	ssyncadd.tile.s32 @!p0 $0x1;
	_ =	shalt  }
.Lfunc_end2:
_tile_overlayer_lowered:
.L_overlay_start_2:
0x123: {  	(tag) =	ssettag $0x2  }
0x124: {  	s0 =	rddreg [dreg:$0x0];
	s2 =	stileid.u32  }
0x125: {  	s1 =	rddreg [dreg:$0x1];
	p0 =	sne.s32 s2, $0x0  }
0x126: {  	s3 =	rddreg [dreg:$0x2];
	[bflag:$0x3] =	sbarrier.arrive $0xFFFF;
	s2 =	simm.s32 @!p0 $0x1C03  }
0x127: {  	[timem:s3], [sflag:s2] =	dma.local @!p0 [hbm:s0], s1  }
0x128: {  	s0 =	simm.s32 @!p0 $0x3  }
0x129: {  	_ =	swait.ge @!p0 [sflag:s0], s1  }
0x12a: {  	s1 =	ssub.s32 @!p0 $0x0, s1;
	[sflag:s0] =	ssyncset.done @!p0 $0x0  }
0x12b: {  	[sflag:s0] =	ssyncadd.s32 @!p0 s1  }
0x12c: {  	[bflag:$0x3] =	sbarrier.arrive $0xFFFF  }
0x12d: {  	_ =	shalt  }

// kernel: kernel.15.cloned.1.call-start
scs
__scs_entry_jumppad:
0x0: {  	(pc) =	sbr.rel $0x88, $3  }
0x1: {  	(tag) =	ssettag $0x0;
	lr =	simm.s32 $0x1  }
0x2: {  	[smem:$0x3F90] =	sst lr;
	_ =	strace $0xD0000000  }
0x3: {  	_ = 	snop  }
0x4: {  	_ = 	snop  }
0x5: {  	_ = 	snop  }
0x6: {  	_ = 	snop  }
0x7: {  	_ = 	snop  }
__scs_overlays_trampoline_lowered:
0x8: {  	[smem:$0x3F9F] =	sst s0  }
0x9: {  	[smem:$0x3FA0] =	sst s1  }
0xa: {  	[smem:$0x3FA1] =	sst s2  }
0xb: {  	[smem:$0x3FA2] =	sst s3  }
0xc: {  	[smem:$0x3FA3] =	sst s4  }
0xd: {  	[smem:$0x3FA4] =	sst s5  }
0xe: {  	[smem:$0x3FA5] =	sst s6  }
0xf: {  	[smem:$0x3FA6] =	sst s7  }
0x10: {  	[smem:$0x3FA7] =	sst s8  }
0x11: {  	[smem:$0x3FA8] =	sst s9;
	s0 =	simm.s32 @!p0 $0x0  }
0x12: {  	s1 =	sld [smem:$0x3F8E];
	s0 =	simm.s32 @p0 $0x1  }
0x13: {  	[smem:$0x3FA9] =	sst s0;
	s0 =	simm.s32 @!p1 $0x0  }
0x14: {  	s2 =	sld [smem:$0x3F8D];
	s0 =	simm.s32 @p1 $0x1  }
0x15: {  	[smem:$0x3FAA] =	sst s0;
	s0 =	simm.s32 @!p2 $0x0  }
0x16: {  	s3 =	sld [smem:$0x3FDB];
	s0 =	simm.s32 @p2 $0x1  }
0x17: {  	s4 =	simm.s32 $0x1BF5;
	[smem:$0x3FAC] =	sst s0  }
0x18: {  	s0 =	sld [smem:$0x3F8F];
	_ =	swait.ge [sflag:s4], $0x0  }
0x19: {  	s7 =	sld [smem:$0x3F90]  }
0x1a: {  	s8 =	sadd.s32 $0xFFFFE003, lr  }
0x1b: {  	s9 =	sadd.s32 $0xFFFFFEF7, lr;
	s5 =	simm.s32 $0xFFFFFFFF;
	p2 =	slt.u32 s8, $0xFFFFF086  }
0x1c: {  	p1 =	slt.u32 s9, $0xF7A;
	s5 =	simm.s32 @!p2 $0x0  }
0x1d: {  	s5 =	simm.s32 @p1 $0x1;
	p0 =	seq.s32 s7, s2  }
0x1e: {  	s7 =	smul.u32 @!p0 $0xF7A, s2;
	p2 =	seq.s32 @!p0 s5, $0x0  }
0x1f: {  	s9 =	smul.u32 $0xF7A, s1;
	s8 =	simm.s32 @!p0 $0x1BF5;
	p2 =	por !p2, p0  }
0x20: {  	[sflag:s8] =	ssyncset.s32 @!p0 $0xFFFFF086;
	s6 =	sadd.s32 @!p0 s3, s7;
	s7 =	simm.s32 @!p0 $0x108  }
0x21: {  	s3 =	sadd.s32 s3, s9;
	s6 =	sadd.s32 @!p0 $0x88, s6;
	s7 =	simm.s32 @p2 $0x1082  }
0x22: {  	[simem:s7], [sflag:s8] =	dma.local @!p0 [hbm:s6], $0xF7A  }
0x23: {  	s9 =	sor.u32 $0xD0000000, s2;
	s6 =	simm.s32 $0x108;
	_ =	swait.ge @!p0 [sflag:s8], $0x0  }
0x24: {  	s3 =	sadd.s32 $0x88, s3;
	s6 =	simm.s32 @!p1 $0x1082;
	[sflag:s4] =	ssyncset.s32 $0xFFFFF086  }
0x25: {  	[simem:s6], [sflag:s4] =	dma.local [hbm:s3], $0xF7A  }
0x26: {  	[smem:$0x3F90] =	sst s1;
	(tag) =	ssettag s2;
	_ =	strace s9  }
0x27: {  	s1 =	sld [smem:$0x3FA0]  }
0x28: {  	s2 =	sld [smem:$0x3FA1]  }
0x29: {  	s4 =	sld [smem:$0x3FA3]  }
0x2a: {  	p0 =	seq.s32 s5, $0x0;
	s5 =	sld [smem:$0x3FA4]  }
0x2b: {  	s6 =	sld [smem:$0x3FA5]  }
0x2c: {  	s7 =	sld [smem:$0x3FA6]  }
0x2d: {  	s3 =	simm.s32 $0x108;
	s8 =	sld [smem:$0x3FA7]  }
0x2e: {  	s3 =	simm.s32 @!p0 $0x1082;
	s9 =	sld [smem:$0x3FA8]  }
0x2f: {  	lr =	sadd.s32 s0, s3;
	s0 =	sld [smem:$0x3F9F]  }
0x30: {  	s3 =	sld [smem:$0x3FA2]  }
0x31: {  	[smem:$0x3FAB] =	sst s10  }
0x32: {  	s10 =	sld [smem:$0x3FA9];
	_ =	sdelay $0x3  }
0x33: {  	p0 =	seq.s32 s10, $0x1;
	s10 =	sld [smem:$0x3FAB];
	_ =	sdelay $0x3  }
0x34: {  	[smem:$0x3FAB] =	sst s10  }
0x35: {  	s10 =	sld [smem:$0x3FAA];
	_ =	sdelay $0x3  }
0x36: {  	p1 =	seq.s32 s10, $0x1;
	s10 =	sld [smem:$0x3FAB];
	_ =	sdelay $0x3  }
0x37: {  	[smem:$0x3FAB] =	sst s10  }
0x38: {  	s10 =	sld [smem:$0x3FAC]  }
0x39: {  	_ = 	snop;
	(pc) =	sbr.ind lr, $3  }
0x3a: {  	_ = 	snop  }
0x3b: {  	_ = 	snop  }
0x3c: {  	p2 =	seq.s32 s10, $0x1;
	s10 =	sld [smem:$0x3FAB]  }
0x3d: {  	_ =	shalt  }
0x3e: {  	_ =	shalt  }
0x3f: {  	_ =	shalt  }
0x40: {  	_ =	shalt  }
0x41: {  	_ =	shalt  }
0x42: {  	_ =	shalt  }
0x43: {  	_ =	shalt  }
0x44: {  	_ =	shalt  }
0x45: {  	_ =	shalt  }
0x46: {  	_ =	shalt  }
0x47: {  	_ =	shalt  }
0x48: {  	_ =	shalt  }
0x49: {  	_ =	shalt  }
0x4a: {  	_ =	shalt  }
0x4b: {  	_ =	shalt  }
0x4c: {  	_ =	shalt  }
0x4d: {  	_ =	shalt  }
0x4e: {  	_ =	shalt  }
0x4f: {  	_ =	shalt  }
0x50: {  	_ =	shalt  }
0x51: {  	_ =	shalt  }
0x52: {  	_ =	shalt  }
0x53: {  	_ =	shalt  }
0x54: {  	_ =	shalt  }
0x55: {  	_ =	shalt  }
0x56: {  	_ =	shalt  }
0x57: {  	_ =	shalt  }
0x58: {  	_ =	shalt  }
0x59: {  	_ =	shalt  }
0x5a: {  	_ =	shalt  }
0x5b: {  	_ =	shalt  }
0x5c: {  	_ =	shalt  }
0x5d: {  	_ =	shalt  }
0x5e: {  	_ =	shalt  }
0x5f: {  	_ =	shalt  }
0x60: {  	_ =	shalt  }
0x61: {  	_ =	shalt  }
0x62: {  	_ =	shalt  }
0x63: {  	_ =	shalt  }
0x64: {  	_ =	shalt  }
0x65: {  	_ =	shalt  }
0x66: {  	_ =	shalt  }
0x67: {  	_ =	shalt  }
0x68: {  	_ =	shalt  }
0x69: {  	_ =	shalt  }
0x6a: {  	_ =	shalt  }
0x6b: {  	_ =	shalt  }
0x6c: {  	_ =	shalt  }
0x6d: {  	_ =	shalt  }
0x6e: {  	_ =	shalt  }
0x6f: {  	_ =	shalt  }
0x70: {  	_ =	shalt  }
0x71: {  	_ =	shalt  }
0x72: {  	_ =	shalt  }
0x73: {  	_ =	shalt  }
0x74: {  	_ =	shalt  }
0x75: {  	_ =	shalt  }
0x76: {  	_ =	shalt  }
0x77: {  	_ =	shalt  }
0x78: {  	_ =	shalt  }
0x79: {  	_ =	shalt  }
0x7a: {  	_ =	shalt  }
0x7b: {  	_ =	shalt  }
0x7c: {  	_ =	shalt  }
0x7d: {  	_ =	shalt  }
0x7e: {  	_ =	shalt  }
0x7f: {  	_ =	shalt  }
0x80: {  	_ =	shalt  }
0x81: {  	_ =	shalt  }
0x82: {  	_ =	shalt  }
0x83: {  	_ =	shalt  }
0x84: {  	_ =	shalt  }
0x85: {  	_ =	shalt  }
0x86: {  	_ =	shalt  }
0x87: {  	_ =	shalt  }
.Lfunc_end0:
.L_simem_size_0:
called_computation.1_lowered:
.L_overlay_start_0:
0x88: {  	s2 =	sld [smem:$0x3FD9]  }
0x89: {  	s3 =	sld [smem:$0x3FFE];
	_ =	sdelay $0x1  }
0x8a: {  	s1 =	srdreg.scid  }
0x8b: {  	s0 =	sand.u32 $0x1, s1  }
0x8c: {  	s14 =	sshll.u32 s0, $0xA;
	s2 =	sadd.s32 s3, s2  }
0x8d: {  	s2 =	sadd.s32 s2, s14  }
0x8e: {  	[smem:$0x3FB7] =	sst s2  }
0x8f: {  	_ = 	snop  }
0x90: {  	s2 =	sld [smem:$0x3FD0];
	_ =	sdelay $0x2  }
0x91: {  	s15 =	simm.s32 $0xA;
	s4 =	simm.s32 $0x10  }
0x92: {  	[smem:s4], [sflag:s15] =	dma.local [hbm:s2], $0x1  }
0x93: {  	_ =	swait.eq [sflag:s15], $0x1  }
0x94: {  	[sflag:s15] =	ssyncset.done $0x0  }
0x95: {  	[sflag:s15] =	ssyncadd.s32 $0xFFFFFFFF  }
0x96: {  	s16 =	sld [smem:$0x11];
	(tm) =	ssettm $0x1  }
0x97: {  	s17 =	sld [smem:$0x3FFB];
	_ =	sdelay $0x3  }
0x98: {  	_ =	strace s17  }
0x99: {  	s3 =	sld [smem:$0x3FFC];
	_ =	sdelay $0x3  }
0x9a: {  	_ =	strace s3  }
0x9b: {  	s3 =	sld [smem:$0x3FFD];
	_ =	sdelay $0x3  }
0x9c: {  	_ =	strace s3  }
0x9d: {  	_ =	strace $0x8FFFFFFF  }
0x9e: {  	s18 =	sld [smem:$0x3FDB];
	_ =	sdelay $0x1  }
0x9f: {  	s19 =	simm.s32 $_scs_section_size  }
0xa0: {  	s5 =	simm.s32 $_size__tile_overlayer_lowered;
	s6 =	simm.s32 $_tile_overlayer_lowered  }
0xa1: {  	s22 =	simm.s32 $0x1BFF;
	s21 =	sshll.u32 s6, $0x1;
	s3 =	sadd.s32 s19, s18  }
0xa2: {  	s7 =	simm.s32 $0x0;
	s20 =	sshll.u32 s5, $0x1;
	s5 =	sadd.s32 s21, s3  }
0xa3: {  	[timem:s7], [sflag:s22] =	dma.local [hbm:s5], s20  }
0xa4: {  	_ =	swait.ge [sflag:s22], s20  }
0xa5: {  	s4 =	ssub.s32 $0x0, s20;
	[sflag:s22] =	ssyncset.done $0x0  }
0xa6: {  	[sflag:s22] =	ssyncadd.s32 s4;
	_ =	sdelay $0x1  }
0xa7: {  	s23 =	simm.s32 $0x1B8B  }
0xa8: {  	_ =	swait.ge [sflag:s23], $0x1  }
0xa9: {  	[sflag:s23] =	ssyncset.done $0x0  }
0xaa: {  	s25 =	simm.s32 $0x1B8E;
	s24 =	sld [smem:$0x3FFE];
	[sflag:s23] =	ssyncadd.s32 $0xFFFFFFFF  }
0xab: {  	s26 =	simm.s32 $execute0_lowered;
	[smem:$0x3FD2] =	sst s25  }
0xac: {  	s5 =	sshll.u32 s26, $0x1;
	_ =	strace $0x80000049;
	[dreg:$0x1] =	wrdreg $0xFFFFFFFF  }
0xad: {  	s28 =	simm.s32 $_size_execute0_lowered;
	s3 =	sadd.s32 s3, s5;
	[dreg:$0x0] =	wrdreg $0x0  }
0xae: {  	s5 =	sshll.u32 s28, $0x1;
	[dreg:$0x2] =	wrdreg s3  }
0xaf: {  	[dreg:$0x3] =	wrdreg s5  }
0xb0: {  	[dreg:$0x4] =	wrdreg $0xC0  }
0xb1: {  	_ =	task [dreg:s7], $0x5FFFF  }
0xb2: {  	[dreg:$0x1] =	wrdreg $0xFFFFFFFF  }
0xb3: {  	[dreg:$0x0] =	wrdreg $0x60  }
0xb4: {  	[dreg:$0x2] =	wrdreg s16  }
0xb5: {  	[dreg:$0x3] =	wrdreg s24  }
0xb6: {  	[dreg:$0x4] =	wrdreg $0x9  }
0xb7: {  	_ =	task.clear_ibuf [dreg:s7], $0x5FFFF;
	_ =	strace $0x90000049  }
0xb8: {  	s29 =	simm.s32 $0x9;
	_ =	strace $0x8000004B  }
0xb9: {  	_ =	swait.ge [sflag:s29], $0x1  }
0xba: {  	[sflag:s29] =	ssyncadd.s32 $0xFFFFFFFF  }
0xbb: {  	_ =	strace $0x9000004B  }
0xbc: {  	_ =	sfence  }
0xbd: {  	s30 =	sld [smem:$0x0];
	_ =	sdelay $0x2  }
0xbe: {  	s31 =	sshll.u32 s1, $0xD;
	s1 =	sshrl.u32 s1, $0x2  }
0xbf: {  	s3 =	sand.u32 $0x4000, s31;
	s1 =	sadd.s32 s1, s30  }
0xc0: {  	s0 =	sor.u32 s3, s0;
	s1 =	sshll.u32 s1, $0x11  }
0xc1: {  	s0 =	sor.u32 s1, s0  }
0xc2: {  	s0 =	sadd.s32 $0x8F2B, s0  }
0xc3: {  	[sflag:s0] =	ssyncadd.remote.s32 $0x1  }
0xc4: {  	_ =	sfence.sel $0xFFFF  }
0xc5: {  	[dreg:$0x0] =	wrdreg $0xFFFFFFFF;
	(pc) =	sbr.abs _section_cstart, $3  }
0xc6: {  	[dreg:$0x1] =	wrdreg $0xFFFFFFFF  }
0xc7: {  	_ =	task.clear_ibuf [dreg:s7], $0x2FFFF;
	_ =	strace $0x9FFFFFFF  }
0xc8: {  	(tm) =	ssettm $0x7FFFFFFF  }
0xc9: {  	_ =	shalt  }
tec
execute0_lowered:
.L_overlay_start_1:
0x0: {  	(tag) =	ssettag $0x1  }
0x1: {  	s1 =	srdreg.scid;
	s0 =	stileid.u32  }
0x2: {  	s1 =	sand.u32 $0x1, s1;
	s3 =	sshll.u32 s0, $0x1  }
0x3: {  	s2 =	rddreg [dreg:$0x0];
	s5 =	sor.u32 s1, s3  }
0x4: {  	s4 =	rddreg [dreg:$0x1];
	s6 =	sshll.u32 s5, $0x8  }
0x5: {  	s3 =	simm.s32 $0x0;
	s5 =	sshll.u32 s5, $0xD;
	s6 =	sadd.s32 s6, s4  }
0x6: {  	[smem:$0x7FF] =	sst s3;
	s31 =	sadd.s32 s5, s4;
	s16 =	sadd.s32 $0x4800, s6  }
0x7: {  	_ =	strace $0x8000004A;
	s17 =	sadd.s32 $0x6800, s31;
	[dreg:$0x3] =	wrdreg s16  }
0x8: {  	s18 =	sadd.s32 $0x6A00, s31;
	[dreg:$0x4] =	wrdreg s17  }
0x9: {  	s19 =	sadd.s32 $0x6C00, s31;
	[dreg:$0x5] =	wrdreg s18  }
0xa: {  	s20 =	sadd.s32 $0x6E00, s31;
	[dreg:$0x6] =	wrdreg s19  }
0xb: {  	s21 =	sadd.s32 $0x7000, s31;
	[dreg:$0x7] =	wrdreg s20  }
0xc: {  	s22 =	sadd.s32 $0x7200, s31;
	[dreg:$0x8] =	wrdreg s21  }
0xd: {  	s23 =	sadd.s32 $0x7400, s31;
	[dreg:$0x9] =	wrdreg s22  }
0xe: {  	s24 =	sadd.s32 $0x7600, s31;
	[dreg:$0xa] =	wrdreg s23  }
0xf: {  	s26 =	sadd.s32 $0x7800, s31;
	[dreg:$0xb] =	wrdreg s24  }
0x10: {  	[dreg:$0xc] =	wrdreg s26  }
0x11: {  	s4 =	simm.s32 $0x3;
	s25 =	rddreg [dreg:$0x3]  }
0x12: {  	[tilespmem:s3], [sflag:$0x3] =	stream.linear.gather [hbm4b:s25+s3], $0x800, $0x38;
	[tilespmem:$0x2800] =	vst v63  }
0x13: {  	_ =	swait.ge [sflag:s4], $0x800  }
0x14: {  	[sflag:s4] =	ssyncset.done $0x0  }
0x15: {  	s5 =	simm.s32 $0x80;
	s6 =	simm.s32 $0x800;
	[sflag:s4] =	ssyncadd.s32 $0xFFFFF800  }
0x16: {  	[tilespmem:s6], [sflag:$0x1] =	stream.indirect.gather [hbm4b:s2+s5], $0x20, s3, s5, $0xb8;
	[tilespmem:$0x2800] =	vst v63  }
0x17: {  	s7 =	simm.s32 $0x1800;
	s8 =	simm.s32 $0x1  }
0x18: {  	[tilespmem:s7], [sflag:$0x2] =	stream.indirect.gather [hbm4b:s2+s5], $0x20, s5, s5, $0xb8;
	[tilespmem:$0x2800] =	vst v63  }
0x19: {  	_ =	swait.ge [sflag:s8], $0x1000  }
0x1a: {  	[sflag:s8] =	ssyncset.done $0x0  }
0x1b: {  	s9 =	rddreg [dreg:$0x4];
	[sflag:s8] =	ssyncadd.s32 $0xFFFFF000  }
0x1c: {  	[hbm4b:s9+s3] =	stream.linear.scatter [tilespmem:s6], [sflag:$0x3], $0x1000, $0x38;
	[tilespmem:$0x2800] =	vst v63  }
0x1d: {  	_ =	swait.ge [sflag:s4], $0x1000  }
0x1e: {  	[sflag:s4] =	ssyncset.done $0x0  }
0x1f: {  	s10 =	simm.s32 $0x2;
	s9 =	simm.s32 $0x100;
	[sflag:s4] =	ssyncadd.s32 $0xFFFFF000  }
0x20: {  	[tilespmem:s6], [sflag:$0x1] =	stream.indirect.gather [hbm4b:s2+s5], $0x20, s9, s5, $0xb8;
	[tilespmem:$0x2800] =	vst v63  }
0x21: {  	_ =	swait.ge [sflag:s10], $0x1000  }
0x22: {  	[sflag:s10] =	ssyncset.done $0x0  }
0x23: {  	s11 =	rddreg [dreg:$0x5];
	[sflag:s10] =	ssyncadd.s32 $0xFFFFF000  }
0x24: {  	[hbm4b:s11+s3] =	stream.linear.scatter [tilespmem:s7], [sflag:$0x3], $0x1000, $0x38;
	[tilespmem:$0x2800] =	vst v63  }
0x25: {  	_ =	swait.ge [sflag:s4], $0x1000  }
0x26: {  	[sflag:s4] =	ssyncset.done $0x0  }
0x27: {  	s11 =	simm.s32 $0x180;
	[sflag:s4] =	ssyncadd.s32 $0xFFFFF000  }
0x28: {  	[tilespmem:s7], [sflag:$0x2] =	stream.indirect.gather [hbm4b:s2+s5], $0x20, s11, s5, $0xb8;
	[tilespmem:$0x2800] =	vst v63  }
0x29: {  	_ =	swait.ge [sflag:s8], $0x1000  }
0x2a: {  	[sflag:s8] =	ssyncset.done $0x0  }
0x2b: {  	s12 =	rddreg [dreg:$0x6];
	[sflag:s8] =	ssyncadd.s32 $0xFFFFF000  }
0x2c: {  	[hbm4b:s12+s3] =	stream.linear.scatter [tilespmem:s6], [sflag:$0x3], $0x1000, $0x38;
	[tilespmem:$0x2800] =	vst v63  }
0x2d: {  	_ =	swait.ge [sflag:s4], $0x1000  }
0x2e: {  	[sflag:s4] =	ssyncset.done $0x0  }
0x2f: {  	s12 =	simm.s32 $0x200;
	[sflag:s4] =	ssyncadd.s32 $0xFFFFF000  }
0x30: {  	[tilespmem:s6], [sflag:$0x1] =	stream.indirect.gather [hbm4b:s2+s5], $0x20, s12, s5, $0xb8;
	[tilespmem:$0x2800] =	vst v63  }
0x31: {  	_ =	swait.ge [sflag:s10], $0x1000  }
0x32: {  	[sflag:s10] =	ssyncset.done $0x0  }
0x33: {  	s13 =	rddreg [dreg:$0x7];
	[sflag:s10] =	ssyncadd.s32 $0xFFFFF000  }
0x34: {  	[hbm4b:s13+s3] =	stream.linear.scatter [tilespmem:s7], [sflag:$0x3], $0x1000, $0x38;
	[tilespmem:$0x2800] =	vst v63  }
0x35: {  	_ =	swait.ge [sflag:s4], $0x1000  }
0x36: {  	[sflag:s4] =	ssyncset.done $0x0  }
0x37: {  	s13 =	simm.s32 $0x280;
	[sflag:s4] =	ssyncadd.s32 $0xFFFFF000  }
0x38: {  	[tilespmem:s7], [sflag:$0x2] =	stream.indirect.gather [hbm4b:s2+s5], $0x20, s13, s5, $0xb8;
	[tilespmem:$0x2800] =	vst v63  }
0x39: {  	_ =	swait.ge [sflag:s8], $0x1000  }
0x3a: {  	[sflag:s8] =	ssyncset.done $0x0  }
0x3b: {  	s14 =	rddreg [dreg:$0x8];
	[sflag:s8] =	ssyncadd.s32 $0xFFFFF000  }
0x3c: {  	[hbm4b:s14+s3] =	stream.linear.scatter [tilespmem:s6], [sflag:$0x3], $0x1000, $0x38;
	[tilespmem:$0x2800] =	vst v63  }
0x3d: {  	_ =	swait.ge [sflag:s4], $0x1000  }
0x3e: {  	[sflag:s4] =	ssyncset.done $0x0  }
0x3f: {  	s14 =	simm.s32 $0x300;
	[sflag:s4] =	ssyncadd.s32 $0xFFFFF000  }
0x40: {  	[tilespmem:s6], [sflag:$0x1] =	stream.indirect.gather [hbm4b:s2+s5], $0x20, s14, s5, $0xb8;
	[tilespmem:$0x2800] =	vst v63  }
0x41: {  	_ =	swait.ge [sflag:s10], $0x1000  }
0x42: {  	[sflag:s10] =	ssyncset.done $0x0  }
0x43: {  	s15 =	rddreg [dreg:$0x9];
	[sflag:s10] =	ssyncadd.s32 $0xFFFFF000  }
0x44: {  	[hbm4b:s15+s3] =	stream.linear.scatter [tilespmem:s7], [sflag:$0x3], $0x1000, $0x38;
	[tilespmem:$0x2800] =	vst v63  }
0x45: {  	_ =	swait.ge [sflag:s4], $0x1000  }
0x46: {  	[sflag:s4] =	ssyncset.done $0x0  }
0x47: {  	s15 =	simm.s32 $0x380;
	[sflag:s4] =	ssyncadd.s32 $0xFFFFF000  }
0x48: {  	[tilespmem:s7], [sflag:$0x2] =	stream.indirect.gather [hbm4b:s2+s5], $0x20, s15, s5, $0xb8;
	[tilespmem:$0x2800] =	vst v63  }
0x49: {  	_ =	swait.ge [sflag:s8], $0x1000  }
0x4a: {  	[sflag:s8] =	ssyncset.done $0x0  }
0x4b: {  	s16 =	rddreg [dreg:$0xa];
	[sflag:s8] =	ssyncadd.s32 $0xFFFFF000  }
0x4c: {  	[hbm4b:s16+s3] =	stream.linear.scatter [tilespmem:s6], [sflag:$0x3], $0x1000, $0x38;
	[tilespmem:$0x2800] =	vst v63  }
0x4d: {  	_ =	swait.ge [sflag:s4], $0x1000  }
0x4e: {  	[sflag:s4] =	ssyncset.done $0x0  }
0x4f: {  	s16 =	simm.s32 $0x400;
	[sflag:s4] =	ssyncadd.s32 $0xFFFFF000  }
0x50: {  	[tilespmem:s6], [sflag:$0x1] =	stream.indirect.gather [hbm4b:s2+s5], $0x20, s16, s5, $0xb8;
	[tilespmem:$0x2800] =	vst v63  }
0x51: {  	_ =	swait.ge [sflag:s10], $0x1000  }
0x52: {  	[sflag:s10] =	ssyncset.done $0x0  }
0x53: {  	s17 =	rddreg [dreg:$0xb];
	[sflag:s10] =	ssyncadd.s32 $0xFFFFF000  }
0x54: {  	[hbm4b:s17+s3] =	stream.linear.scatter [tilespmem:s7], [sflag:$0x3], $0x1000, $0x38;
	[tilespmem:$0x2800] =	vst v63  }
0x55: {  	_ =	swait.ge [sflag:s4], $0x1000  }
0x56: {  	[sflag:s4] =	ssyncset.done $0x0  }
0x57: {  	s17 =	simm.s32 $0x480;
	[sflag:s4] =	ssyncadd.s32 $0xFFFFF000  }
0x58: {  	[tilespmem:s7], [sflag:$0x2] =	stream.indirect.gather [hbm4b:s2+s5], $0x20, s17, s5, $0xb8;
	[tilespmem:$0x2800] =	vst v63  }
0x59: {  	_ =	swait.ge [sflag:s8], $0x1000  }
0x5a: {  	[sflag:s8] =	ssyncset.done $0x0  }
0x5b: {  	s18 =	rddreg [dreg:$0xc];
	[sflag:s8] =	ssyncadd.s32 $0xFFFFF000  }
0x5c: {  	[hbm4b:s18+s3] =	stream.linear.scatter [tilespmem:s6], [sflag:$0x3], $0x1000, $0x38;
	[tilespmem:$0x2800] =	vst v63  }
0x5d: {  	_ =	swait.ge [sflag:s4], $0x1000  }
0x5e: {  	[sflag:s4] =	ssyncset.done $0x0  }
0x5f: {  	s18 =	simm.s32 $0x500;
	[sflag:s4] =	ssyncadd.s32 $0xFFFFF000  }
0x60: {  	[tilespmem:s6], [sflag:$0x1] =	stream.indirect.gather [hbm4b:s2+s5], $0x20, s18, s5, $0xb8;
	[tilespmem:$0x2800] =	vst v63  }
0x61: {  	_ =	swait.ge [sflag:s10], $0x1000  }
0x62: {  	[sflag:s10] =	ssyncset.done $0x0  }
0x63: {  	s19 =	sadd.s32 $0x7A00, s31;
	[sflag:s10] =	ssyncadd.s32 $0xFFFFF000  }
0x64: {  	[hbm4b:s19+s3] =	stream.linear.scatter [tilespmem:s7], [sflag:$0x3], $0x1000, $0x38;
	[tilespmem:$0x2800] =	vst v63  }
0x65: {  	_ =	swait.ge [sflag:s4], $0x1000  }
0x66: {  	[sflag:s4] =	ssyncset.done $0x0  }
0x67: {  	s20 =	simm.s32 $0x580;
	[sflag:s4] =	ssyncadd.s32 $0xFFFFF000  }
0x68: {  	[tilespmem:s7], [sflag:$0x2] =	stream.indirect.gather [hbm4b:s2+s5], $0x20, s20, s5, $0xb8;
	[tilespmem:$0x2800] =	vst v63  }
0x69: {  	_ =	swait.ge [sflag:s8], $0x1000  }
0x6a: {  	[sflag:s8] =	ssyncset.done $0x0  }
0x6b: {  	s21 =	sadd.s32 $0x7C00, s31;
	[sflag:s8] =	ssyncadd.s32 $0xFFFFF000  }
0x6c: {  	[hbm4b:s21+s3] =	stream.linear.scatter [tilespmem:s6], [sflag:$0x3], $0x1000, $0x38;
	[tilespmem:$0x2800] =	vst v63  }
0x6d: {  	_ =	swait.ge [sflag:s4], $0x1000  }
0x6e: {  	[sflag:s4] =	ssyncset.done $0x0  }
0x6f: {  	s22 =	simm.s32 $0x600;
	[sflag:s4] =	ssyncadd.s32 $0xFFFFF000  }
0x70: {  	[tilespmem:s6], [sflag:$0x1] =	stream.indirect.gather [hbm4b:s2+s5], $0x20, s22, s5, $0xb8;
	[tilespmem:$0x2800] =	vst v63  }
0x71: {  	_ =	swait.ge [sflag:s10], $0x1000  }
0x72: {  	[sflag:s10] =	ssyncset.done $0x0  }
0x73: {  	s23 =	sadd.s32 $0x7E00, s31;
	[sflag:s10] =	ssyncadd.s32 $0xFFFFF000  }
0x74: {  	[hbm4b:s23+s3] =	stream.linear.scatter [tilespmem:s7], [sflag:$0x3], $0x1000, $0x38;
	[tilespmem:$0x2800] =	vst v63  }
0x75: {  	_ =	swait.ge [sflag:s4], $0x1000  }
0x76: {  	[sflag:s4] =	ssyncset.done $0x0  }
0x77: {  	s24 =	simm.s32 $0x680;
	[sflag:s4] =	ssyncadd.s32 $0xFFFFF000  }
0x78: {  	[tilespmem:s7], [sflag:$0x2] =	stream.indirect.gather [hbm4b:s2+s5], $0x20, s24, s5, $0xb8;
	[tilespmem:$0x2800] =	vst v63  }
0x79: {  	_ =	swait.ge [sflag:s8], $0x1000  }
0x7a: {  	[sflag:s8] =	ssyncset.done $0x0  }
0x7b: {  	s25 =	sadd.s32 $0x8000, s31;
	[sflag:s8] =	ssyncadd.s32 $0xFFFFF000  }
0x7c: {  	[hbm4b:s25+s3] =	stream.linear.scatter [tilespmem:s6], [sflag:$0x3], $0x1000, $0x38;
	[tilespmem:$0x2800] =	vst v63  }
0x7d: {  	_ =	swait.ge [sflag:s4], $0x1000  }
0x7e: {  	[sflag:s4] =	ssyncset.done $0x0  }
0x7f: {  	s26 =	simm.s32 $0x700;
	[sflag:s4] =	ssyncadd.s32 $0xFFFFF000  }
0x80: {  	[tilespmem:s6], [sflag:$0x1] =	stream.indirect.gather [hbm4b:s2+s5], $0x20, s26, s5, $0xb8;
	[tilespmem:$0x2800] =	vst v63  }
0x81: {  	_ =	swait.ge [sflag:s10], $0x1000  }
0x82: {  	[sflag:s10] =	ssyncset.done $0x0  }
0x83: {  	s28 =	sadd.s32 $0x8200, s31;
	[sflag:s10] =	ssyncadd.s32 $0xFFFFF000  }
0x84: {  	[hbm4b:s28+s3] =	stream.linear.scatter [tilespmem:s7], [sflag:$0x3], $0x1000, $0x38;
	[tilespmem:$0x2800] =	vst v63  }
0x85: {  	_ =	swait.ge [sflag:s4], $0x1000  }
0x86: {  	[sflag:s4] =	ssyncset.done $0x0  }
0x87: {  	s29 =	simm.s32 $0x780;
	[sflag:s4] =	ssyncadd.s32 $0xFFFFF000  }
0x88: {  	[tilespmem:s7], [sflag:$0x2] =	stream.indirect.gather [hbm4b:s2+s5], $0x20, s29, s5, $0xb8;
	[tilespmem:$0x2800] =	vst v63  }
0x89: {  	_ =	swait.ge [sflag:s8], $0x1000  }
0x8a: {  	s1 =	ssub.s32 $0x2, s1;
	[sflag:s8] =	ssyncset.done $0x0  }
0x8b: {  	s0 =	sshrl.u32 s1, $0x1;
	s30 =	sadd.s32 $0x8400, s31;
	[sflag:s8] =	ssyncadd.s32 $0xFFFFF000  }
0x8c: {  	[hbm4b:s30+s3] =	stream.linear.scatter [tilespmem:s6], [sflag:$0x3], $0x1000, $0x38;
	[tilespmem:$0x2800] =	vst v63  }
0x8d: {  	s0 =	ssub.s32 s1, s0;
	_ =	swait.ge [sflag:s4], $0x1000  }
0x8e: {  	s0 =	smax.u32 s0, $0x1;
	[sflag:s4] =	ssyncset.done $0x0  }
0x8f: {  	p0 =	sne.s32 s0, $0x1;
	[sflag:s4] =	ssyncadd.s32 $0xFFFFF000  }
.Ltmp0:
0x90: {  	_ =	swait.ge [sflag:s10], $0x1000;
	(pc) =	sbr.rel @!p0 .LBB2_2-.Ltmp0, $4  }
0x91: {  	[sflag:s10] =	ssyncset.done $0x0  }
0x92: {  	s31 =	sadd.s32 $0x8600, s31;
	[sflag:s10] =	ssyncadd.s32 $0xFFFFF000  }
0x93: {  	[hbm4b:s31+s3] =	stream.linear.scatter [tilespmem:s7], [sflag:$0x3], $0x1000, $0x38;
	[tilespmem:$0x2800] =	vst v63  }
0x94: {  	s1 =	sadd.s32 $0xFFFFFFFF, s0;
	_ =	swait.ge [sflag:s4], $0x1000  }
.LBB2_1:
0x95: {  	[sflag:s4] =	ssyncset.done $0x0  }
0x96: {  	s0 =	rddreg [dreg:$0x3];
	[sflag:s4] =	ssyncadd.s32 $0xFFFFF000  }
0x97: {  	[tilespmem:s3], [sflag:$0x3] =	stream.linear.gather [hbm4b:s0+s3], $0x800, $0x38;
	[tilespmem:$0x2800] =	vst v63  }
0x98: {  	_ =	swait.ge [sflag:s4], $0x800  }
0x99: {  	[sflag:s4] =	ssyncset.done $0x0  }
0x9a: {  	[sflag:s4] =	ssyncadd.s32 $0xFFFFF800  }
0x9b: {  	[tilespmem:s6], [sflag:$0x1] =	stream.indirect.gather [hbm4b:s2+s5], $0x20, s3, s5, $0xb8;
	[tilespmem:$0x2800] =	vst v63  }
0x9c: {  	_ = 	snop  }
0x9d: {  	[tilespmem:s7], [sflag:$0x2] =	stream.indirect.gather [hbm4b:s2+s5], $0x20, s5, s5, $0xb8;
	[tilespmem:$0x2800] =	vst v63  }
0x9e: {  	_ =	swait.ge [sflag:s8], $0x1000  }
0x9f: {  	[sflag:s8] =	ssyncset.done $0x0  }
0xa0: {  	s0 =	rddreg [dreg:$0x4];
	[sflag:s8] =	ssyncadd.s32 $0xFFFFF000  }
0xa1: {  	[hbm4b:s0+s3] =	stream.linear.scatter [tilespmem:s6], [sflag:$0x3], $0x1000, $0x38;
	[tilespmem:$0x2800] =	vst v63  }
0xa2: {  	_ =	swait.ge [sflag:s4], $0x1000  }
0xa3: {  	[sflag:s4] =	ssyncset.done $0x0  }
0xa4: {  	[sflag:s4] =	ssyncadd.s32 $0xFFFFF000  }
0xa5: {  	[tilespmem:s6], [sflag:$0x1] =	stream.indirect.gather [hbm4b:s2+s5], $0x20, s9, s5, $0xb8;
	[tilespmem:$0x2800] =	vst v63  }
0xa6: {  	_ =	swait.ge [sflag:s10], $0x1000  }
0xa7: {  	[sflag:s10] =	ssyncset.done $0x0  }
0xa8: {  	s0 =	rddreg [dreg:$0x5];
	[sflag:s10] =	ssyncadd.s32 $0xFFFFF000  }
0xa9: {  	[hbm4b:s0+s3] =	stream.linear.scatter [tilespmem:s7], [sflag:$0x3], $0x1000, $0x38;
	[tilespmem:$0x2800] =	vst v63  }
0xaa: {  	_ =	swait.ge [sflag:s4], $0x1000  }
0xab: {  	[sflag:s4] =	ssyncset.done $0x0  }
0xac: {  	[sflag:s4] =	ssyncadd.s32 $0xFFFFF000  }
0xad: {  	[tilespmem:s7], [sflag:$0x2] =	stream.indirect.gather [hbm4b:s2+s5], $0x20, s11, s5, $0xb8;
	[tilespmem:$0x2800] =	vst v63  }
0xae: {  	_ =	swait.ge [sflag:s8], $0x1000  }
0xaf: {  	[sflag:s8] =	ssyncset.done $0x0  }
0xb0: {  	s0 =	rddreg [dreg:$0x6];
	[sflag:s8] =	ssyncadd.s32 $0xFFFFF000  }
0xb1: {  	[hbm4b:s0+s3] =	stream.linear.scatter [tilespmem:s6], [sflag:$0x3], $0x1000, $0x38;
	[tilespmem:$0x2800] =	vst v63  }
0xb2: {  	_ =	swait.ge [sflag:s4], $0x1000  }
0xb3: {  	[sflag:s4] =	ssyncset.done $0x0  }
0xb4: {  	[sflag:s4] =	ssyncadd.s32 $0xFFFFF000  }
0xb5: {  	[tilespmem:s6], [sflag:$0x1] =	stream.indirect.gather [hbm4b:s2+s5], $0x20, s12, s5, $0xb8;
	[tilespmem:$0x2800] =	vst v63  }
0xb6: {  	_ =	swait.ge [sflag:s10], $0x1000  }
0xb7: {  	[sflag:s10] =	ssyncset.done $0x0  }
0xb8: {  	s0 =	rddreg [dreg:$0x7];
	[sflag:s10] =	ssyncadd.s32 $0xFFFFF000  }
0xb9: {  	[hbm4b:s0+s3] =	stream.linear.scatter [tilespmem:s7], [sflag:$0x3], $0x1000, $0x38;
	[tilespmem:$0x2800] =	vst v63  }
0xba: {  	_ =	swait.ge [sflag:s4], $0x1000  }
0xbb: {  	[sflag:s4] =	ssyncset.done $0x0  }
0xbc: {  	[sflag:s4] =	ssyncadd.s32 $0xFFFFF000  }
0xbd: {  	[tilespmem:s7], [sflag:$0x2] =	stream.indirect.gather [hbm4b:s2+s5], $0x20, s13, s5, $0xb8;
	[tilespmem:$0x2800] =	vst v63  }
0xbe: {  	_ =	swait.ge [sflag:s8], $0x1000  }
0xbf: {  	[sflag:s8] =	ssyncset.done $0x0  }
0xc0: {  	s0 =	rddreg [dreg:$0x8];
	[sflag:s8] =	ssyncadd.s32 $0xFFFFF000  }
0xc1: {  	[hbm4b:s0+s3] =	stream.linear.scatter [tilespmem:s6], [sflag:$0x3], $0x1000, $0x38;
	[tilespmem:$0x2800] =	vst v63  }
0xc2: {  	_ =	swait.ge [sflag:s4], $0x1000  }
0xc3: {  	[sflag:s4] =	ssyncset.done $0x0  }
0xc4: {  	[sflag:s4] =	ssyncadd.s32 $0xFFFFF000  }
0xc5: {  	[tilespmem:s6], [sflag:$0x1] =	stream.indirect.gather [hbm4b:s2+s5], $0x20, s14, s5, $0xb8;
	[tilespmem:$0x2800] =	vst v63  }
0xc6: {  	_ =	swait.ge [sflag:s10], $0x1000  }
0xc7: {  	[sflag:s10] =	ssyncset.done $0x0  }
0xc8: {  	s0 =	rddreg [dreg:$0x9];
	[sflag:s10] =	ssyncadd.s32 $0xFFFFF000  }
0xc9: {  	[hbm4b:s0+s3] =	stream.linear.scatter [tilespmem:s7], [sflag:$0x3], $0x1000, $0x38;
	[tilespmem:$0x2800] =	vst v63  }
0xca: {  	_ =	swait.ge [sflag:s4], $0x1000  }
0xcb: {  	[sflag:s4] =	ssyncset.done $0x0  }
0xcc: {  	[sflag:s4] =	ssyncadd.s32 $0xFFFFF000  }
0xcd: {  	[tilespmem:s7], [sflag:$0x2] =	stream.indirect.gather [hbm4b:s2+s5], $0x20, s15, s5, $0xb8;
	[tilespmem:$0x2800] =	vst v63  }
0xce: {  	_ =	swait.ge [sflag:s8], $0x1000  }
0xcf: {  	[sflag:s8] =	ssyncset.done $0x0  }
0xd0: {  	s0 =	rddreg [dreg:$0xa];
	[sflag:s8] =	ssyncadd.s32 $0xFFFFF000  }
0xd1: {  	[hbm4b:s0+s3] =	stream.linear.scatter [tilespmem:s6], [sflag:$0x3], $0x1000, $0x38;
	[tilespmem:$0x2800] =	vst v63  }
0xd2: {  	_ =	swait.ge [sflag:s4], $0x1000  }
0xd3: {  	[sflag:s4] =	ssyncset.done $0x0  }
0xd4: {  	[sflag:s4] =	ssyncadd.s32 $0xFFFFF000  }
0xd5: {  	[tilespmem:s6], [sflag:$0x1] =	stream.indirect.gather [hbm4b:s2+s5], $0x20, s16, s5, $0xb8;
	[tilespmem:$0x2800] =	vst v63  }
0xd6: {  	_ =	swait.ge [sflag:s10], $0x1000  }
0xd7: {  	[sflag:s10] =	ssyncset.done $0x0  }
0xd8: {  	s0 =	rddreg [dreg:$0xb];
	[sflag:s10] =	ssyncadd.s32 $0xFFFFF000  }
0xd9: {  	[hbm4b:s0+s3] =	stream.linear.scatter [tilespmem:s7], [sflag:$0x3], $0x1000, $0x38;
	[tilespmem:$0x2800] =	vst v63  }
0xda: {  	_ =	swait.ge [sflag:s4], $0x1000  }
0xdb: {  	[sflag:s4] =	ssyncset.done $0x0  }
0xdc: {  	[sflag:s4] =	ssyncadd.s32 $0xFFFFF000  }
0xdd: {  	[tilespmem:s7], [sflag:$0x2] =	stream.indirect.gather [hbm4b:s2+s5], $0x20, s17, s5, $0xb8;
	[tilespmem:$0x2800] =	vst v63  }
0xde: {  	_ =	swait.ge [sflag:s8], $0x1000  }
0xdf: {  	[sflag:s8] =	ssyncset.done $0x0  }
0xe0: {  	s0 =	rddreg [dreg:$0xc];
	[sflag:s8] =	ssyncadd.s32 $0xFFFFF000  }
0xe1: {  	[hbm4b:s0+s3] =	stream.linear.scatter [tilespmem:s6], [sflag:$0x3], $0x1000, $0x38;
	[tilespmem:$0x2800] =	vst v63  }
0xe2: {  	_ =	swait.ge [sflag:s4], $0x1000  }
0xe3: {  	[sflag:s4] =	ssyncset.done $0x0  }
0xe4: {  	[sflag:s4] =	ssyncadd.s32 $0xFFFFF000  }
0xe5: {  	[tilespmem:s6], [sflag:$0x1] =	stream.indirect.gather [hbm4b:s2+s5], $0x20, s18, s5, $0xb8;
	[tilespmem:$0x2800] =	vst v63  }
0xe6: {  	_ =	swait.ge [sflag:s10], $0x1000  }
0xe7: {  	[sflag:s10] =	ssyncset.done $0x0  }
0xe8: {  	[sflag:s10] =	ssyncadd.s32 $0xFFFFF000  }
0xe9: {  	[hbm4b:s19+s3] =	stream.linear.scatter [tilespmem:s7], [sflag:$0x3], $0x1000, $0x38;
	[tilespmem:$0x2800] =	vst v63  }
0xea: {  	_ =	swait.ge [sflag:s4], $0x1000  }
0xeb: {  	[sflag:s4] =	ssyncset.done $0x0  }
0xec: {  	[sflag:s4] =	ssyncadd.s32 $0xFFFFF000  }
0xed: {  	[tilespmem:s7], [sflag:$0x2] =	stream.indirect.gather [hbm4b:s2+s5], $0x20, s20, s5, $0xb8;
	[tilespmem:$0x2800] =	vst v63  }
0xee: {  	_ =	swait.ge [sflag:s8], $0x1000  }
0xef: {  	[sflag:s8] =	ssyncset.done $0x0  }
0xf0: {  	[sflag:s8] =	ssyncadd.s32 $0xFFFFF000  }
0xf1: {  	[hbm4b:s21+s3] =	stream.linear.scatter [tilespmem:s6], [sflag:$0x3], $0x1000, $0x38;
	[tilespmem:$0x2800] =	vst v63  }
0xf2: {  	_ =	swait.ge [sflag:s4], $0x1000  }
0xf3: {  	[sflag:s4] =	ssyncset.done $0x0  }
0xf4: {  	[sflag:s4] =	ssyncadd.s32 $0xFFFFF000  }
0xf5: {  	[tilespmem:s6], [sflag:$0x1] =	stream.indirect.gather [hbm4b:s2+s5], $0x20, s22, s5, $0xb8;
	[tilespmem:$0x2800] =	vst v63  }
0xf6: {  	_ =	swait.ge [sflag:s10], $0x1000  }
0xf7: {  	[sflag:s10] =	ssyncset.done $0x0  }
0xf8: {  	[sflag:s10] =	ssyncadd.s32 $0xFFFFF000  }
0xf9: {  	[hbm4b:s23+s3] =	stream.linear.scatter [tilespmem:s7], [sflag:$0x3], $0x1000, $0x38;
	[tilespmem:$0x2800] =	vst v63  }
0xfa: {  	_ =	swait.ge [sflag:s4], $0x1000  }
0xfb: {  	[sflag:s4] =	ssyncset.done $0x0  }
0xfc: {  	[sflag:s4] =	ssyncadd.s32 $0xFFFFF000  }
0xfd: {  	[tilespmem:s7], [sflag:$0x2] =	stream.indirect.gather [hbm4b:s2+s5], $0x20, s24, s5, $0xb8;
	[tilespmem:$0x2800] =	vst v63  }
0xfe: {  	_ =	swait.ge [sflag:s8], $0x1000  }
0xff: {  	[sflag:s8] =	ssyncset.done $0x0  }
0x100: {  	[sflag:s8] =	ssyncadd.s32 $0xFFFFF000  }
0x101: {  	[hbm4b:s25+s3] =	stream.linear.scatter [tilespmem:s6], [sflag:$0x3], $0x1000, $0x38;
	[tilespmem:$0x2800] =	vst v63  }
0x102: {  	_ =	swait.ge [sflag:s4], $0x1000  }
0x103: {  	[sflag:s4] =	ssyncset.done $0x0  }
0x104: {  	[sflag:s4] =	ssyncadd.s32 $0xFFFFF000  }
0x105: {  	[tilespmem:s6], [sflag:$0x1] =	stream.indirect.gather [hbm4b:s2+s5], $0x20, s26, s5, $0xb8;
	[tilespmem:$0x2800] =	vst v63  }
0x106: {  	_ =	swait.ge [sflag:s10], $0x1000  }
0x107: {  	[sflag:s10] =	ssyncset.done $0x0  }
0x108: {  	[sflag:s10] =	ssyncadd.s32 $0xFFFFF000  }
0x109: {  	[hbm4b:s28+s3] =	stream.linear.scatter [tilespmem:s7], [sflag:$0x3], $0x1000, $0x38;
	[tilespmem:$0x2800] =	vst v63  }
0x10a: {  	_ =	swait.ge [sflag:s4], $0x1000  }
0x10b: {  	[sflag:s4] =	ssyncset.done $0x0  }
0x10c: {  	[sflag:s4] =	ssyncadd.s32 $0xFFFFF000  }
0x10d: {  	[tilespmem:s7], [sflag:$0x2] =	stream.indirect.gather [hbm4b:s2+s5], $0x20, s29, s5, $0xb8;
	[tilespmem:$0x2800] =	vst v63  }
0x10e: {  	_ =	swait.ge [sflag:s8], $0x1000  }
0x10f: {  	[sflag:s8] =	ssyncset.done $0x0  }
0x110: {  	[sflag:s8] =	ssyncadd.s32 $0xFFFFF000  }
0x111: {  	[hbm4b:s30+s3] =	stream.linear.scatter [tilespmem:s6], [sflag:$0x3], $0x1000, $0x38;
	[tilespmem:$0x2800] =	vst v63  }
0x112: {  	_ =	swait.ge [sflag:s4], $0x1000  }
0x113: {  	[sflag:s4] =	ssyncset.done $0x0  }
0x114: {  	p0 =	sne.s32 s1, $0x1;
	[sflag:s4] =	ssyncadd.s32 $0xFFFFF000  }
.Ltmp1:
0x115: {  	_ =	swait.ge [sflag:s10], $0x1000;
	(pc) =	sbr.rel @p0 .LBB2_1-.Ltmp1, $4  }
0x116: {  	[sflag:s10] =	ssyncset.done $0x0  }
0x117: {  	[sflag:s10] =	ssyncadd.s32 $0xFFFFF000  }
0x118: {  	[hbm4b:s31+s3] =	stream.linear.scatter [tilespmem:s7], [sflag:$0x3], $0x1000, $0x38;
	[tilespmem:$0x2800] =	vst v63  }
0x119: {  	s1 =	sadd.s32 $0xFFFFFFFF, s1;
	_ =	swait.ge [sflag:s4], $0x1000  }
.LBB2_2:
0x11a: {  	[sflag:s4] =	ssyncset.done $0x0  }
0x11b: {  	[sflag:s4] =	ssyncadd.s32 $0xFFFFF000  }
0x11c: {  	_ =	sfence.sel $0x180000  }
0x11d: {  	[bflag:$0x0] =	sbarrier.arrive $0xFFFF  }
0x11e: {  	_ =	strace $0x9000004A  }
0x11f: {  	s0 =	stileid.u32;
	[bflag:$0x2] =	sbarrier.arrive $0xFFFF  }
0x120: {  	p0 =	sne.s32 s0, $0x0;
	s0 =	rddreg [dreg:$0x2]  }
0x121: {  	s0 =	sadd.s32 @!p0 $0x100000, s0  }
0x122: {  	[sflag:s0] =	ssyncadd.tile.s32 @!p0 $0x1;
	_ =	shalt  }
.Lfunc_end2:
_tile_overlayer_lowered:
.L_overlay_start_2:
0x123: {  	(tag) =	ssettag $0x2  }
0x124: {  	s0 =	rddreg [dreg:$0x0];
	s2 =	stileid.u32  }
0x125: {  	s1 =	rddreg [dreg:$0x1];
	p0 =	sne.s32 s2, $0x0  }
0x126: {  	s3 =	rddreg [dreg:$0x2];
	[bflag:$0x3] =	sbarrier.arrive $0xFFFF;
	s2 =	simm.s32 @!p0 $0x1C03  }
0x127: {  	[timem:s3], [sflag:s2] =	dma.local @!p0 [hbm:s0], s1  }
0x128: {  	s0 =	simm.s32 @!p0 $0x3  }
0x129: {  	_ =	swait.ge @!p0 [sflag:s0], s1  }
0x12a: {  	s1 =	ssub.s32 @!p0 $0x0, s1;
	[sflag:s0] =	ssyncset.done @!p0 $0x0  }
0x12b: {  	[sflag:s0] =	ssyncadd.s32 @!p0 s1  }
0x12c: {  	[bflag:$0x3] =	sbarrier.arrive $0xFFFF  }
0x12d: {  	_ =	shalt  }

// kernel: kernel.18.cloned.1.call-start
scs
__scs_entry_jumppad:
0x0: {  	(pc) =	sbr.rel $0x88, $3  }
0x1: {  	(tag) =	ssettag $0x0;
	lr =	simm.s32 $0x1  }
0x2: {  	[smem:$0x3F90] =	sst lr;
	_ =	strace $0xD0000000  }
0x3: {  	_ = 	snop  }
0x4: {  	_ = 	snop  }
0x5: {  	_ = 	snop  }
0x6: {  	_ = 	snop  }
0x7: {  	_ = 	snop  }
__scs_overlays_trampoline_lowered:
0x8: {  	[smem:$0x3F9F] =	sst s0  }
0x9: {  	[smem:$0x3FA0] =	sst s1  }
0xa: {  	[smem:$0x3FA1] =	sst s2  }
0xb: {  	[smem:$0x3FA2] =	sst s3  }
0xc: {  	[smem:$0x3FA3] =	sst s4  }
0xd: {  	[smem:$0x3FA4] =	sst s5  }
0xe: {  	[smem:$0x3FA5] =	sst s6  }
0xf: {  	[smem:$0x3FA6] =	sst s7  }
0x10: {  	[smem:$0x3FA7] =	sst s8  }
0x11: {  	[smem:$0x3FA8] =	sst s9;
	s0 =	simm.s32 @!p0 $0x0  }
0x12: {  	s1 =	sld [smem:$0x3F8E];
	s0 =	simm.s32 @p0 $0x1  }
0x13: {  	[smem:$0x3FA9] =	sst s0;
	s0 =	simm.s32 @!p1 $0x0  }
0x14: {  	s2 =	sld [smem:$0x3F8D];
	s0 =	simm.s32 @p1 $0x1  }
0x15: {  	[smem:$0x3FAA] =	sst s0;
	s0 =	simm.s32 @!p2 $0x0  }
0x16: {  	s3 =	sld [smem:$0x3FDB];
	s0 =	simm.s32 @p2 $0x1  }
0x17: {  	s4 =	simm.s32 $0x1BF5;
	[smem:$0x3FAC] =	sst s0  }
0x18: {  	s0 =	sld [smem:$0x3F8F];
	_ =	swait.ge [sflag:s4], $0x0  }
0x19: {  	s7 =	sld [smem:$0x3F90]  }
0x1a: {  	s8 =	sadd.s32 $0xFFFFE003, lr  }
0x1b: {  	s9 =	sadd.s32 $0xFFFFFEF7, lr;
	s5 =	simm.s32 $0xFFFFFFFF;
	p2 =	slt.u32 s8, $0xFFFFF086  }
0x1c: {  	p1 =	slt.u32 s9, $0xF7A;
	s5 =	simm.s32 @!p2 $0x0  }
0x1d: {  	s5 =	simm.s32 @p1 $0x1;
	p0 =	seq.s32 s7, s2  }
0x1e: {  	s7 =	smul.u32 @!p0 $0xF7A, s2;
	p2 =	seq.s32 @!p0 s5, $0x0  }
0x1f: {  	s9 =	smul.u32 $0xF7A, s1;
	s8 =	simm.s32 @!p0 $0x1BF5;
	p2 =	por !p2, p0  }
0x20: {  	[sflag:s8] =	ssyncset.s32 @!p0 $0xFFFFF086;
	s6 =	sadd.s32 @!p0 s3, s7;
	s7 =	simm.s32 @!p0 $0x108  }
0x21: {  	s3 =	sadd.s32 s3, s9;
	s6 =	sadd.s32 @!p0 $0x88, s6;
	s7 =	simm.s32 @p2 $0x1082  }
0x22: {  	[simem:s7], [sflag:s8] =	dma.local @!p0 [hbm:s6], $0xF7A  }
0x23: {  	s9 =	sor.u32 $0xD0000000, s2;
	s6 =	simm.s32 $0x108;
	_ =	swait.ge @!p0 [sflag:s8], $0x0  }
0x24: {  	s3 =	sadd.s32 $0x88, s3;
	s6 =	simm.s32 @!p1 $0x1082;
	[sflag:s4] =	ssyncset.s32 $0xFFFFF086  }
0x25: {  	[simem:s6], [sflag:s4] =	dma.local [hbm:s3], $0xF7A  }
0x26: {  	[smem:$0x3F90] =	sst s1;
	(tag) =	ssettag s2;
	_ =	strace s9  }
0x27: {  	s1 =	sld [smem:$0x3FA0]  }
0x28: {  	s2 =	sld [smem:$0x3FA1]  }
0x29: {  	s4 =	sld [smem:$0x3FA3]  }
0x2a: {  	p0 =	seq.s32 s5, $0x0;
	s5 =	sld [smem:$0x3FA4]  }
0x2b: {  	s6 =	sld [smem:$0x3FA5]  }
0x2c: {  	s7 =	sld [smem:$0x3FA6]  }
0x2d: {  	s3 =	simm.s32 $0x108;
	s8 =	sld [smem:$0x3FA7]  }
0x2e: {  	s3 =	simm.s32 @!p0 $0x1082;
	s9 =	sld [smem:$0x3FA8]  }
0x2f: {  	lr =	sadd.s32 s0, s3;
	s0 =	sld [smem:$0x3F9F]  }
0x30: {  	s3 =	sld [smem:$0x3FA2]  }
0x31: {  	[smem:$0x3FAB] =	sst s10  }
0x32: {  	s10 =	sld [smem:$0x3FA9];
	_ =	sdelay $0x3  }
0x33: {  	p0 =	seq.s32 s10, $0x1;
	s10 =	sld [smem:$0x3FAB];
	_ =	sdelay $0x3  }
0x34: {  	[smem:$0x3FAB] =	sst s10  }
0x35: {  	s10 =	sld [smem:$0x3FAA];
	_ =	sdelay $0x3  }
0x36: {  	p1 =	seq.s32 s10, $0x1;
	s10 =	sld [smem:$0x3FAB];
	_ =	sdelay $0x3  }
0x37: {  	[smem:$0x3FAB] =	sst s10  }
0x38: {  	s10 =	sld [smem:$0x3FAC]  }
0x39: {  	_ = 	snop;
	(pc) =	sbr.ind lr, $3  }
0x3a: {  	_ = 	snop  }
0x3b: {  	_ = 	snop  }
0x3c: {  	p2 =	seq.s32 s10, $0x1;
	s10 =	sld [smem:$0x3FAB]  }
0x3d: {  	_ =	shalt  }
0x3e: {  	_ =	shalt  }
0x3f: {  	_ =	shalt  }
0x40: {  	_ =	shalt  }
0x41: {  	_ =	shalt  }
0x42: {  	_ =	shalt  }
0x43: {  	_ =	shalt  }
0x44: {  	_ =	shalt  }
0x45: {  	_ =	shalt  }
0x46: {  	_ =	shalt  }
0x47: {  	_ =	shalt  }
0x48: {  	_ =	shalt  }
0x49: {  	_ =	shalt  }
0x4a: {  	_ =	shalt  }
0x4b: {  	_ =	shalt  }
0x4c: {  	_ =	shalt  }
0x4d: {  	_ =	shalt  }
0x4e: {  	_ =	shalt  }
0x4f: {  	_ =	shalt  }
0x50: {  	_ =	shalt  }
0x51: {  	_ =	shalt  }
0x52: {  	_ =	shalt  }
0x53: {  	_ =	shalt  }
0x54: {  	_ =	shalt  }
0x55: {  	_ =	shalt  }
0x56: {  	_ =	shalt  }
0x57: {  	_ =	shalt  }
0x58: {  	_ =	shalt  }
0x59: {  	_ =	shalt  }
0x5a: {  	_ =	shalt  }
0x5b: {  	_ =	shalt  }
0x5c: {  	_ =	shalt  }
0x5d: {  	_ =	shalt  }
0x5e: {  	_ =	shalt  }
0x5f: {  	_ =	shalt  }
0x60: {  	_ =	shalt  }
0x61: {  	_ =	shalt  }
0x62: {  	_ =	shalt  }
0x63: {  	_ =	shalt  }
0x64: {  	_ =	shalt  }
0x65: {  	_ =	shalt  }
0x66: {  	_ =	shalt  }
0x67: {  	_ =	shalt  }
0x68: {  	_ =	shalt  }
0x69: {  	_ =	shalt  }
0x6a: {  	_ =	shalt  }
0x6b: {  	_ =	shalt  }
0x6c: {  	_ =	shalt  }
0x6d: {  	_ =	shalt  }
0x6e: {  	_ =	shalt  }
0x6f: {  	_ =	shalt  }
0x70: {  	_ =	shalt  }
0x71: {  	_ =	shalt  }
0x72: {  	_ =	shalt  }
0x73: {  	_ =	shalt  }
0x74: {  	_ =	shalt  }
0x75: {  	_ =	shalt  }
0x76: {  	_ =	shalt  }
0x77: {  	_ =	shalt  }
0x78: {  	_ =	shalt  }
0x79: {  	_ =	shalt  }
0x7a: {  	_ =	shalt  }
0x7b: {  	_ =	shalt  }
0x7c: {  	_ =	shalt  }
0x7d: {  	_ =	shalt  }
0x7e: {  	_ =	shalt  }
0x7f: {  	_ =	shalt  }
0x80: {  	_ =	shalt  }
0x81: {  	_ =	shalt  }
0x82: {  	_ =	shalt  }
0x83: {  	_ =	shalt  }
0x84: {  	_ =	shalt  }
0x85: {  	_ =	shalt  }
0x86: {  	_ =	shalt  }
0x87: {  	_ =	shalt  }
.Lfunc_end0:
.L_simem_size_0:
called_computation.2_lowered:
.L_overlay_start_0:
0x88: {  	s2 =	sld [smem:$0x3FD9]  }
0x89: {  	s3 =	sld [smem:$0x3FFE];
	_ =	sdelay $0x1  }
0x8a: {  	s1 =	srdreg.scid  }
0x8b: {  	s0 =	sand.u32 $0x1, s1  }
0x8c: {  	s14 =	sshll.u32 s0, $0xA;
	s2 =	sadd.s32 s3, s2  }
0x8d: {  	s2 =	sadd.s32 s2, s14  }
0x8e: {  	[smem:$0x3FB7] =	sst s2  }
0x8f: {  	_ = 	snop  }
0x90: {  	s2 =	sld [smem:$0x3FD0];
	_ =	sdelay $0x2  }
0x91: {  	s15 =	simm.s32 $0xA;
	s4 =	simm.s32 $0x10  }
0x92: {  	[smem:s4], [sflag:s15] =	dma.local [hbm:s2], $0x1  }
0x93: {  	_ =	swait.eq [sflag:s15], $0x1  }
0x94: {  	[sflag:s15] =	ssyncset.done $0x0  }
0x95: {  	[sflag:s15] =	ssyncadd.s32 $0xFFFFFFFF  }
0x96: {  	s16 =	sld [smem:$0x11];
	(tm) =	ssettm $0x1  }
0x97: {  	s17 =	sld [smem:$0x3FFB];
	_ =	sdelay $0x3  }
0x98: {  	_ =	strace s17  }
0x99: {  	s3 =	sld [smem:$0x3FFC];
	_ =	sdelay $0x3  }
0x9a: {  	_ =	strace s3  }
0x9b: {  	s3 =	sld [smem:$0x3FFD];
	_ =	sdelay $0x3  }
0x9c: {  	_ =	strace s3  }
0x9d: {  	_ =	strace $0x8FFFFFFF  }
0x9e: {  	s18 =	sld [smem:$0x3FDB];
	_ =	sdelay $0x1  }
0x9f: {  	s19 =	simm.s32 $_scs_section_size  }
0xa0: {  	s5 =	simm.s32 $_size__tile_overlayer_lowered;
	s6 =	simm.s32 $_tile_overlayer_lowered  }
0xa1: {  	s22 =	simm.s32 $0x1BFF;
	s21 =	sshll.u32 s6, $0x1;
	s3 =	sadd.s32 s19, s18  }
0xa2: {  	s7 =	simm.s32 $0x0;
	s20 =	sshll.u32 s5, $0x1;
	s5 =	sadd.s32 s21, s3  }
0xa3: {  	[timem:s7], [sflag:s22] =	dma.local [hbm:s5], s20  }
0xa4: {  	_ =	swait.ge [sflag:s22], s20  }
0xa5: {  	s4 =	ssub.s32 $0x0, s20;
	[sflag:s22] =	ssyncset.done $0x0  }
0xa6: {  	[sflag:s22] =	ssyncadd.s32 s4;
	_ =	sdelay $0x1  }
0xa7: {  	s23 =	simm.s32 $0x1B8B  }
0xa8: {  	_ =	swait.ge [sflag:s23], $0x1  }
0xa9: {  	[sflag:s23] =	ssyncset.done $0x0  }
0xaa: {  	s25 =	simm.s32 $0x1B8E;
	s24 =	sld [smem:$0x3FFE];
	[sflag:s23] =	ssyncadd.s32 $0xFFFFFFFF  }
0xab: {  	s26 =	simm.s32 $execute0_lowered;
	[smem:$0x3FD2] =	sst s25  }
0xac: {  	s5 =	sshll.u32 s26, $0x1;
	_ =	strace $0x8000004C;
	[dreg:$0x1] =	wrdreg $0xFFFFFFFF  }
0xad: {  	s28 =	simm.s32 $_size_execute0_lowered;
	s3 =	sadd.s32 s3, s5;
	[dreg:$0x0] =	wrdreg $0x0  }
0xae: {  	s5 =	sshll.u32 s28, $0x1;
	[dreg:$0x2] =	wrdreg s3  }
0xaf: {  	[dreg:$0x3] =	wrdreg s5  }
0xb0: {  	[dreg:$0x4] =	wrdreg $0xC0  }
0xb1: {  	_ =	task [dreg:s7], $0x5FFFF  }
0xb2: {  	[dreg:$0x1] =	wrdreg $0xFFFFFFFF  }
0xb3: {  	[dreg:$0x0] =	wrdreg $0x60  }
0xb4: {  	[dreg:$0x2] =	wrdreg s16  }
0xb5: {  	[dreg:$0x3] =	wrdreg s24  }
0xb6: {  	[dreg:$0x4] =	wrdreg $0x9  }
0xb7: {  	_ =	task.clear_ibuf [dreg:s7], $0x5FFFF;
	_ =	strace $0x9000004C  }
0xb8: {  	s29 =	simm.s32 $0x9;
	_ =	strace $0x8000004E  }
0xb9: {  	_ =	swait.ge [sflag:s29], $0x1  }
0xba: {  	[sflag:s29] =	ssyncadd.s32 $0xFFFFFFFF  }
0xbb: {  	_ =	strace $0x9000004E  }
0xbc: {  	_ =	sfence  }
0xbd: {  	s30 =	sld [smem:$0x0];
	_ =	sdelay $0x2  }
0xbe: {  	s31 =	sshll.u32 s1, $0xD;
	s1 =	sshrl.u32 s1, $0x2  }
0xbf: {  	s3 =	sand.u32 $0x4000, s31;
	s1 =	sadd.s32 s1, s30  }
0xc0: {  	s0 =	sor.u32 s3, s0;
	s1 =	sshll.u32 s1, $0x11  }
0xc1: {  	s0 =	sor.u32 s1, s0  }
0xc2: {  	s0 =	sadd.s32 $0x8F2B, s0  }
0xc3: {  	[sflag:s0] =	ssyncadd.remote.s32 $0x1  }
0xc4: {  	_ =	sfence.sel $0xFFFF  }
0xc5: {  	[dreg:$0x0] =	wrdreg $0xFFFFFFFF;
	(pc) =	sbr.abs _section_cstart, $3  }
0xc6: {  	[dreg:$0x1] =	wrdreg $0xFFFFFFFF  }
0xc7: {  	_ =	task.clear_ibuf [dreg:s7], $0x2FFFF;
	_ =	strace $0x9FFFFFFF  }
0xc8: {  	(tm) =	ssettm $0x7FFFFFFF  }
0xc9: {  	_ =	shalt  }
tec
execute0_lowered:
.L_overlay_start_1:
0x0: {  	(tag) =	ssettag $0x1  }
0x1: {  	s1 =	srdreg.scid;
	s0 =	stileid.u32  }
0x2: {  	s1 =	sand.u32 $0x1, s1;
	s3 =	sshll.u32 s0, $0x1  }
0x3: {  	s2 =	rddreg [dreg:$0x0];
	s5 =	sor.u32 s1, s3  }
0x4: {  	s4 =	rddreg [dreg:$0x1];
	s6 =	sshll.u32 s5, $0x8  }
0x5: {  	s3 =	simm.s32 $0x0;
	s5 =	sshll.u32 s5, $0xE;
	s6 =	sadd.s32 s6, s4  }
0x6: {  	[smem:$0x7FF] =	sst s3;
	s31 =	sadd.s32 s5, s4;
	s16 =	sadd.s32 $0x4800, s6  }
0x7: {  	_ =	strace $0x8000004D;
	s17 =	sadd.s32 $0x6800, s31;
	[dreg:$0x3] =	wrdreg s16  }
0x8: {  	s18 =	sadd.s32 $0x6C00, s31;
	[dreg:$0x4] =	wrdreg s17  }
0x9: {  	s19 =	sadd.s32 $0x7000, s31;
	[dreg:$0x5] =	wrdreg s18  }
0xa: {  	s20 =	sadd.s32 $0x7400, s31;
	[dreg:$0x6] =	wrdreg s19  }
0xb: {  	s21 =	sadd.s32 $0x7800, s31;
	[dreg:$0x7] =	wrdreg s20  }
0xc: {  	s22 =	sadd.s32 $0x7C00, s31;
	[dreg:$0x8] =	wrdreg s21  }
0xd: {  	s23 =	sadd.s32 $0x8000, s31;
	[dreg:$0x9] =	wrdreg s22  }
0xe: {  	s24 =	sadd.s32 $0x8400, s31;
	[dreg:$0xa] =	wrdreg s23  }
0xf: {  	s26 =	sadd.s32 $0x8800, s31;
	[dreg:$0xb] =	wrdreg s24  }
0x10: {  	[dreg:$0xc] =	wrdreg s26  }
0x11: {  	s4 =	simm.s32 $0x3;
	s25 =	rddreg [dreg:$0x3]  }
0x12: {  	[tilespmem:s3], [sflag:$0x3] =	stream.linear.gather [hbm4b:s25+s3], $0x800, $0x38;
	[tilespmem:$0x4800] =	vst v63  }
0x13: {  	_ =	swait.ge [sflag:s4], $0x800  }
0x14: {  	[sflag:s4] =	ssyncset.done $0x0  }
0x15: {  	s5 =	simm.s32 $0x80;
	s6 =	simm.s32 $0x800;
	[sflag:s4] =	ssyncadd.s32 $0xFFFFF800  }
0x16: {  	[tilespmem:s6], [sflag:$0x1] =	stream.indirect.gather [hbm4b:s2+s5], $0x40, s3, s5, $0xb8;
	[tilespmem:$0x4800] =	vst v63  }
0x17: {  	s7 =	simm.s32 $0x2800;
	s8 =	simm.s32 $0x1  }
0x18: {  	[tilespmem:s7], [sflag:$0x2] =	stream.indirect.gather [hbm4b:s2+s5], $0x40, s5, s5, $0xb8;
	[tilespmem:$0x4800] =	vst v63  }
0x19: {  	_ =	swait.ge [sflag:s8], $0x2000  }
0x1a: {  	[sflag:s8] =	ssyncset.done $0x0  }
0x1b: {  	s9 =	rddreg [dreg:$0x4];
	[sflag:s8] =	ssyncadd.s32 $0xFFFFE000  }
0x1c: {  	[hbm4b:s9+s3] =	stream.linear.scatter [tilespmem:s6], [sflag:$0x3], $0x2000, $0x38;
	[tilespmem:$0x4800] =	vst v63  }
0x1d: {  	_ =	swait.ge [sflag:s4], $0x2000  }
0x1e: {  	[sflag:s4] =	ssyncset.done $0x0  }
0x1f: {  	s10 =	simm.s32 $0x2;
	s9 =	simm.s32 $0x100;
	[sflag:s4] =	ssyncadd.s32 $0xFFFFE000  }
0x20: {  	[tilespmem:s6], [sflag:$0x1] =	stream.indirect.gather [hbm4b:s2+s5], $0x40, s9, s5, $0xb8;
	[tilespmem:$0x4800] =	vst v63  }
0x21: {  	_ =	swait.ge [sflag:s10], $0x2000  }
0x22: {  	[sflag:s10] =	ssyncset.done $0x0  }
0x23: {  	s11 =	rddreg [dreg:$0x5];
	[sflag:s10] =	ssyncadd.s32 $0xFFFFE000  }
0x24: {  	[hbm4b:s11+s3] =	stream.linear.scatter [tilespmem:s7], [sflag:$0x3], $0x2000, $0x38;
	[tilespmem:$0x4800] =	vst v63  }
0x25: {  	_ =	swait.ge [sflag:s4], $0x2000  }
0x26: {  	[sflag:s4] =	ssyncset.done $0x0  }
0x27: {  	s11 =	simm.s32 $0x180;
	[sflag:s4] =	ssyncadd.s32 $0xFFFFE000  }
0x28: {  	[tilespmem:s7], [sflag:$0x2] =	stream.indirect.gather [hbm4b:s2+s5], $0x40, s11, s5, $0xb8;
	[tilespmem:$0x4800] =	vst v63  }
0x29: {  	_ =	swait.ge [sflag:s8], $0x2000  }
0x2a: {  	[sflag:s8] =	ssyncset.done $0x0  }
0x2b: {  	s12 =	rddreg [dreg:$0x6];
	[sflag:s8] =	ssyncadd.s32 $0xFFFFE000  }
0x2c: {  	[hbm4b:s12+s3] =	stream.linear.scatter [tilespmem:s6], [sflag:$0x3], $0x2000, $0x38;
	[tilespmem:$0x4800] =	vst v63  }
0x2d: {  	_ =	swait.ge [sflag:s4], $0x2000  }
0x2e: {  	[sflag:s4] =	ssyncset.done $0x0  }
0x2f: {  	s12 =	simm.s32 $0x200;
	[sflag:s4] =	ssyncadd.s32 $0xFFFFE000  }
0x30: {  	[tilespmem:s6], [sflag:$0x1] =	stream.indirect.gather [hbm4b:s2+s5], $0x40, s12, s5, $0xb8;
	[tilespmem:$0x4800] =	vst v63  }
0x31: {  	_ =	swait.ge [sflag:s10], $0x2000  }
0x32: {  	[sflag:s10] =	ssyncset.done $0x0  }
0x33: {  	s13 =	rddreg [dreg:$0x7];
	[sflag:s10] =	ssyncadd.s32 $0xFFFFE000  }
0x34: {  	[hbm4b:s13+s3] =	stream.linear.scatter [tilespmem:s7], [sflag:$0x3], $0x2000, $0x38;
	[tilespmem:$0x4800] =	vst v63  }
0x35: {  	_ =	swait.ge [sflag:s4], $0x2000  }
0x36: {  	[sflag:s4] =	ssyncset.done $0x0  }
0x37: {  	s13 =	simm.s32 $0x280;
	[sflag:s4] =	ssyncadd.s32 $0xFFFFE000  }
0x38: {  	[tilespmem:s7], [sflag:$0x2] =	stream.indirect.gather [hbm4b:s2+s5], $0x40, s13, s5, $0xb8;
	[tilespmem:$0x4800] =	vst v63  }
0x39: {  	_ =	swait.ge [sflag:s8], $0x2000  }
0x3a: {  	[sflag:s8] =	ssyncset.done $0x0  }
0x3b: {  	s14 =	rddreg [dreg:$0x8];
	[sflag:s8] =	ssyncadd.s32 $0xFFFFE000  }
0x3c: {  	[hbm4b:s14+s3] =	stream.linear.scatter [tilespmem:s6], [sflag:$0x3], $0x2000, $0x38;
	[tilespmem:$0x4800] =	vst v63  }
0x3d: {  	_ =	swait.ge [sflag:s4], $0x2000  }
0x3e: {  	[sflag:s4] =	ssyncset.done $0x0  }
0x3f: {  	s14 =	simm.s32 $0x300;
	[sflag:s4] =	ssyncadd.s32 $0xFFFFE000  }
0x40: {  	[tilespmem:s6], [sflag:$0x1] =	stream.indirect.gather [hbm4b:s2+s5], $0x40, s14, s5, $0xb8;
	[tilespmem:$0x4800] =	vst v63  }
0x41: {  	_ =	swait.ge [sflag:s10], $0x2000  }
0x42: {  	[sflag:s10] =	ssyncset.done $0x0  }
0x43: {  	s15 =	rddreg [dreg:$0x9];
	[sflag:s10] =	ssyncadd.s32 $0xFFFFE000  }
0x44: {  	[hbm4b:s15+s3] =	stream.linear.scatter [tilespmem:s7], [sflag:$0x3], $0x2000, $0x38;
	[tilespmem:$0x4800] =	vst v63  }
0x45: {  	_ =	swait.ge [sflag:s4], $0x2000  }
0x46: {  	[sflag:s4] =	ssyncset.done $0x0  }
0x47: {  	s15 =	simm.s32 $0x380;
	[sflag:s4] =	ssyncadd.s32 $0xFFFFE000  }
0x48: {  	[tilespmem:s7], [sflag:$0x2] =	stream.indirect.gather [hbm4b:s2+s5], $0x40, s15, s5, $0xb8;
	[tilespmem:$0x4800] =	vst v63  }
0x49: {  	_ =	swait.ge [sflag:s8], $0x2000  }
0x4a: {  	[sflag:s8] =	ssyncset.done $0x0  }
0x4b: {  	s16 =	rddreg [dreg:$0xa];
	[sflag:s8] =	ssyncadd.s32 $0xFFFFE000  }
0x4c: {  	[hbm4b:s16+s3] =	stream.linear.scatter [tilespmem:s6], [sflag:$0x3], $0x2000, $0x38;
	[tilespmem:$0x4800] =	vst v63  }
0x4d: {  	_ =	swait.ge [sflag:s4], $0x2000  }
0x4e: {  	[sflag:s4] =	ssyncset.done $0x0  }
0x4f: {  	s16 =	simm.s32 $0x400;
	[sflag:s4] =	ssyncadd.s32 $0xFFFFE000  }
0x50: {  	[tilespmem:s6], [sflag:$0x1] =	stream.indirect.gather [hbm4b:s2+s5], $0x40, s16, s5, $0xb8;
	[tilespmem:$0x4800] =	vst v63  }
0x51: {  	_ =	swait.ge [sflag:s10], $0x2000  }
0x52: {  	[sflag:s10] =	ssyncset.done $0x0  }
0x53: {  	s17 =	rddreg [dreg:$0xb];
	[sflag:s10] =	ssyncadd.s32 $0xFFFFE000  }
0x54: {  	[hbm4b:s17+s3] =	stream.linear.scatter [tilespmem:s7], [sflag:$0x3], $0x2000, $0x38;
	[tilespmem:$0x4800] =	vst v63  }
0x55: {  	_ =	swait.ge [sflag:s4], $0x2000  }
0x56: {  	[sflag:s4] =	ssyncset.done $0x0  }
0x57: {  	s17 =	simm.s32 $0x480;
	[sflag:s4] =	ssyncadd.s32 $0xFFFFE000  }
0x58: {  	[tilespmem:s7], [sflag:$0x2] =	stream.indirect.gather [hbm4b:s2+s5], $0x40, s17, s5, $0xb8;
	[tilespmem:$0x4800] =	vst v63  }
0x59: {  	_ =	swait.ge [sflag:s8], $0x2000  }
0x5a: {  	[sflag:s8] =	ssyncset.done $0x0  }
0x5b: {  	s18 =	rddreg [dreg:$0xc];
	[sflag:s8] =	ssyncadd.s32 $0xFFFFE000  }
0x5c: {  	[hbm4b:s18+s3] =	stream.linear.scatter [tilespmem:s6], [sflag:$0x3], $0x2000, $0x38;
	[tilespmem:$0x4800] =	vst v63  }
0x5d: {  	_ =	swait.ge [sflag:s4], $0x2000  }
0x5e: {  	[sflag:s4] =	ssyncset.done $0x0  }
0x5f: {  	s18 =	simm.s32 $0x500;
	[sflag:s4] =	ssyncadd.s32 $0xFFFFE000  }
0x60: {  	[tilespmem:s6], [sflag:$0x1] =	stream.indirect.gather [hbm4b:s2+s5], $0x40, s18, s5, $0xb8;
	[tilespmem:$0x4800] =	vst v63  }
0x61: {  	_ =	swait.ge [sflag:s10], $0x2000  }
0x62: {  	[sflag:s10] =	ssyncset.done $0x0  }
0x63: {  	s19 =	sadd.s32 $0x8C00, s31;
	[sflag:s10] =	ssyncadd.s32 $0xFFFFE000  }
0x64: {  	[hbm4b:s19+s3] =	stream.linear.scatter [tilespmem:s7], [sflag:$0x3], $0x2000, $0x38;
	[tilespmem:$0x4800] =	vst v63  }
0x65: {  	_ =	swait.ge [sflag:s4], $0x2000  }
0x66: {  	[sflag:s4] =	ssyncset.done $0x0  }
0x67: {  	s20 =	simm.s32 $0x580;
	[sflag:s4] =	ssyncadd.s32 $0xFFFFE000  }
0x68: {  	[tilespmem:s7], [sflag:$0x2] =	stream.indirect.gather [hbm4b:s2+s5], $0x40, s20, s5, $0xb8;
	[tilespmem:$0x4800] =	vst v63  }
0x69: {  	_ =	swait.ge [sflag:s8], $0x2000  }
0x6a: {  	[sflag:s8] =	ssyncset.done $0x0  }
0x6b: {  	s21 =	sadd.s32 $0x9000, s31;
	[sflag:s8] =	ssyncadd.s32 $0xFFFFE000  }
0x6c: {  	[hbm4b:s21+s3] =	stream.linear.scatter [tilespmem:s6], [sflag:$0x3], $0x2000, $0x38;
	[tilespmem:$0x4800] =	vst v63  }
0x6d: {  	_ =	swait.ge [sflag:s4], $0x2000  }
0x6e: {  	[sflag:s4] =	ssyncset.done $0x0  }
0x6f: {  	s22 =	simm.s32 $0x600;
	[sflag:s4] =	ssyncadd.s32 $0xFFFFE000  }
0x70: {  	[tilespmem:s6], [sflag:$0x1] =	stream.indirect.gather [hbm4b:s2+s5], $0x40, s22, s5, $0xb8;
	[tilespmem:$0x4800] =	vst v63  }
0x71: {  	_ =	swait.ge [sflag:s10], $0x2000  }
0x72: {  	[sflag:s10] =	ssyncset.done $0x0  }
0x73: {  	s23 =	sadd.s32 $0x9400, s31;
	[sflag:s10] =	ssyncadd.s32 $0xFFFFE000  }
0x74: {  	[hbm4b:s23+s3] =	stream.linear.scatter [tilespmem:s7], [sflag:$0x3], $0x2000, $0x38;
	[tilespmem:$0x4800] =	vst v63  }
0x75: {  	_ =	swait.ge [sflag:s4], $0x2000  }
0x76: {  	[sflag:s4] =	ssyncset.done $0x0  }
0x77: {  	s24 =	simm.s32 $0x680;
	[sflag:s4] =	ssyncadd.s32 $0xFFFFE000  }
0x78: {  	[tilespmem:s7], [sflag:$0x2] =	stream.indirect.gather [hbm4b:s2+s5], $0x40, s24, s5, $0xb8;
	[tilespmem:$0x4800] =	vst v63  }
0x79: {  	_ =	swait.ge [sflag:s8], $0x2000  }
0x7a: {  	[sflag:s8] =	ssyncset.done $0x0  }
0x7b: {  	s25 =	sadd.s32 $0x9800, s31;
	[sflag:s8] =	ssyncadd.s32 $0xFFFFE000  }
0x7c: {  	[hbm4b:s25+s3] =	stream.linear.scatter [tilespmem:s6], [sflag:$0x3], $0x2000, $0x38;
	[tilespmem:$0x4800] =	vst v63  }
0x7d: {  	_ =	swait.ge [sflag:s4], $0x2000  }
0x7e: {  	[sflag:s4] =	ssyncset.done $0x0  }
0x7f: {  	s26 =	simm.s32 $0x700;
	[sflag:s4] =	ssyncadd.s32 $0xFFFFE000  }
0x80: {  	[tilespmem:s6], [sflag:$0x1] =	stream.indirect.gather [hbm4b:s2+s5], $0x40, s26, s5, $0xb8;
	[tilespmem:$0x4800] =	vst v63  }
0x81: {  	_ =	swait.ge [sflag:s10], $0x2000  }
0x82: {  	[sflag:s10] =	ssyncset.done $0x0  }
0x83: {  	s28 =	sadd.s32 $0x9C00, s31;
	[sflag:s10] =	ssyncadd.s32 $0xFFFFE000  }
0x84: {  	[hbm4b:s28+s3] =	stream.linear.scatter [tilespmem:s7], [sflag:$0x3], $0x2000, $0x38;
	[tilespmem:$0x4800] =	vst v63  }
0x85: {  	_ =	swait.ge [sflag:s4], $0x2000  }
0x86: {  	[sflag:s4] =	ssyncset.done $0x0  }
0x87: {  	s29 =	simm.s32 $0x780;
	[sflag:s4] =	ssyncadd.s32 $0xFFFFE000  }
0x88: {  	[tilespmem:s7], [sflag:$0x2] =	stream.indirect.gather [hbm4b:s2+s5], $0x40, s29, s5, $0xb8;
	[tilespmem:$0x4800] =	vst v63  }
0x89: {  	_ =	swait.ge [sflag:s8], $0x2000  }
0x8a: {  	s1 =	ssub.s32 $0x2, s1;
	[sflag:s8] =	ssyncset.done $0x0  }
0x8b: {  	s0 =	sshrl.u32 s1, $0x1;
	s30 =	sadd.s32 $0xA000, s31;
	[sflag:s8] =	ssyncadd.s32 $0xFFFFE000  }
0x8c: {  	[hbm4b:s30+s3] =	stream.linear.scatter [tilespmem:s6], [sflag:$0x3], $0x2000, $0x38;
	[tilespmem:$0x4800] =	vst v63  }
0x8d: {  	s0 =	ssub.s32 s1, s0;
	_ =	swait.ge [sflag:s4], $0x2000  }
0x8e: {  	s0 =	smax.u32 s0, $0x1;
	[sflag:s4] =	ssyncset.done $0x0  }
0x8f: {  	p0 =	sne.s32 s0, $0x1;
	[sflag:s4] =	ssyncadd.s32 $0xFFFFE000  }
.Ltmp0:
0x90: {  	_ =	swait.ge [sflag:s10], $0x2000;
	(pc) =	sbr.rel @!p0 .LBB2_2-.Ltmp0, $4  }
0x91: {  	[sflag:s10] =	ssyncset.done $0x0  }
0x92: {  	s31 =	sadd.s32 $0xA400, s31;
	[sflag:s10] =	ssyncadd.s32 $0xFFFFE000  }
0x93: {  	[hbm4b:s31+s3] =	stream.linear.scatter [tilespmem:s7], [sflag:$0x3], $0x2000, $0x38;
	[tilespmem:$0x4800] =	vst v63  }
0x94: {  	s1 =	sadd.s32 $0xFFFFFFFF, s0;
	_ =	swait.ge [sflag:s4], $0x2000  }
.LBB2_1:
0x95: {  	[sflag:s4] =	ssyncset.done $0x0  }
0x96: {  	s0 =	rddreg [dreg:$0x3];
	[sflag:s4] =	ssyncadd.s32 $0xFFFFE000  }
0x97: {  	[tilespmem:s3], [sflag:$0x3] =	stream.linear.gather [hbm4b:s0+s3], $0x800, $0x38;
	[tilespmem:$0x4800] =	vst v63  }
0x98: {  	_ =	swait.ge [sflag:s4], $0x800  }
0x99: {  	[sflag:s4] =	ssyncset.done $0x0  }
0x9a: {  	[sflag:s4] =	ssyncadd.s32 $0xFFFFF800  }
0x9b: {  	[tilespmem:s6], [sflag:$0x1] =	stream.indirect.gather [hbm4b:s2+s5], $0x40, s3, s5, $0xb8;
	[tilespmem:$0x4800] =	vst v63  }
0x9c: {  	_ = 	snop  }
0x9d: {  	[tilespmem:s7], [sflag:$0x2] =	stream.indirect.gather [hbm4b:s2+s5], $0x40, s5, s5, $0xb8;
	[tilespmem:$0x4800] =	vst v63  }
0x9e: {  	_ =	swait.ge [sflag:s8], $0x2000  }
0x9f: {  	[sflag:s8] =	ssyncset.done $0x0  }
0xa0: {  	s0 =	rddreg [dreg:$0x4];
	[sflag:s8] =	ssyncadd.s32 $0xFFFFE000  }
0xa1: {  	[hbm4b:s0+s3] =	stream.linear.scatter [tilespmem:s6], [sflag:$0x3], $0x2000, $0x38;
	[tilespmem:$0x4800] =	vst v63  }
0xa2: {  	_ =	swait.ge [sflag:s4], $0x2000  }
0xa3: {  	[sflag:s4] =	ssyncset.done $0x0  }
0xa4: {  	[sflag:s4] =	ssyncadd.s32 $0xFFFFE000  }
0xa5: {  	[tilespmem:s6], [sflag:$0x1] =	stream.indirect.gather [hbm4b:s2+s5], $0x40, s9, s5, $0xb8;
	[tilespmem:$0x4800] =	vst v63  }
0xa6: {  	_ =	swait.ge [sflag:s10], $0x2000  }
0xa7: {  	[sflag:s10] =	ssyncset.done $0x0  }
0xa8: {  	s0 =	rddreg [dreg:$0x5];
	[sflag:s10] =	ssyncadd.s32 $0xFFFFE000  }
0xa9: {  	[hbm4b:s0+s3] =	stream.linear.scatter [tilespmem:s7], [sflag:$0x3], $0x2000, $0x38;
	[tilespmem:$0x4800] =	vst v63  }
0xaa: {  	_ =	swait.ge [sflag:s4], $0x2000  }
0xab: {  	[sflag:s4] =	ssyncset.done $0x0  }
0xac: {  	[sflag:s4] =	ssyncadd.s32 $0xFFFFE000  }
0xad: {  	[tilespmem:s7], [sflag:$0x2] =	stream.indirect.gather [hbm4b:s2+s5], $0x40, s11, s5, $0xb8;
	[tilespmem:$0x4800] =	vst v63  }
0xae: {  	_ =	swait.ge [sflag:s8], $0x2000  }
0xaf: {  	[sflag:s8] =	ssyncset.done $0x0  }
0xb0: {  	s0 =	rddreg [dreg:$0x6];
	[sflag:s8] =	ssyncadd.s32 $0xFFFFE000  }
0xb1: {  	[hbm4b:s0+s3] =	stream.linear.scatter [tilespmem:s6], [sflag:$0x3], $0x2000, $0x38;
	[tilespmem:$0x4800] =	vst v63  }
0xb2: {  	_ =	swait.ge [sflag:s4], $0x2000  }
0xb3: {  	[sflag:s4] =	ssyncset.done $0x0  }
0xb4: {  	[sflag:s4] =	ssyncadd.s32 $0xFFFFE000  }
0xb5: {  	[tilespmem:s6], [sflag:$0x1] =	stream.indirect.gather [hbm4b:s2+s5], $0x40, s12, s5, $0xb8;
	[tilespmem:$0x4800] =	vst v63  }
0xb6: {  	_ =	swait.ge [sflag:s10], $0x2000  }
0xb7: {  	[sflag:s10] =	ssyncset.done $0x0  }
0xb8: {  	s0 =	rddreg [dreg:$0x7];
	[sflag:s10] =	ssyncadd.s32 $0xFFFFE000  }
0xb9: {  	[hbm4b:s0+s3] =	stream.linear.scatter [tilespmem:s7], [sflag:$0x3], $0x2000, $0x38;
	[tilespmem:$0x4800] =	vst v63  }
0xba: {  	_ =	swait.ge [sflag:s4], $0x2000  }
0xbb: {  	[sflag:s4] =	ssyncset.done $0x0  }
0xbc: {  	[sflag:s4] =	ssyncadd.s32 $0xFFFFE000  }
0xbd: {  	[tilespmem:s7], [sflag:$0x2] =	stream.indirect.gather [hbm4b:s2+s5], $0x40, s13, s5, $0xb8;
	[tilespmem:$0x4800] =	vst v63  }
0xbe: {  	_ =	swait.ge [sflag:s8], $0x2000  }
0xbf: {  	[sflag:s8] =	ssyncset.done $0x0  }
0xc0: {  	s0 =	rddreg [dreg:$0x8];
	[sflag:s8] =	ssyncadd.s32 $0xFFFFE000  }
0xc1: {  	[hbm4b:s0+s3] =	stream.linear.scatter [tilespmem:s6], [sflag:$0x3], $0x2000, $0x38;
	[tilespmem:$0x4800] =	vst v63  }
0xc2: {  	_ =	swait.ge [sflag:s4], $0x2000  }
0xc3: {  	[sflag:s4] =	ssyncset.done $0x0  }
0xc4: {  	[sflag:s4] =	ssyncadd.s32 $0xFFFFE000  }
0xc5: {  	[tilespmem:s6], [sflag:$0x1] =	stream.indirect.gather [hbm4b:s2+s5], $0x40, s14, s5, $0xb8;
	[tilespmem:$0x4800] =	vst v63  }
0xc6: {  	_ =	swait.ge [sflag:s10], $0x2000  }
0xc7: {  	[sflag:s10] =	ssyncset.done $0x0  }
0xc8: {  	s0 =	rddreg [dreg:$0x9];
	[sflag:s10] =	ssyncadd.s32 $0xFFFFE000  }
0xc9: {  	[hbm4b:s0+s3] =	stream.linear.scatter [tilespmem:s7], [sflag:$0x3], $0x2000, $0x38;
	[tilespmem:$0x4800] =	vst v63  }
0xca: {  	_ =	swait.ge [sflag:s4], $0x2000  }
0xcb: {  	[sflag:s4] =	ssyncset.done $0x0  }
0xcc: {  	[sflag:s4] =	ssyncadd.s32 $0xFFFFE000  }
0xcd: {  	[tilespmem:s7], [sflag:$0x2] =	stream.indirect.gather [hbm4b:s2+s5], $0x40, s15, s5, $0xb8;
	[tilespmem:$0x4800] =	vst v63  }
0xce: {  	_ =	swait.ge [sflag:s8], $0x2000  }
0xcf: {  	[sflag:s8] =	ssyncset.done $0x0  }
0xd0: {  	s0 =	rddreg [dreg:$0xa];
	[sflag:s8] =	ssyncadd.s32 $0xFFFFE000  }
0xd1: {  	[hbm4b:s0+s3] =	stream.linear.scatter [tilespmem:s6], [sflag:$0x3], $0x2000, $0x38;
	[tilespmem:$0x4800] =	vst v63  }
0xd2: {  	_ =	swait.ge [sflag:s4], $0x2000  }
0xd3: {  	[sflag:s4] =	ssyncset.done $0x0  }
0xd4: {  	[sflag:s4] =	ssyncadd.s32 $0xFFFFE000  }
0xd5: {  	[tilespmem:s6], [sflag:$0x1] =	stream.indirect.gather [hbm4b:s2+s5], $0x40, s16, s5, $0xb8;
	[tilespmem:$0x4800] =	vst v63  }
0xd6: {  	_ =	swait.ge [sflag:s10], $0x2000  }
0xd7: {  	[sflag:s10] =	ssyncset.done $0x0  }
0xd8: {  	s0 =	rddreg [dreg:$0xb];
	[sflag:s10] =	ssyncadd.s32 $0xFFFFE000  }
0xd9: {  	[hbm4b:s0+s3] =	stream.linear.scatter [tilespmem:s7], [sflag:$0x3], $0x2000, $0x38;
	[tilespmem:$0x4800] =	vst v63  }
0xda: {  	_ =	swait.ge [sflag:s4], $0x2000  }
0xdb: {  	[sflag:s4] =	ssyncset.done $0x0  }
0xdc: {  	[sflag:s4] =	ssyncadd.s32 $0xFFFFE000  }
0xdd: {  	[tilespmem:s7], [sflag:$0x2] =	stream.indirect.gather [hbm4b:s2+s5], $0x40, s17, s5, $0xb8;
	[tilespmem:$0x4800] =	vst v63  }
0xde: {  	_ =	swait.ge [sflag:s8], $0x2000  }
0xdf: {  	[sflag:s8] =	ssyncset.done $0x0  }
0xe0: {  	s0 =	rddreg [dreg:$0xc];
	[sflag:s8] =	ssyncadd.s32 $0xFFFFE000  }
0xe1: {  	[hbm4b:s0+s3] =	stream.linear.scatter [tilespmem:s6], [sflag:$0x3], $0x2000, $0x38;
	[tilespmem:$0x4800] =	vst v63  }
0xe2: {  	_ =	swait.ge [sflag:s4], $0x2000  }
0xe3: {  	[sflag:s4] =	ssyncset.done $0x0  }
0xe4: {  	[sflag:s4] =	ssyncadd.s32 $0xFFFFE000  }
0xe5: {  	[tilespmem:s6], [sflag:$0x1] =	stream.indirect.gather [hbm4b:s2+s5], $0x40, s18, s5, $0xb8;
	[tilespmem:$0x4800] =	vst v63  }
0xe6: {  	_ =	swait.ge [sflag:s10], $0x2000  }
0xe7: {  	[sflag:s10] =	ssyncset.done $0x0  }
0xe8: {  	[sflag:s10] =	ssyncadd.s32 $0xFFFFE000  }
0xe9: {  	[hbm4b:s19+s3] =	stream.linear.scatter [tilespmem:s7], [sflag:$0x3], $0x2000, $0x38;
	[tilespmem:$0x4800] =	vst v63  }
0xea: {  	_ =	swait.ge [sflag:s4], $0x2000  }
0xeb: {  	[sflag:s4] =	ssyncset.done $0x0  }
0xec: {  	[sflag:s4] =	ssyncadd.s32 $0xFFFFE000  }
0xed: {  	[tilespmem:s7], [sflag:$0x2] =	stream.indirect.gather [hbm4b:s2+s5], $0x40, s20, s5, $0xb8;
	[tilespmem:$0x4800] =	vst v63  }
0xee: {  	_ =	swait.ge [sflag:s8], $0x2000  }
0xef: {  	[sflag:s8] =	ssyncset.done $0x0  }
0xf0: {  	[sflag:s8] =	ssyncadd.s32 $0xFFFFE000  }
0xf1: {  	[hbm4b:s21+s3] =	stream.linear.scatter [tilespmem:s6], [sflag:$0x3], $0x2000, $0x38;
	[tilespmem:$0x4800] =	vst v63  }
0xf2: {  	_ =	swait.ge [sflag:s4], $0x2000  }
0xf3: {  	[sflag:s4] =	ssyncset.done $0x0  }
0xf4: {  	[sflag:s4] =	ssyncadd.s32 $0xFFFFE000  }
0xf5: {  	[tilespmem:s6], [sflag:$0x1] =	stream.indirect.gather [hbm4b:s2+s5], $0x40, s22, s5, $0xb8;
	[tilespmem:$0x4800] =	vst v63  }
0xf6: {  	_ =	swait.ge [sflag:s10], $0x2000  }
0xf7: {  	[sflag:s10] =	ssyncset.done $0x0  }
0xf8: {  	[sflag:s10] =	ssyncadd.s32 $0xFFFFE000  }
0xf9: {  	[hbm4b:s23+s3] =	stream.linear.scatter [tilespmem:s7], [sflag:$0x3], $0x2000, $0x38;
	[tilespmem:$0x4800] =	vst v63  }
0xfa: {  	_ =	swait.ge [sflag:s4], $0x2000  }
0xfb: {  	[sflag:s4] =	ssyncset.done $0x0  }
0xfc: {  	[sflag:s4] =	ssyncadd.s32 $0xFFFFE000  }
0xfd: {  	[tilespmem:s7], [sflag:$0x2] =	stream.indirect.gather [hbm4b:s2+s5], $0x40, s24, s5, $0xb8;
	[tilespmem:$0x4800] =	vst v63  }
0xfe: {  	_ =	swait.ge [sflag:s8], $0x2000  }
0xff: {  	[sflag:s8] =	ssyncset.done $0x0  }
0x100: {  	[sflag:s8] =	ssyncadd.s32 $0xFFFFE000  }
0x101: {  	[hbm4b:s25+s3] =	stream.linear.scatter [tilespmem:s6], [sflag:$0x3], $0x2000, $0x38;
	[tilespmem:$0x4800] =	vst v63  }
0x102: {  	_ =	swait.ge [sflag:s4], $0x2000  }
0x103: {  	[sflag:s4] =	ssyncset.done $0x0  }
0x104: {  	[sflag:s4] =	ssyncadd.s32 $0xFFFFE000  }
0x105: {  	[tilespmem:s6], [sflag:$0x1] =	stream.indirect.gather [hbm4b:s2+s5], $0x40, s26, s5, $0xb8;
	[tilespmem:$0x4800] =	vst v63  }
0x106: {  	_ =	swait.ge [sflag:s10], $0x2000  }
0x107: {  	[sflag:s10] =	ssyncset.done $0x0  }
0x108: {  	[sflag:s10] =	ssyncadd.s32 $0xFFFFE000  }
0x109: {  	[hbm4b:s28+s3] =	stream.linear.scatter [tilespmem:s7], [sflag:$0x3], $0x2000, $0x38;
	[tilespmem:$0x4800] =	vst v63  }
0x10a: {  	_ =	swait.ge [sflag:s4], $0x2000  }
0x10b: {  	[sflag:s4] =	ssyncset.done $0x0  }
0x10c: {  	[sflag:s4] =	ssyncadd.s32 $0xFFFFE000  }
0x10d: {  	[tilespmem:s7], [sflag:$0x2] =	stream.indirect.gather [hbm4b:s2+s5], $0x40, s29, s5, $0xb8;
	[tilespmem:$0x4800] =	vst v63  }
0x10e: {  	_ =	swait.ge [sflag:s8], $0x2000  }
0x10f: {  	[sflag:s8] =	ssyncset.done $0x0  }
0x110: {  	[sflag:s8] =	ssyncadd.s32 $0xFFFFE000  }
0x111: {  	[hbm4b:s30+s3] =	stream.linear.scatter [tilespmem:s6], [sflag:$0x3], $0x2000, $0x38;
	[tilespmem:$0x4800] =	vst v63  }
0x112: {  	_ =	swait.ge [sflag:s4], $0x2000  }
0x113: {  	[sflag:s4] =	ssyncset.done $0x0  }
0x114: {  	p0 =	sne.s32 s1, $0x1;
	[sflag:s4] =	ssyncadd.s32 $0xFFFFE000  }
.Ltmp1:
0x115: {  	_ =	swait.ge [sflag:s10], $0x2000;
	(pc) =	sbr.rel @p0 .LBB2_1-.Ltmp1, $4  }
0x116: {  	[sflag:s10] =	ssyncset.done $0x0  }
0x117: {  	[sflag:s10] =	ssyncadd.s32 $0xFFFFE000  }
0x118: {  	[hbm4b:s31+s3] =	stream.linear.scatter [tilespmem:s7], [sflag:$0x3], $0x2000, $0x38;
	[tilespmem:$0x4800] =	vst v63  }
0x119: {  	s1 =	sadd.s32 $0xFFFFFFFF, s1;
	_ =	swait.ge [sflag:s4], $0x2000  }
.LBB2_2:
0x11a: {  	[sflag:s4] =	ssyncset.done $0x0  }
0x11b: {  	[sflag:s4] =	ssyncadd.s32 $0xFFFFE000  }
0x11c: {  	_ =	sfence.sel $0x180000  }
0x11d: {  	[bflag:$0x0] =	sbarrier.arrive $0xFFFF  }
0x11e: {  	_ =	strace $0x9000004D  }
0x11f: {  	s0 =	stileid.u32;
	[bflag:$0x2] =	sbarrier.arrive $0xFFFF  }
0x120: {  	p0 =	sne.s32 s0, $0x0;
	s0 =	rddreg [dreg:$0x2]  }
0x121: {  	s0 =	sadd.s32 @!p0 $0x100000, s0  }
0x122: {  	[sflag:s0] =	ssyncadd.tile.s32 @!p0 $0x1;
	_ =	shalt  }
.Lfunc_end2:
_tile_overlayer_lowered:
.L_overlay_start_2:
0x123: {  	(tag) =	ssettag $0x2  }
0x124: {  	s0 =	rddreg [dreg:$0x0];
	s2 =	stileid.u32  }
0x125: {  	s1 =	rddreg [dreg:$0x1];
	p0 =	sne.s32 s2, $0x0  }
0x126: {  	s3 =	rddreg [dreg:$0x2];
	[bflag:$0x3] =	sbarrier.arrive $0xFFFF;
	s2 =	simm.s32 @!p0 $0x1C03  }
0x127: {  	[timem:s3], [sflag:s2] =	dma.local @!p0 [hbm:s0], s1  }
0x128: {  	s0 =	simm.s32 @!p0 $0x3  }
0x129: {  	_ =	swait.ge @!p0 [sflag:s0], s1  }
0x12a: {  	s1 =	ssub.s32 @!p0 $0x0, s1;
	[sflag:s0] =	ssyncset.done @!p0 $0x0  }
0x12b: {  	[sflag:s0] =	ssyncadd.s32 @!p0 s1  }
0x12c: {  	[bflag:$0x3] =	sbarrier.arrive $0xFFFF  }
0x12d: {  	_ =	shalt  }

// kernel: kernel.21.cloned.1.call-start
scs
__scs_entry_jumppad:
0x0: {  	(pc) =	sbr.rel $0x88, $3  }
0x1: {  	(tag) =	ssettag $0x0;
	lr =	simm.s32 $0x1  }
0x2: {  	[smem:$0x3F90] =	sst lr;
	_ =	strace $0xD0000000  }
0x3: {  	_ = 	snop  }
0x4: {  	_ = 	snop  }
0x5: {  	_ = 	snop  }
0x6: {  	_ = 	snop  }
0x7: {  	_ = 	snop  }
__scs_overlays_trampoline_lowered:
0x8: {  	[smem:$0x3F9F] =	sst s0  }
0x9: {  	[smem:$0x3FA0] =	sst s1  }
0xa: {  	[smem:$0x3FA1] =	sst s2  }
0xb: {  	[smem:$0x3FA2] =	sst s3  }
0xc: {  	[smem:$0x3FA3] =	sst s4  }
0xd: {  	[smem:$0x3FA4] =	sst s5  }
0xe: {  	[smem:$0x3FA5] =	sst s6  }
0xf: {  	[smem:$0x3FA6] =	sst s7  }
0x10: {  	[smem:$0x3FA7] =	sst s8  }
0x11: {  	[smem:$0x3FA8] =	sst s9;
	s0 =	simm.s32 @!p0 $0x0  }
0x12: {  	s1 =	sld [smem:$0x3F8E];
	s0 =	simm.s32 @p0 $0x1  }
0x13: {  	[smem:$0x3FA9] =	sst s0;
	s0 =	simm.s32 @!p1 $0x0  }
0x14: {  	s2 =	sld [smem:$0x3F8D];
	s0 =	simm.s32 @p1 $0x1  }
0x15: {  	[smem:$0x3FAA] =	sst s0;
	s0 =	simm.s32 @!p2 $0x0  }
0x16: {  	s3 =	sld [smem:$0x3FDB];
	s0 =	simm.s32 @p2 $0x1  }
0x17: {  	s4 =	simm.s32 $0x1BF5;
	[smem:$0x3FAC] =	sst s0  }
0x18: {  	s0 =	sld [smem:$0x3F8F];
	_ =	swait.ge [sflag:s4], $0x0  }
0x19: {  	s7 =	sld [smem:$0x3F90]  }
0x1a: {  	s8 =	sadd.s32 $0xFFFFE003, lr  }
0x1b: {  	s9 =	sadd.s32 $0xFFFFFEF7, lr;
	s5 =	simm.s32 $0xFFFFFFFF;
	p2 =	slt.u32 s8, $0xFFFFF086  }
0x1c: {  	p1 =	slt.u32 s9, $0xF7A;
	s5 =	simm.s32 @!p2 $0x0  }
0x1d: {  	s5 =	simm.s32 @p1 $0x1;
	p0 =	seq.s32 s7, s2  }
0x1e: {  	s7 =	smul.u32 @!p0 $0xF7A, s2;
	p2 =	seq.s32 @!p0 s5, $0x0  }
0x1f: {  	s9 =	smul.u32 $0xF7A, s1;
	s8 =	simm.s32 @!p0 $0x1BF5;
	p2 =	por !p2, p0  }
0x20: {  	[sflag:s8] =	ssyncset.s32 @!p0 $0xFFFFF086;
	s6 =	sadd.s32 @!p0 s3, s7;
	s7 =	simm.s32 @!p0 $0x108  }
0x21: {  	s3 =	sadd.s32 s3, s9;
	s6 =	sadd.s32 @!p0 $0x88, s6;
	s7 =	simm.s32 @p2 $0x1082  }
0x22: {  	[simem:s7], [sflag:s8] =	dma.local @!p0 [hbm:s6], $0xF7A  }
0x23: {  	s9 =	sor.u32 $0xD0000000, s2;
	s6 =	simm.s32 $0x108;
	_ =	swait.ge @!p0 [sflag:s8], $0x0  }
0x24: {  	s3 =	sadd.s32 $0x88, s3;
	s6 =	simm.s32 @!p1 $0x1082;
	[sflag:s4] =	ssyncset.s32 $0xFFFFF086  }
0x25: {  	[simem:s6], [sflag:s4] =	dma.local [hbm:s3], $0xF7A  }
0x26: {  	[smem:$0x3F90] =	sst s1;
	(tag) =	ssettag s2;
	_ =	strace s9  }
0x27: {  	s1 =	sld [smem:$0x3FA0]  }
0x28: {  	s2 =	sld [smem:$0x3FA1]  }
0x29: {  	s4 =	sld [smem:$0x3FA3]  }
0x2a: {  	p0 =	seq.s32 s5, $0x0;
	s5 =	sld [smem:$0x3FA4]  }
0x2b: {  	s6 =	sld [smem:$0x3FA5]  }
0x2c: {  	s7 =	sld [smem:$0x3FA6]  }
0x2d: {  	s3 =	simm.s32 $0x108;
	s8 =	sld [smem:$0x3FA7]  }
0x2e: {  	s3 =	simm.s32 @!p0 $0x1082;
	s9 =	sld [smem:$0x3FA8]  }
0x2f: {  	lr =	sadd.s32 s0, s3;
	s0 =	sld [smem:$0x3F9F]  }
0x30: {  	s3 =	sld [smem:$0x3FA2]  }
0x31: {  	[smem:$0x3FAB] =	sst s10  }
0x32: {  	s10 =	sld [smem:$0x3FA9];
	_ =	sdelay $0x3  }
0x33: {  	p0 =	seq.s32 s10, $0x1;
	s10 =	sld [smem:$0x3FAB];
	_ =	sdelay $0x3  }
0x34: {  	[smem:$0x3FAB] =	sst s10  }
0x35: {  	s10 =	sld [smem:$0x3FAA];
	_ =	sdelay $0x3  }
0x36: {  	p1 =	seq.s32 s10, $0x1;
	s10 =	sld [smem:$0x3FAB];
	_ =	sdelay $0x3  }
0x37: {  	[smem:$0x3FAB] =	sst s10  }
0x38: {  	s10 =	sld [smem:$0x3FAC]  }
0x39: {  	_ = 	snop;
	(pc) =	sbr.ind lr, $3  }
0x3a: {  	_ = 	snop  }
0x3b: {  	_ = 	snop  }
0x3c: {  	p2 =	seq.s32 s10, $0x1;
	s10 =	sld [smem:$0x3FAB]  }
0x3d: {  	_ =	shalt  }
0x3e: {  	_ =	shalt  }
0x3f: {  	_ =	shalt  }
0x40: {  	_ =	shalt  }
0x41: {  	_ =	shalt  }
0x42: {  	_ =	shalt  }
0x43: {  	_ =	shalt  }
0x44: {  	_ =	shalt  }
0x45: {  	_ =	shalt  }
0x46: {  	_ =	shalt  }
0x47: {  	_ =	shalt  }
0x48: {  	_ =	shalt  }
0x49: {  	_ =	shalt  }
0x4a: {  	_ =	shalt  }
0x4b: {  	_ =	shalt  }
0x4c: {  	_ =	shalt  }
0x4d: {  	_ =	shalt  }
0x4e: {  	_ =	shalt  }
0x4f: {  	_ =	shalt  }
0x50: {  	_ =	shalt  }
0x51: {  	_ =	shalt  }
0x52: {  	_ =	shalt  }
0x53: {  	_ =	shalt  }
0x54: {  	_ =	shalt  }
0x55: {  	_ =	shalt  }
0x56: {  	_ =	shalt  }
0x57: {  	_ =	shalt  }
0x58: {  	_ =	shalt  }
0x59: {  	_ =	shalt  }
0x5a: {  	_ =	shalt  }
0x5b: {  	_ =	shalt  }
0x5c: {  	_ =	shalt  }
0x5d: {  	_ =	shalt  }
0x5e: {  	_ =	shalt  }
0x5f: {  	_ =	shalt  }
0x60: {  	_ =	shalt  }
0x61: {  	_ =	shalt  }
0x62: {  	_ =	shalt  }
0x63: {  	_ =	shalt  }
0x64: {  	_ =	shalt  }
0x65: {  	_ =	shalt  }
0x66: {  	_ =	shalt  }
0x67: {  	_ =	shalt  }
0x68: {  	_ =	shalt  }
0x69: {  	_ =	shalt  }
0x6a: {  	_ =	shalt  }
0x6b: {  	_ =	shalt  }
0x6c: {  	_ =	shalt  }
0x6d: {  	_ =	shalt  }
0x6e: {  	_ =	shalt  }
0x6f: {  	_ =	shalt  }
0x70: {  	_ =	shalt  }
0x71: {  	_ =	shalt  }
0x72: {  	_ =	shalt  }
0x73: {  	_ =	shalt  }
0x74: {  	_ =	shalt  }
0x75: {  	_ =	shalt  }
0x76: {  	_ =	shalt  }
0x77: {  	_ =	shalt  }
0x78: {  	_ =	shalt  }
0x79: {  	_ =	shalt  }
0x7a: {  	_ =	shalt  }
0x7b: {  	_ =	shalt  }
0x7c: {  	_ =	shalt  }
0x7d: {  	_ =	shalt  }
0x7e: {  	_ =	shalt  }
0x7f: {  	_ =	shalt  }
0x80: {  	_ =	shalt  }
0x81: {  	_ =	shalt  }
0x82: {  	_ =	shalt  }
0x83: {  	_ =	shalt  }
0x84: {  	_ =	shalt  }
0x85: {  	_ =	shalt  }
0x86: {  	_ =	shalt  }
0x87: {  	_ =	shalt  }
.Lfunc_end0:
.L_simem_size_0:
called_computation.3_lowered:
.L_overlay_start_0:
0x88: {  	s2 =	sld [smem:$0x3FD9]  }
0x89: {  	s3 =	sld [smem:$0x3FFE];
	_ =	sdelay $0x1  }
0x8a: {  	s1 =	srdreg.scid  }
0x8b: {  	s0 =	sand.u32 $0x1, s1  }
0x8c: {  	s14 =	sshll.u32 s0, $0xA;
	s2 =	sadd.s32 s3, s2  }
0x8d: {  	s2 =	sadd.s32 s2, s14  }
0x8e: {  	[smem:$0x3FB7] =	sst s2  }
0x8f: {  	_ = 	snop  }
0x90: {  	s2 =	sld [smem:$0x3FD0];
	_ =	sdelay $0x2  }
0x91: {  	s15 =	simm.s32 $0xA;
	s4 =	simm.s32 $0x10  }
0x92: {  	[smem:s4], [sflag:s15] =	dma.local [hbm:s2], $0x1  }
0x93: {  	_ =	swait.eq [sflag:s15], $0x1  }
0x94: {  	[sflag:s15] =	ssyncset.done $0x0  }
0x95: {  	[sflag:s15] =	ssyncadd.s32 $0xFFFFFFFF  }
0x96: {  	s16 =	sld [smem:$0x11];
	(tm) =	ssettm $0x1  }
0x97: {  	s17 =	sld [smem:$0x3FFB];
	_ =	sdelay $0x3  }
0x98: {  	_ =	strace s17  }
0x99: {  	s3 =	sld [smem:$0x3FFC];
	_ =	sdelay $0x3  }
0x9a: {  	_ =	strace s3  }
0x9b: {  	s3 =	sld [smem:$0x3FFD];
	_ =	sdelay $0x3  }
0x9c: {  	_ =	strace s3  }
0x9d: {  	_ =	strace $0x8FFFFFFF  }
0x9e: {  	s18 =	sld [smem:$0x3FDB];
	_ =	sdelay $0x1  }
0x9f: {  	s19 =	simm.s32 $_scs_section_size  }
0xa0: {  	s5 =	simm.s32 $_size__tile_overlayer_lowered;
	s6 =	simm.s32 $_tile_overlayer_lowered  }
0xa1: {  	s22 =	simm.s32 $0x1BFF;
	s21 =	sshll.u32 s6, $0x1;
	s3 =	sadd.s32 s19, s18  }
0xa2: {  	s7 =	simm.s32 $0x0;
	s20 =	sshll.u32 s5, $0x1;
	s5 =	sadd.s32 s21, s3  }
0xa3: {  	[timem:s7], [sflag:s22] =	dma.local [hbm:s5], s20  }
0xa4: {  	_ =	swait.ge [sflag:s22], s20  }
0xa5: {  	s4 =	ssub.s32 $0x0, s20;
	[sflag:s22] =	ssyncset.done $0x0  }
0xa6: {  	[sflag:s22] =	ssyncadd.s32 s4;
	_ =	sdelay $0x1  }
0xa7: {  	s23 =	simm.s32 $0x1B8B  }
0xa8: {  	_ =	swait.ge [sflag:s23], $0x1  }
0xa9: {  	[sflag:s23] =	ssyncset.done $0x0  }
0xaa: {  	s25 =	simm.s32 $0x1B8E;
	s24 =	sld [smem:$0x3FFE];
	[sflag:s23] =	ssyncadd.s32 $0xFFFFFFFF  }
0xab: {  	s26 =	simm.s32 $execute0_lowered;
	[smem:$0x3FD2] =	sst s25  }
0xac: {  	s5 =	sshll.u32 s26, $0x1;
	_ =	strace $0x8000004F;
	[dreg:$0x1] =	wrdreg $0xFFFFFFFF  }
0xad: {  	s28 =	simm.s32 $_size_execute0_lowered;
	s3 =	sadd.s32 s3, s5;
	[dreg:$0x0] =	wrdreg $0x0  }
0xae: {  	s5 =	sshll.u32 s28, $0x1;
	[dreg:$0x2] =	wrdreg s3  }
0xaf: {  	[dreg:$0x3] =	wrdreg s5  }
0xb0: {  	[dreg:$0x4] =	wrdreg $0xC0  }
0xb1: {  	_ =	task [dreg:s7], $0x5FFFF  }
0xb2: {  	[dreg:$0x1] =	wrdreg $0xFFFFFFFF  }
0xb3: {  	[dreg:$0x0] =	wrdreg $0x60  }
0xb4: {  	[dreg:$0x2] =	wrdreg s16  }
0xb5: {  	[dreg:$0x3] =	wrdreg s24  }
0xb6: {  	[dreg:$0x4] =	wrdreg $0x9  }
0xb7: {  	_ =	task.clear_ibuf [dreg:s7], $0x5FFFF;
	_ =	strace $0x9000004F  }
0xb8: {  	s29 =	simm.s32 $0x9;
	_ =	strace $0x80000051  }
0xb9: {  	_ =	swait.ge [sflag:s29], $0x1  }
0xba: {  	[sflag:s29] =	ssyncadd.s32 $0xFFFFFFFF  }
0xbb: {  	_ =	strace $0x90000051  }
0xbc: {  	_ =	sfence  }
0xbd: {  	s30 =	sld [smem:$0x0];
	_ =	sdelay $0x2  }
0xbe: {  	s31 =	sshll.u32 s1, $0xD;
	s1 =	sshrl.u32 s1, $0x2  }
0xbf: {  	s3 =	sand.u32 $0x4000, s31;
	s1 =	sadd.s32 s1, s30  }
0xc0: {  	s0 =	sor.u32 s3, s0;
	s1 =	sshll.u32 s1, $0x11  }
0xc1: {  	s0 =	sor.u32 s1, s0  }
0xc2: {  	s0 =	sadd.s32 $0x8F2B, s0  }
0xc3: {  	[sflag:s0] =	ssyncadd.remote.s32 $0x1  }
0xc4: {  	_ =	sfence.sel $0xFFFF  }
0xc5: {  	[dreg:$0x0] =	wrdreg $0xFFFFFFFF;
	(pc) =	sbr.abs _section_cstart, $3  }
0xc6: {  	[dreg:$0x1] =	wrdreg $0xFFFFFFFF  }
0xc7: {  	_ =	task.clear_ibuf [dreg:s7], $0x2FFFF;
	_ =	strace $0x9FFFFFFF  }
0xc8: {  	(tm) =	ssettm $0x7FFFFFFF  }
0xc9: {  	_ =	shalt  }
tec
execute0_lowered:
.L_overlay_start_1:
0x0: {  	(tag) =	ssettag $0x1  }
0x1: {  	s1 =	srdreg.scid;
	s0 =	stileid.u32  }
0x2: {  	s1 =	sand.u32 $0x1, s1;
	s3 =	sshll.u32 s0, $0x1  }
0x3: {  	s2 =	rddreg [dreg:$0x0];
	s5 =	sor.u32 s1, s3  }
0x4: {  	s4 =	rddreg [dreg:$0x1];
	s6 =	sshll.u32 s5, $0x8  }
0x5: {  	s3 =	simm.s32 $0x0;
	s5 =	sshll.u32 s5, $0xF;
	s6 =	sadd.s32 s6, s4  }
0x6: {  	[smem:$0x7FF] =	sst s3;
	s31 =	sadd.s32 s5, s4;
	s16 =	sadd.s32 $0x4800, s6  }
0x7: {  	_ =	strace $0x80000050;
	s17 =	sadd.s32 $0x6800, s31;
	[dreg:$0x3] =	wrdreg s16  }
0x8: {  	s18 =	sadd.s32 $0x7000, s31;
	[dreg:$0x4] =	wrdreg s17  }
0x9: {  	s19 =	sadd.s32 $0x7800, s31;
	[dreg:$0x5] =	wrdreg s18  }
0xa: {  	s20 =	sadd.s32 $0x8000, s31;
	[dreg:$0x6] =	wrdreg s19  }
0xb: {  	s21 =	sadd.s32 $0x8800, s31;
	[dreg:$0x7] =	wrdreg s20  }
0xc: {  	s22 =	sadd.s32 $0x9000, s31;
	[dreg:$0x8] =	wrdreg s21  }
0xd: {  	s23 =	sadd.s32 $0x9800, s31;
	[dreg:$0x9] =	wrdreg s22  }
0xe: {  	s24 =	sadd.s32 $0xA000, s31;
	[dreg:$0xa] =	wrdreg s23  }
0xf: {  	s26 =	sadd.s32 $0xA800, s31;
	[dreg:$0xb] =	wrdreg s24  }
0x10: {  	[dreg:$0xc] =	wrdreg s26  }
0x11: {  	s4 =	simm.s32 $0x3;
	s25 =	rddreg [dreg:$0x3]  }
0x12: {  	[tilespmem:s3], [sflag:$0x3] =	stream.linear.gather [hbm4b:s25+s3], $0x800, $0x38;
	[tilespmem:$0x8800] =	vst v63  }
0x13: {  	_ =	swait.ge [sflag:s4], $0x800  }
0x14: {  	[sflag:s4] =	ssyncset.done $0x0  }
0x15: {  	s5 =	simm.s32 $0x80;
	s6 =	simm.s32 $0x800;
	[sflag:s4] =	ssyncadd.s32 $0xFFFFF800  }
0x16: {  	[tilespmem:s6], [sflag:$0x1] =	stream.indirect.gather [hbm4b:s2+s5], $0x80, s3, s5, $0xb8;
	[tilespmem:$0x8800] =	vst v63  }
0x17: {  	s7 =	simm.s32 $0x4800;
	s8 =	simm.s32 $0x1  }
0x18: {  	[tilespmem:s7], [sflag:$0x2] =	stream.indirect.gather [hbm4b:s2+s5], $0x80, s5, s5, $0xb8;
	[tilespmem:$0x8800] =	vst v63  }
0x19: {  	_ =	swait.ge [sflag:s8], $0x4000  }
0x1a: {  	[sflag:s8] =	ssyncset.done $0x0  }
0x1b: {  	s9 =	rddreg [dreg:$0x4];
	[sflag:s8] =	ssyncadd.s32 $0xFFFFC000  }
0x1c: {  	[hbm4b:s9+s3] =	stream.linear.scatter [tilespmem:s6], [sflag:$0x3], $0x4000, $0x38;
	[tilespmem:$0x8800] =	vst v63  }
0x1d: {  	_ =	swait.ge [sflag:s4], $0x4000  }
0x1e: {  	[sflag:s4] =	ssyncset.done $0x0  }
0x1f: {  	s10 =	simm.s32 $0x2;
	s9 =	simm.s32 $0x100;
	[sflag:s4] =	ssyncadd.s32 $0xFFFFC000  }
0x20: {  	[tilespmem:s6], [sflag:$0x1] =	stream.indirect.gather [hbm4b:s2+s5], $0x80, s9, s5, $0xb8;
	[tilespmem:$0x8800] =	vst v63  }
0x21: {  	_ =	swait.ge [sflag:s10], $0x4000  }
0x22: {  	[sflag:s10] =	ssyncset.done $0x0  }
0x23: {  	s11 =	rddreg [dreg:$0x5];
	[sflag:s10] =	ssyncadd.s32 $0xFFFFC000  }
0x24: {  	[hbm4b:s11+s3] =	stream.linear.scatter [tilespmem:s7], [sflag:$0x3], $0x4000, $0x38;
	[tilespmem:$0x8800] =	vst v63  }
0x25: {  	_ =	swait.ge [sflag:s4], $0x4000  }
0x26: {  	[sflag:s4] =	ssyncset.done $0x0  }
0x27: {  	s11 =	simm.s32 $0x180;
	[sflag:s4] =	ssyncadd.s32 $0xFFFFC000  }
0x28: {  	[tilespmem:s7], [sflag:$0x2] =	stream.indirect.gather [hbm4b:s2+s5], $0x80, s11, s5, $0xb8;
	[tilespmem:$0x8800] =	vst v63  }
0x29: {  	_ =	swait.ge [sflag:s8], $0x4000  }
0x2a: {  	[sflag:s8] =	ssyncset.done $0x0  }
0x2b: {  	s12 =	rddreg [dreg:$0x6];
	[sflag:s8] =	ssyncadd.s32 $0xFFFFC000  }
0x2c: {  	[hbm4b:s12+s3] =	stream.linear.scatter [tilespmem:s6], [sflag:$0x3], $0x4000, $0x38;
	[tilespmem:$0x8800] =	vst v63  }
0x2d: {  	_ =	swait.ge [sflag:s4], $0x4000  }
0x2e: {  	[sflag:s4] =	ssyncset.done $0x0  }
0x2f: {  	s12 =	simm.s32 $0x200;
	[sflag:s4] =	ssyncadd.s32 $0xFFFFC000  }
0x30: {  	[tilespmem:s6], [sflag:$0x1] =	stream.indirect.gather [hbm4b:s2+s5], $0x80, s12, s5, $0xb8;
	[tilespmem:$0x8800] =	vst v63  }
0x31: {  	_ =	swait.ge [sflag:s10], $0x4000  }
0x32: {  	[sflag:s10] =	ssyncset.done $0x0  }
0x33: {  	s13 =	rddreg [dreg:$0x7];
	[sflag:s10] =	ssyncadd.s32 $0xFFFFC000  }
0x34: {  	[hbm4b:s13+s3] =	stream.linear.scatter [tilespmem:s7], [sflag:$0x3], $0x4000, $0x38;
	[tilespmem:$0x8800] =	vst v63  }
0x35: {  	_ =	swait.ge [sflag:s4], $0x4000  }
0x36: {  	[sflag:s4] =	ssyncset.done $0x0  }
0x37: {  	s13 =	simm.s32 $0x280;
	[sflag:s4] =	ssyncadd.s32 $0xFFFFC000  }
0x38: {  	[tilespmem:s7], [sflag:$0x2] =	stream.indirect.gather [hbm4b:s2+s5], $0x80, s13, s5, $0xb8;
	[tilespmem:$0x8800] =	vst v63  }
0x39: {  	_ =	swait.ge [sflag:s8], $0x4000  }
0x3a: {  	[sflag:s8] =	ssyncset.done $0x0  }
0x3b: {  	s14 =	rddreg [dreg:$0x8];
	[sflag:s8] =	ssyncadd.s32 $0xFFFFC000  }
0x3c: {  	[hbm4b:s14+s3] =	stream.linear.scatter [tilespmem:s6], [sflag:$0x3], $0x4000, $0x38;
	[tilespmem:$0x8800] =	vst v63  }
0x3d: {  	_ =	swait.ge [sflag:s4], $0x4000  }
0x3e: {  	[sflag:s4] =	ssyncset.done $0x0  }
0x3f: {  	s14 =	simm.s32 $0x300;
	[sflag:s4] =	ssyncadd.s32 $0xFFFFC000  }
0x40: {  	[tilespmem:s6], [sflag:$0x1] =	stream.indirect.gather [hbm4b:s2+s5], $0x80, s14, s5, $0xb8;
	[tilespmem:$0x8800] =	vst v63  }
0x41: {  	_ =	swait.ge [sflag:s10], $0x4000  }
0x42: {  	[sflag:s10] =	ssyncset.done $0x0  }
0x43: {  	s15 =	rddreg [dreg:$0x9];
	[sflag:s10] =	ssyncadd.s32 $0xFFFFC000  }
0x44: {  	[hbm4b:s15+s3] =	stream.linear.scatter [tilespmem:s7], [sflag:$0x3], $0x4000, $0x38;
	[tilespmem:$0x8800] =	vst v63  }
0x45: {  	_ =	swait.ge [sflag:s4], $0x4000  }
0x46: {  	[sflag:s4] =	ssyncset.done $0x0  }
0x47: {  	s15 =	simm.s32 $0x380;
	[sflag:s4] =	ssyncadd.s32 $0xFFFFC000  }
0x48: {  	[tilespmem:s7], [sflag:$0x2] =	stream.indirect.gather [hbm4b:s2+s5], $0x80, s15, s5, $0xb8;
	[tilespmem:$0x8800] =	vst v63  }
0x49: {  	_ =	swait.ge [sflag:s8], $0x4000  }
0x4a: {  	[sflag:s8] =	ssyncset.done $0x0  }
0x4b: {  	s16 =	rddreg [dreg:$0xa];
	[sflag:s8] =	ssyncadd.s32 $0xFFFFC000  }
0x4c: {  	[hbm4b:s16+s3] =	stream.linear.scatter [tilespmem:s6], [sflag:$0x3], $0x4000, $0x38;
	[tilespmem:$0x8800] =	vst v63  }
0x4d: {  	_ =	swait.ge [sflag:s4], $0x4000  }
0x4e: {  	[sflag:s4] =	ssyncset.done $0x0  }
0x4f: {  	s16 =	simm.s32 $0x400;
	[sflag:s4] =	ssyncadd.s32 $0xFFFFC000  }
0x50: {  	[tilespmem:s6], [sflag:$0x1] =	stream.indirect.gather [hbm4b:s2+s5], $0x80, s16, s5, $0xb8;
	[tilespmem:$0x8800] =	vst v63  }
0x51: {  	_ =	swait.ge [sflag:s10], $0x4000  }
0x52: {  	[sflag:s10] =	ssyncset.done $0x0  }
0x53: {  	s17 =	rddreg [dreg:$0xb];
	[sflag:s10] =	ssyncadd.s32 $0xFFFFC000  }
0x54: {  	[hbm4b:s17+s3] =	stream.linear.scatter [tilespmem:s7], [sflag:$0x3], $0x4000, $0x38;
	[tilespmem:$0x8800] =	vst v63  }
0x55: {  	_ =	swait.ge [sflag:s4], $0x4000  }
0x56: {  	[sflag:s4] =	ssyncset.done $0x0  }
0x57: {  	s17 =	simm.s32 $0x480;
	[sflag:s4] =	ssyncadd.s32 $0xFFFFC000  }
0x58: {  	[tilespmem:s7], [sflag:$0x2] =	stream.indirect.gather [hbm4b:s2+s5], $0x80, s17, s5, $0xb8;
	[tilespmem:$0x8800] =	vst v63  }
0x59: {  	_ =	swait.ge [sflag:s8], $0x4000  }
0x5a: {  	[sflag:s8] =	ssyncset.done $0x0  }
0x5b: {  	s18 =	rddreg [dreg:$0xc];
	[sflag:s8] =	ssyncadd.s32 $0xFFFFC000  }
0x5c: {  	[hbm4b:s18+s3] =	stream.linear.scatter [tilespmem:s6], [sflag:$0x3], $0x4000, $0x38;
	[tilespmem:$0x8800] =	vst v63  }
0x5d: {  	_ =	swait.ge [sflag:s4], $0x4000  }
0x5e: {  	[sflag:s4] =	ssyncset.done $0x0  }
0x5f: {  	s18 =	simm.s32 $0x500;
	[sflag:s4] =	ssyncadd.s32 $0xFFFFC000  }
0x60: {  	[tilespmem:s6], [sflag:$0x1] =	stream.indirect.gather [hbm4b:s2+s5], $0x80, s18, s5, $0xb8;
	[tilespmem:$0x8800] =	vst v63  }
0x61: {  	_ =	swait.ge [sflag:s10], $0x4000  }
0x62: {  	[sflag:s10] =	ssyncset.done $0x0  }
0x63: {  	s19 =	sadd.s32 $0xB000, s31;
	[sflag:s10] =	ssyncadd.s32 $0xFFFFC000  }
0x64: {  	[hbm4b:s19+s3] =	stream.linear.scatter [tilespmem:s7], [sflag:$0x3], $0x4000, $0x38;
	[tilespmem:$0x8800] =	vst v63  }
0x65: {  	_ =	swait.ge [sflag:s4], $0x4000  }
0x66: {  	[sflag:s4] =	ssyncset.done $0x0  }
0x67: {  	s20 =	simm.s32 $0x580;
	[sflag:s4] =	ssyncadd.s32 $0xFFFFC000  }
0x68: {  	[tilespmem:s7], [sflag:$0x2] =	stream.indirect.gather [hbm4b:s2+s5], $0x80, s20, s5, $0xb8;
	[tilespmem:$0x8800] =	vst v63  }
0x69: {  	_ =	swait.ge [sflag:s8], $0x4000  }
0x6a: {  	[sflag:s8] =	ssyncset.done $0x0  }
0x6b: {  	s21 =	sadd.s32 $0xB800, s31;
	[sflag:s8] =	ssyncadd.s32 $0xFFFFC000  }
0x6c: {  	[hbm4b:s21+s3] =	stream.linear.scatter [tilespmem:s6], [sflag:$0x3], $0x4000, $0x38;
	[tilespmem:$0x8800] =	vst v63  }
0x6d: {  	_ =	swait.ge [sflag:s4], $0x4000  }
0x6e: {  	[sflag:s4] =	ssyncset.done $0x0  }
0x6f: {  	s22 =	simm.s32 $0x600;
	[sflag:s4] =	ssyncadd.s32 $0xFFFFC000  }
0x70: {  	[tilespmem:s6], [sflag:$0x1] =	stream.indirect.gather [hbm4b:s2+s5], $0x80, s22, s5, $0xb8;
	[tilespmem:$0x8800] =	vst v63  }
0x71: {  	_ =	swait.ge [sflag:s10], $0x4000  }
0x72: {  	[sflag:s10] =	ssyncset.done $0x0  }
0x73: {  	s23 =	sadd.s32 $0xC000, s31;
	[sflag:s10] =	ssyncadd.s32 $0xFFFFC000  }
0x74: {  	[hbm4b:s23+s3] =	stream.linear.scatter [tilespmem:s7], [sflag:$0x3], $0x4000, $0x38;
	[tilespmem:$0x8800] =	vst v63  }
0x75: {  	_ =	swait.ge [sflag:s4], $0x4000  }
0x76: {  	[sflag:s4] =	ssyncset.done $0x0  }
0x77: {  	s24 =	simm.s32 $0x680;
	[sflag:s4] =	ssyncadd.s32 $0xFFFFC000  }
0x78: {  	[tilespmem:s7], [sflag:$0x2] =	stream.indirect.gather [hbm4b:s2+s5], $0x80, s24, s5, $0xb8;
	[tilespmem:$0x8800] =	vst v63  }
0x79: {  	_ =	swait.ge [sflag:s8], $0x4000  }
0x7a: {  	[sflag:s8] =	ssyncset.done $0x0  }
0x7b: {  	s25 =	sadd.s32 $0xC800, s31;
	[sflag:s8] =	ssyncadd.s32 $0xFFFFC000  }
0x7c: {  	[hbm4b:s25+s3] =	stream.linear.scatter [tilespmem:s6], [sflag:$0x3], $0x4000, $0x38;
	[tilespmem:$0x8800] =	vst v63  }
0x7d: {  	_ =	swait.ge [sflag:s4], $0x4000  }
0x7e: {  	[sflag:s4] =	ssyncset.done $0x0  }
0x7f: {  	s26 =	simm.s32 $0x700;
	[sflag:s4] =	ssyncadd.s32 $0xFFFFC000  }
0x80: {  	[tilespmem:s6], [sflag:$0x1] =	stream.indirect.gather [hbm4b:s2+s5], $0x80, s26, s5, $0xb8;
	[tilespmem:$0x8800] =	vst v63  }
0x81: {  	_ =	swait.ge [sflag:s10], $0x4000  }
0x82: {  	[sflag:s10] =	ssyncset.done $0x0  }
0x83: {  	s28 =	sadd.s32 $0xD000, s31;
	[sflag:s10] =	ssyncadd.s32 $0xFFFFC000  }
0x84: {  	[hbm4b:s28+s3] =	stream.linear.scatter [tilespmem:s7], [sflag:$0x3], $0x4000, $0x38;
	[tilespmem:$0x8800] =	vst v63  }
0x85: {  	_ =	swait.ge [sflag:s4], $0x4000  }
0x86: {  	[sflag:s4] =	ssyncset.done $0x0  }
0x87: {  	s29 =	simm.s32 $0x780;
	[sflag:s4] =	ssyncadd.s32 $0xFFFFC000  }
0x88: {  	[tilespmem:s7], [sflag:$0x2] =	stream.indirect.gather [hbm4b:s2+s5], $0x80, s29, s5, $0xb8;
	[tilespmem:$0x8800] =	vst v63  }
0x89: {  	_ =	swait.ge [sflag:s8], $0x4000  }
0x8a: {  	s1 =	ssub.s32 $0x2, s1;
	[sflag:s8] =	ssyncset.done $0x0  }
0x8b: {  	s0 =	sshrl.u32 s1, $0x1;
	s30 =	sadd.s32 $0xD800, s31;
	[sflag:s8] =	ssyncadd.s32 $0xFFFFC000  }
0x8c: {  	[hbm4b:s30+s3] =	stream.linear.scatter [tilespmem:s6], [sflag:$0x3], $0x4000, $0x38;
	[tilespmem:$0x8800] =	vst v63  }
0x8d: {  	s0 =	ssub.s32 s1, s0;
	_ =	swait.ge [sflag:s4], $0x4000  }
0x8e: {  	s0 =	smax.u32 s0, $0x1;
	[sflag:s4] =	ssyncset.done $0x0  }
0x8f: {  	p0 =	sne.s32 s0, $0x1;
	[sflag:s4] =	ssyncadd.s32 $0xFFFFC000  }
.Ltmp0:
0x90: {  	_ =	swait.ge [sflag:s10], $0x4000;
	(pc) =	sbr.rel @!p0 .LBB2_2-.Ltmp0, $4  }
0x91: {  	[sflag:s10] =	ssyncset.done $0x0  }
0x92: {  	s31 =	sadd.s32 $0xE000, s31;
	[sflag:s10] =	ssyncadd.s32 $0xFFFFC000  }
0x93: {  	[hbm4b:s31+s3] =	stream.linear.scatter [tilespmem:s7], [sflag:$0x3], $0x4000, $0x38;
	[tilespmem:$0x8800] =	vst v63  }
0x94: {  	s1 =	sadd.s32 $0xFFFFFFFF, s0;
	_ =	swait.ge [sflag:s4], $0x4000  }
.LBB2_1:
0x95: {  	[sflag:s4] =	ssyncset.done $0x0  }
0x96: {  	s0 =	rddreg [dreg:$0x3];
	[sflag:s4] =	ssyncadd.s32 $0xFFFFC000  }
0x97: {  	[tilespmem:s3], [sflag:$0x3] =	stream.linear.gather [hbm4b:s0+s3], $0x800, $0x38;
	[tilespmem:$0x8800] =	vst v63  }
0x98: {  	_ =	swait.ge [sflag:s4], $0x800  }
0x99: {  	[sflag:s4] =	ssyncset.done $0x0  }
0x9a: {  	[sflag:s4] =	ssyncadd.s32 $0xFFFFF800  }
0x9b: {  	[tilespmem:s6], [sflag:$0x1] =	stream.indirect.gather [hbm4b:s2+s5], $0x80, s3, s5, $0xb8;
	[tilespmem:$0x8800] =	vst v63  }
0x9c: {  	_ = 	snop  }
0x9d: {  	[tilespmem:s7], [sflag:$0x2] =	stream.indirect.gather [hbm4b:s2+s5], $0x80, s5, s5, $0xb8;
	[tilespmem:$0x8800] =	vst v63  }
0x9e: {  	_ =	swait.ge [sflag:s8], $0x4000  }
0x9f: {  	[sflag:s8] =	ssyncset.done $0x0  }
0xa0: {  	s0 =	rddreg [dreg:$0x4];
	[sflag:s8] =	ssyncadd.s32 $0xFFFFC000  }
0xa1: {  	[hbm4b:s0+s3] =	stream.linear.scatter [tilespmem:s6], [sflag:$0x3], $0x4000, $0x38;
	[tilespmem:$0x8800] =	vst v63  }
0xa2: {  	_ =	swait.ge [sflag:s4], $0x4000  }
0xa3: {  	[sflag:s4] =	ssyncset.done $0x0  }
0xa4: {  	[sflag:s4] =	ssyncadd.s32 $0xFFFFC000  }
0xa5: {  	[tilespmem:s6], [sflag:$0x1] =	stream.indirect.gather [hbm4b:s2+s5], $0x80, s9, s5, $0xb8;
	[tilespmem:$0x8800] =	vst v63  }
0xa6: {  	_ =	swait.ge [sflag:s10], $0x4000  }
0xa7: {  	[sflag:s10] =	ssyncset.done $0x0  }
0xa8: {  	s0 =	rddreg [dreg:$0x5];
	[sflag:s10] =	ssyncadd.s32 $0xFFFFC000  }
0xa9: {  	[hbm4b:s0+s3] =	stream.linear.scatter [tilespmem:s7], [sflag:$0x3], $0x4000, $0x38;
	[tilespmem:$0x8800] =	vst v63  }
0xaa: {  	_ =	swait.ge [sflag:s4], $0x4000  }
0xab: {  	[sflag:s4] =	ssyncset.done $0x0  }
0xac: {  	[sflag:s4] =	ssyncadd.s32 $0xFFFFC000  }
0xad: {  	[tilespmem:s7], [sflag:$0x2] =	stream.indirect.gather [hbm4b:s2+s5], $0x80, s11, s5, $0xb8;
	[tilespmem:$0x8800] =	vst v63  }
0xae: {  	_ =	swait.ge [sflag:s8], $0x4000  }
0xaf: {  	[sflag:s8] =	ssyncset.done $0x0  }
0xb0: {  	s0 =	rddreg [dreg:$0x6];
	[sflag:s8] =	ssyncadd.s32 $0xFFFFC000  }
0xb1: {  	[hbm4b:s0+s3] =	stream.linear.scatter [tilespmem:s6], [sflag:$0x3], $0x4000, $0x38;
	[tilespmem:$0x8800] =	vst v63  }
0xb2: {  	_ =	swait.ge [sflag:s4], $0x4000  }
0xb3: {  	[sflag:s4] =	ssyncset.done $0x0  }
0xb4: {  	[sflag:s4] =	ssyncadd.s32 $0xFFFFC000  }
0xb5: {  	[tilespmem:s6], [sflag:$0x1] =	stream.indirect.gather [hbm4b:s2+s5], $0x80, s12, s5, $0xb8;
	[tilespmem:$0x8800] =	vst v63  }
0xb6: {  	_ =	swait.ge [sflag:s10], $0x4000  }
0xb7: {  	[sflag:s10] =	ssyncset.done $0x0  }
0xb8: {  	s0 =	rddreg [dreg:$0x7];
	[sflag:s10] =	ssyncadd.s32 $0xFFFFC000  }
0xb9: {  	[hbm4b:s0+s3] =	stream.linear.scatter [tilespmem:s7], [sflag:$0x3], $0x4000, $0x38;
	[tilespmem:$0x8800] =	vst v63  }
0xba: {  	_ =	swait.ge [sflag:s4], $0x4000  }
0xbb: {  	[sflag:s4] =	ssyncset.done $0x0  }
0xbc: {  	[sflag:s4] =	ssyncadd.s32 $0xFFFFC000  }
0xbd: {  	[tilespmem:s7], [sflag:$0x2] =	stream.indirect.gather [hbm4b:s2+s5], $0x80, s13, s5, $0xb8;
	[tilespmem:$0x8800] =	vst v63  }
0xbe: {  	_ =	swait.ge [sflag:s8], $0x4000  }
0xbf: {  	[sflag:s8] =	ssyncset.done $0x0  }
0xc0: {  	s0 =	rddreg [dreg:$0x8];
	[sflag:s8] =	ssyncadd.s32 $0xFFFFC000  }
0xc1: {  	[hbm4b:s0+s3] =	stream.linear.scatter [tilespmem:s6], [sflag:$0x3], $0x4000, $0x38;
	[tilespmem:$0x8800] =	vst v63  }
0xc2: {  	_ =	swait.ge [sflag:s4], $0x4000  }
0xc3: {  	[sflag:s4] =	ssyncset.done $0x0  }
0xc4: {  	[sflag:s4] =	ssyncadd.s32 $0xFFFFC000  }
0xc5: {  	[tilespmem:s6], [sflag:$0x1] =	stream.indirect.gather [hbm4b:s2+s5], $0x80, s14, s5, $0xb8;
	[tilespmem:$0x8800] =	vst v63  }
0xc6: {  	_ =	swait.ge [sflag:s10], $0x4000  }
0xc7: {  	[sflag:s10] =	ssyncset.done $0x0  }
0xc8: {  	s0 =	rddreg [dreg:$0x9];
	[sflag:s10] =	ssyncadd.s32 $0xFFFFC000  }
0xc9: {  	[hbm4b:s0+s3] =	stream.linear.scatter [tilespmem:s7], [sflag:$0x3], $0x4000, $0x38;
	[tilespmem:$0x8800] =	vst v63  }
0xca: {  	_ =	swait.ge [sflag:s4], $0x4000  }
0xcb: {  	[sflag:s4] =	ssyncset.done $0x0  }
0xcc: {  	[sflag:s4] =	ssyncadd.s32 $0xFFFFC000  }
0xcd: {  	[tilespmem:s7], [sflag:$0x2] =	stream.indirect.gather [hbm4b:s2+s5], $0x80, s15, s5, $0xb8;
	[tilespmem:$0x8800] =	vst v63  }
0xce: {  	_ =	swait.ge [sflag:s8], $0x4000  }
0xcf: {  	[sflag:s8] =	ssyncset.done $0x0  }
0xd0: {  	s0 =	rddreg [dreg:$0xa];
	[sflag:s8] =	ssyncadd.s32 $0xFFFFC000  }
0xd1: {  	[hbm4b:s0+s3] =	stream.linear.scatter [tilespmem:s6], [sflag:$0x3], $0x4000, $0x38;
	[tilespmem:$0x8800] =	vst v63  }
0xd2: {  	_ =	swait.ge [sflag:s4], $0x4000  }
0xd3: {  	[sflag:s4] =	ssyncset.done $0x0  }
0xd4: {  	[sflag:s4] =	ssyncadd.s32 $0xFFFFC000  }
0xd5: {  	[tilespmem:s6], [sflag:$0x1] =	stream.indirect.gather [hbm4b:s2+s5], $0x80, s16, s5, $0xb8;
	[tilespmem:$0x8800] =	vst v63  }
0xd6: {  	_ =	swait.ge [sflag:s10], $0x4000  }
0xd7: {  	[sflag:s10] =	ssyncset.done $0x0  }
0xd8: {  	s0 =	rddreg [dreg:$0xb];
	[sflag:s10] =	ssyncadd.s32 $0xFFFFC000  }
0xd9: {  	[hbm4b:s0+s3] =	stream.linear.scatter [tilespmem:s7], [sflag:$0x3], $0x4000, $0x38;
	[tilespmem:$0x8800] =	vst v63  }
0xda: {  	_ =	swait.ge [sflag:s4], $0x4000  }
0xdb: {  	[sflag:s4] =	ssyncset.done $0x0  }
0xdc: {  	[sflag:s4] =	ssyncadd.s32 $0xFFFFC000  }
0xdd: {  	[tilespmem:s7], [sflag:$0x2] =	stream.indirect.gather [hbm4b:s2+s5], $0x80, s17, s5, $0xb8;
	[tilespmem:$0x8800] =	vst v63  }
0xde: {  	_ =	swait.ge [sflag:s8], $0x4000  }
0xdf: {  	[sflag:s8] =	ssyncset.done $0x0  }
0xe0: {  	s0 =	rddreg [dreg:$0xc];
	[sflag:s8] =	ssyncadd.s32 $0xFFFFC000  }
0xe1: {  	[hbm4b:s0+s3] =	stream.linear.scatter [tilespmem:s6], [sflag:$0x3], $0x4000, $0x38;
	[tilespmem:$0x8800] =	vst v63  }
0xe2: {  	_ =	swait.ge [sflag:s4], $0x4000  }
0xe3: {  	[sflag:s4] =	ssyncset.done $0x0  }
0xe4: {  	[sflag:s4] =	ssyncadd.s32 $0xFFFFC000  }
0xe5: {  	[tilespmem:s6], [sflag:$0x1] =	stream.indirect.gather [hbm4b:s2+s5], $0x80, s18, s5, $0xb8;
	[tilespmem:$0x8800] =	vst v63  }
0xe6: {  	_ =	swait.ge [sflag:s10], $0x4000  }
0xe7: {  	[sflag:s10] =	ssyncset.done $0x0  }
0xe8: {  	[sflag:s10] =	ssyncadd.s32 $0xFFFFC000  }
0xe9: {  	[hbm4b:s19+s3] =	stream.linear.scatter [tilespmem:s7], [sflag:$0x3], $0x4000, $0x38;
	[tilespmem:$0x8800] =	vst v63  }
0xea: {  	_ =	swait.ge [sflag:s4], $0x4000  }
0xeb: {  	[sflag:s4] =	ssyncset.done $0x0  }
0xec: {  	[sflag:s4] =	ssyncadd.s32 $0xFFFFC000  }
0xed: {  	[tilespmem:s7], [sflag:$0x2] =	stream.indirect.gather [hbm4b:s2+s5], $0x80, s20, s5, $0xb8;
	[tilespmem:$0x8800] =	vst v63  }
0xee: {  	_ =	swait.ge [sflag:s8], $0x4000  }
0xef: {  	[sflag:s8] =	ssyncset.done $0x0  }
0xf0: {  	[sflag:s8] =	ssyncadd.s32 $0xFFFFC000  }
0xf1: {  	[hbm4b:s21+s3] =	stream.linear.scatter [tilespmem:s6], [sflag:$0x3], $0x4000, $0x38;
	[tilespmem:$0x8800] =	vst v63  }
0xf2: {  	_ =	swait.ge [sflag:s4], $0x4000  }
0xf3: {  	[sflag:s4] =	ssyncset.done $0x0  }
0xf4: {  	[sflag:s4] =	ssyncadd.s32 $0xFFFFC000  }
0xf5: {  	[tilespmem:s6], [sflag:$0x1] =	stream.indirect.gather [hbm4b:s2+s5], $0x80, s22, s5, $0xb8;
	[tilespmem:$0x8800] =	vst v63  }
0xf6: {  	_ =	swait.ge [sflag:s10], $0x4000  }
0xf7: {  	[sflag:s10] =	ssyncset.done $0x0  }
0xf8: {  	[sflag:s10] =	ssyncadd.s32 $0xFFFFC000  }
0xf9: {  	[hbm4b:s23+s3] =	stream.linear.scatter [tilespmem:s7], [sflag:$0x3], $0x4000, $0x38;
	[tilespmem:$0x8800] =	vst v63  }
0xfa: {  	_ =	swait.ge [sflag:s4], $0x4000  }
0xfb: {  	[sflag:s4] =	ssyncset.done $0x0  }
0xfc: {  	[sflag:s4] =	ssyncadd.s32 $0xFFFFC000  }
0xfd: {  	[tilespmem:s7], [sflag:$0x2] =	stream.indirect.gather [hbm4b:s2+s5], $0x80, s24, s5, $0xb8;
	[tilespmem:$0x8800] =	vst v63  }
0xfe: {  	_ =	swait.ge [sflag:s8], $0x4000  }
0xff: {  	[sflag:s8] =	ssyncset.done $0x0  }
0x100: {  	[sflag:s8] =	ssyncadd.s32 $0xFFFFC000  }
0x101: {  	[hbm4b:s25+s3] =	stream.linear.scatter [tilespmem:s6], [sflag:$0x3], $0x4000, $0x38;
	[tilespmem:$0x8800] =	vst v63  }
0x102: {  	_ =	swait.ge [sflag:s4], $0x4000  }
0x103: {  	[sflag:s4] =	ssyncset.done $0x0  }
0x104: {  	[sflag:s4] =	ssyncadd.s32 $0xFFFFC000  }
0x105: {  	[tilespmem:s6], [sflag:$0x1] =	stream.indirect.gather [hbm4b:s2+s5], $0x80, s26, s5, $0xb8;
	[tilespmem:$0x8800] =	vst v63  }
0x106: {  	_ =	swait.ge [sflag:s10], $0x4000  }
0x107: {  	[sflag:s10] =	ssyncset.done $0x0  }
0x108: {  	[sflag:s10] =	ssyncadd.s32 $0xFFFFC000  }
0x109: {  	[hbm4b:s28+s3] =	stream.linear.scatter [tilespmem:s7], [sflag:$0x3], $0x4000, $0x38;
	[tilespmem:$0x8800] =	vst v63  }
0x10a: {  	_ =	swait.ge [sflag:s4], $0x4000  }
0x10b: {  	[sflag:s4] =	ssyncset.done $0x0  }
0x10c: {  	[sflag:s4] =	ssyncadd.s32 $0xFFFFC000  }
0x10d: {  	[tilespmem:s7], [sflag:$0x2] =	stream.indirect.gather [hbm4b:s2+s5], $0x80, s29, s5, $0xb8;
	[tilespmem:$0x8800] =	vst v63  }
0x10e: {  	_ =	swait.ge [sflag:s8], $0x4000  }
0x10f: {  	[sflag:s8] =	ssyncset.done $0x0  }
0x110: {  	[sflag:s8] =	ssyncadd.s32 $0xFFFFC000  }
0x111: {  	[hbm4b:s30+s3] =	stream.linear.scatter [tilespmem:s6], [sflag:$0x3], $0x4000, $0x38;
	[tilespmem:$0x8800] =	vst v63  }
0x112: {  	_ =	swait.ge [sflag:s4], $0x4000  }
0x113: {  	[sflag:s4] =	ssyncset.done $0x0  }
0x114: {  	p0 =	sne.s32 s1, $0x1;
	[sflag:s4] =	ssyncadd.s32 $0xFFFFC000  }
.Ltmp1:
0x115: {  	_ =	swait.ge [sflag:s10], $0x4000;
	(pc) =	sbr.rel @p0 .LBB2_1-.Ltmp1, $4  }
0x116: {  	[sflag:s10] =	ssyncset.done $0x0  }
0x117: {  	[sflag:s10] =	ssyncadd.s32 $0xFFFFC000  }
0x118: {  	[hbm4b:s31+s3] =	stream.linear.scatter [tilespmem:s7], [sflag:$0x3], $0x4000, $0x38;
	[tilespmem:$0x8800] =	vst v63  }
0x119: {  	s1 =	sadd.s32 $0xFFFFFFFF, s1;
	_ =	swait.ge [sflag:s4], $0x4000  }
.LBB2_2:
0x11a: {  	[sflag:s4] =	ssyncset.done $0x0  }
0x11b: {  	[sflag:s4] =	ssyncadd.s32 $0xFFFFC000  }
0x11c: {  	_ =	sfence.sel $0x180000  }
0x11d: {  	[bflag:$0x0] =	sbarrier.arrive $0xFFFF  }
0x11e: {  	_ =	strace $0x90000050  }
0x11f: {  	s0 =	stileid.u32;
	[bflag:$0x2] =	sbarrier.arrive $0xFFFF  }
0x120: {  	p0 =	sne.s32 s0, $0x0;
	s0 =	rddreg [dreg:$0x2]  }
0x121: {  	s0 =	sadd.s32 @!p0 $0x100000, s0  }
0x122: {  	[sflag:s0] =	ssyncadd.tile.s32 @!p0 $0x1;
	_ =	shalt  }
.Lfunc_end2:
_tile_overlayer_lowered:
.L_overlay_start_2:
0x123: {  	(tag) =	ssettag $0x2  }
0x124: {  	s0 =	rddreg [dreg:$0x0];
	s2 =	stileid.u32  }
0x125: {  	s1 =	rddreg [dreg:$0x1];
	p0 =	sne.s32 s2, $0x0  }
0x126: {  	s3 =	rddreg [dreg:$0x2];
	[bflag:$0x3] =	sbarrier.arrive $0xFFFF;
	s2 =	simm.s32 @!p0 $0x1C03  }
0x127: {  	[timem:s3], [sflag:s2] =	dma.local @!p0 [hbm:s0], s1  }
0x128: {  	s0 =	simm.s32 @!p0 $0x3  }
0x129: {  	_ =	swait.ge @!p0 [sflag:s0], s1  }
0x12a: {  	s1 =	ssub.s32 @!p0 $0x0, s1;
	[sflag:s0] =	ssyncset.done @!p0 $0x0  }
0x12b: {  	[sflag:s0] =	ssyncadd.s32 @!p0 s1  }
0x12c: {  	[bflag:$0x3] =	sbarrier.arrive $0xFFFF  }
0x12d: {  	_ =	shalt  }

</sc_bundles>
